<compile_context>
chip_gen: v7x
topology: tpu7x:2x2x1
jax: 0.10.2.dev20260603
libtpu: 0.0.44.dev20260713+nightly
codegen_flags: <defaults>
</compile_context>

<pallas_src>
import functools

import jax
import jax.numpy as jnp
from jax import lax
from jax.experimental import pallas as pl
from jax.experimental.pallas import tpu as pltpu
from jax.experimental.pallas import tpu_sc as plsc

N = 10000
NPAD = 10240
E = 320000
D = 128
DH = D // 2
NC = 2
NS = 16
NW = NC * NS
EW = E // NW
ET = E // NS
C = 125
NCH = ET // C
RPT = NPAD // NS

_mesh = plsc.VectorSubcoreMesh(core_axis_name="c", subcore_axis_name="s")


@functools.partial(
    pl.kernel,
    out_type=jax.ShapeDtypeStruct((NW, NPAD), jnp.float32),
    mesh=_mesh,
    scratch_types=[
        pltpu.VMEM((EW,), jnp.int32),
        pltpu.VMEM((NPAD,), jnp.float32),
    ],
    compiler_params=pltpu.CompilerParams(needs_layout_passes=False),
)
def _sc_degree(dst_hbm, out_hbm, dst_v, hist_v):
    c = lax.axis_index("c")
    s = lax.axis_index("s")
    wid = s * NC + c
    pltpu.sync_copy(dst_hbm.at[wid], dst_v)
    zeros = jnp.zeros((16,), jnp.float32)

    def zbody(i, carry):
        hist_v[pl.ds(i * 16, 16)] = zeros
        return carry

    lax.fori_loop(0, NPAD // 16, zbody, 0)
    ones = jnp.ones((16,), jnp.float32)

    def hbody(i, carry):
        idx = dst_v[pl.ds(i * 16, 16)]
        plsc.addupdate_scatter(hist_v, [idx], ones)
        return carry

    lax.fori_loop(0, EW // 16, hbody, 0)
    pltpu.sync_copy(hist_v, out_hbm.at[wid])


@functools.partial(
    pl.kernel,
    out_type=jax.ShapeDtypeStruct((NC, NPAD, DH), jnp.bfloat16),
    mesh=_mesh,
    scratch_types=[
        pltpu.VMEM((NCH, C), jnp.int32),
        pltpu.VMEM((NCH, C), jnp.int32),
        pltpu.VMEM((C, DH), jnp.bfloat16),
        pltpu.VMEM((C, DH), jnp.bfloat16),
        pltpu.VMEM((C, DH), jnp.bfloat16),
        pltpu.VMEM((C, DH), jnp.bfloat16),
        pltpu.VMEM((C, DH), jnp.bfloat16),
        pltpu.VMEM((C, DH), jnp.bfloat16),
        pltpu.VMEM((C, DH), jnp.bfloat16),
        pltpu.VMEM((C, DH), jnp.bfloat16),
        pltpu.VMEM_SHARED((NPAD, DH), jnp.bfloat16),
        pltpu.SemaphoreType.DMA,
    ],
    compiler_params=pltpu.CompilerParams(
        needs_layout_passes=False, use_tc_tiling_on_sc=False),
)
def _sc_aggregate(table_hbm, sd_hbm, zeros_hbm, out_hbm,
                  src_v, dst_v, rows_a, rows_b, rows_c, rows_d,
                  rows_e, rows_f, rows_g, rows_h, acc_sh, sem):
    c = lax.axis_index("c")
    s = lax.axis_index("s")
    r0 = s * RPT
    pltpu.sync_copy(zeros_hbm.at[pl.ds(r0, RPT)], acc_sh.at[pl.ds(r0, RPT)])
    pltpu.sync_copy(sd_hbm.at[c, s, 0], src_v)
    pltpu.sync_copy(sd_hbm.at[c, s, 1], dst_v)
    plsc.subcore_barrier()

    NB = 8
    bufs = (rows_a, rows_b, rows_c, rows_d, rows_e, rows_f, rows_g, rows_h)
    for k in range(NB - 1):
        pltpu.async_copy(table_hbm.at[src_v.at[k]], bufs[k], sem)

    def body(g, carry):
        j0 = g * NB
        for k in range(NB):
            j = j0 + k
            buf = bufs[k]
            pltpu.make_async_copy(
                table_hbm.at[src_v.at[j]], buf, sem).wait()

            @pl.when(j + NB - 1 < NCH)
            def _():
                pltpu.async_copy(
                    table_hbm.at[src_v.at[j + NB - 1]],
                    bufs[(k + NB - 1) % NB], sem)

            pltpu.sync_copy(buf, acc_sh.at[dst_v.at[j]], add=True)
        return carry

    lax.fori_loop(0, NCH // NB, body, 0)
    plsc.subcore_barrier()
    pltpu.sync_copy(acc_sh.at[pl.ds(r0, RPT)], out_hbm.at[c, pl.ds(r0, RPT)])


def _tc_prep(degp):

    def body(degp_ref, dinv_ref):
        deg = jnp.sum(degp_ref[...], axis=0) + 1.0
        dinv_ref[...] = lax.rsqrt(deg)

    return pl.pallas_call(
        body,
        out_shape=jax.ShapeDtypeStruct((NPAD // D, D), jnp.float32),
    )(degp)


BR = 1024
GR = NPAD // BR

_row_spec = pl.BlockSpec((BR, D), lambda i: (i, 0))
_dv_spec = pl.BlockSpec((BR, 1), lambda i: (i, 0))
_w_spec = pl.BlockSpec((D, D), lambda i: (0, 0))
_b_spec = pl.BlockSpec((1, D), lambda i: (0, 0))
_sp_spec = pl.BlockSpec((NC, BR, DH), lambda i: (0, i, 0))
_row_ty = jax.ShapeDtypeStruct((NPAD, D), jnp.float32)
_sp_ty = jax.ShapeDtypeStruct((NC, NPAD, DH), jnp.bfloat16)


def _split(v):
    return v[:, :DH], v[:, DH:]


def _tc_mm1(x, dinv_col, Wg1, Wm1, bm1):
    def body(x_ref, dv_ref, wg_ref, wm_ref, bm_ref, t1_ref, zm1_ref):
        xb = x_ref[...]
        t1 = jnp.dot(xb, wg_ref[...],
                     preferred_element_type=jnp.float32) * dv_ref[...]
        lo, hi = _split(t1.astype(jnp.bfloat16))
        t1_ref[0] = lo
        t1_ref[1] = hi
        zm1_ref[...] = jnp.maximum(
            jnp.dot(xb, wm_ref[...], preferred_element_type=jnp.float32)
            + bm_ref[...], 0.0)

    return pl.pallas_call(
        body,
        grid=(GR,),
        in_specs=[_row_spec, _dv_spec, _w_spec, _w_spec, _b_spec],
        out_specs=[_sp_spec, _row_spec],
        out_shape=[_sp_ty, _row_ty],
    )(x, dinv_col, Wg1, Wm1, bm1)


def _tc_mm2(P, t1, dinv_col, bg1, Wg2):
    def body(p_ref, t1_ref, dv_ref, bg_ref, w_ref, t2_ref):
        agg = jnp.concatenate(
            [p_ref[0] + t1_ref[0], p_ref[1] + t1_ref[1]],
            axis=-1).astype(jnp.float32)
        zg = jnp.maximum(agg * dv_ref[...] + bg_ref[...], 0.0)
        t2 = jnp.dot(zg, w_ref[...],
                     preferred_element_type=jnp.float32) * dv_ref[...]
        lo, hi = _split(t2.astype(jnp.bfloat16))
        t2_ref[0] = lo
        t2_ref[1] = hi

    return pl.pallas_call(
        body,
        grid=(GR,),
        in_specs=[_sp_spec, _sp_spec, _dv_spec, _b_spec, _w_spec],
        out_specs=_sp_spec,
        out_shape=_sp_ty,
    )(P, t1, dinv_col, bg1, Wg2)


def _tc_mm3(Q, t2, dinv_col, bg2, zm1, Wm2, bm2):
    def body(q_ref, t2_ref, dv_ref, bg_ref, zm1_ref, wm_ref, bm_ref, o_ref):
        agg = jnp.concatenate(
            [q_ref[0] + t2_ref[0], q_ref[1] + t2_ref[1]],
            axis=-1).astype(jnp.float32)
        zg2 = agg * dv_ref[...] + bg_ref[...]
        zm2 = jnp.dot(zm1_ref[...], wm_ref[...],
                      preferred_element_type=jnp.float32) + bm_ref[...]
        o_ref[...] = 0.5 * zg2 + 0.5 * zm2

    return pl.pallas_call(
        body,
        grid=(GR,),
        in_specs=[_sp_spec, _sp_spec, _dv_spec, _b_spec, _row_spec,
                  _w_spec, _b_spec],
        out_specs=_row_spec,
        out_shape=_row_ty,
    )(Q, t2, dinv_col, bg2, zm1, Wm2, bm2)


def kernel(x, edge_index, Wg1, bg1, Wg2, bg2, Wm1, bm1, Wm2, bm2):
    src_r = edge_index[0].reshape(NS, NCH, C)
    dst_r = edge_index[1].reshape(NS, NCH, C)
    sd = jnp.stack([
        jnp.stack([src_r, dst_r], axis=1),
        jnp.stack([src_r + NPAD, dst_r], axis=1),
    ], axis=0)
    dstw = edge_index[1].reshape(NW, EW)
    xpad = jnp.pad(x, ((0, NPAD - N), (0, 0)))
    zeros = jnp.zeros((NPAD, DH), jnp.bfloat16)

    degp = _sc_degree(dstw)
    dinv = _tc_prep(degp.reshape(NW, NPAD // D, D))
    dinv_col = dinv.reshape(NPAD, 1)

    t1, zm1 = _tc_mm1(xpad, dinv_col, Wg1, Wm1, bm1.reshape(1, D))
    P = _sc_aggregate(t1.reshape(NC * NPAD, DH), sd, zeros)
    t2 = _tc_mm2(P, t1, dinv_col, bg1.reshape(1, D), Wg2)
    Q = _sc_aggregate(t2.reshape(NC * NPAD, DH), sd, zeros)
    out = _tc_mm3(Q, t2, dinv_col, bg2.reshape(1, D), zm1,
                  Wm2, bm2.reshape(1, D))
    return out[:N]

# --- scband reference (transcript-rebuilt; emitter-appended) ---
"""Pipeline reference for scband-naive-fusion-gnn-24481313587803 (READ-ONLY COPY).

The authoritative reference and input builder live on the scoring server;
editing this copy changes nothing except your own understanding.
"""

import jax, jax.numpy as jnp
import numpy as np

N = 10000
E = 320000
D_IN = 128
D_HID = 128
D_OUT = 128


def setup_inputs(seed: int = 0) -> dict:
    key = jax.random.key(seed)
    ks = jax.random.split(key, 12)
    x = jax.random.normal(ks[0], (N, D_IN), dtype=jnp.float32)
    edge_index = jax.random.randint(ks[1], (2, E), 0, N, dtype=jnp.int32)
    # GCN branch params (PyG GCNConv: linear without bias, separate bias added after aggregation)
    Wg1 = jax.random.normal(ks[2], (D_IN, D_HID), dtype=jnp.float32) * 0.05
    bg1 = jnp.zeros((D_HID,), dtype=jnp.float32)
    Wg2 = jax.random.normal(ks[3], (D_HID, D_OUT), dtype=jnp.float32) * 0.05
    bg2 = jnp.zeros((D_OUT,), dtype=jnp.float32)
    # MLP branch params (nn.Linear, stored as [in, out])
    Wm1 = jax.random.normal(ks[4], (D_IN, D_HID), dtype=jnp.float32) * 0.05
    bm1 = jnp.zeros((D_HID,), dtype=jnp.float32)
    Wm2 = jax.random.normal(ks[5], (D_HID, D_OUT), dtype=jnp.float32) * 0.05
    bm2 = jnp.zeros((D_OUT,), dtype=jnp.float32)
    return {"x": x, "edge_index": edge_index, "Wg1": Wg1, "bg1": bg1, "Wg2": Wg2, "bg2": bg2, "Wm1": Wm1, "bm1": bm1, "Wm2": Wm2, "bm2": bm2}


def _gcn_layer(h, src, dst, W, b):
    # PyG GCNConv (default: add_self_loops=True, normalize=True)
    num_nodes = h.shape[0]
    loop = jnp.arange(num_nodes, dtype=src.dtype)
    src_f = jnp.concatenate([src, loop])
    dst_f = jnp.concatenate([dst, loop])
    deg = jnp.zeros((num_nodes,), dtype=h.dtype).at[dst_f].add(1.0)
    dinv = jnp.where(deg > 0, jax.lax.rsqrt(deg), 0.0)
    norm = dinv[src_f] * dinv[dst_f]
    hw = h @ W
    msg = hw[src_f] * norm[:, None]
    out = jax.ops.segment_sum(msg, dst_f, num_segments=num_nodes)
    return out + b


def reference(x, edge_index, Wg1, bg1, Wg2, bg2, Wm1, bm1, Wm2, bm2):
    src = edge_index[0]
    dst = edge_index[1]
    # StructureOnlyGNN branch (2-layer GCN, eval mode -> dropout is identity)
    zg = _gcn_layer(x, src, dst, Wg1, bg1)
    zg = jax.nn.relu(zg)
    zg = _gcn_layer(zg, src, dst, Wg2, bg2)
    # FeatureOnlyMLP branch
    zm = jax.nn.relu(x @ Wm1 + bm1)
    zm = zm @ Wm2 + bm2
    fusion_weight = 0.5
    return fusion_weight * zg + (1.0 - fusion_weight) * zm

if __name__ == "__main__":
    import jax
    _d = setup_inputs()
    print(jax.jit(kernel)(*tuple(_d.values())))

</pallas_src>

<mosaic_0001>
#map = affine_map<(d0, d1) -> (0, 0)>
module attributes {stable_mosaic.version = 14 : i64} {
  func.func @_sc_degree(%arg0: i32, %arg1: i32, %arg2: memref<32x10000xi32, #tpu.memory_space<hbm>>, %arg3: memref<32x10240xf32, #tpu.memory_space<hbm>>, %arg4: memref<10000xi32, #tpu.memory_space<vmem>>, %arg5: memref<10240xf32, #tpu.memory_space<vmem>>) attributes {dimension_semantics = [#tpu.dimension_semantics<core_parallel>, #tpu.dimension_semantics<subcore_parallel>], iteration_bounds = array<i64: 2, 16>, scalar_prefetch = 0 : i64, scratch_operands = 2 : i64, tpu.core_type = #tpu.core_type<sc_vector_subcore>, window_params = [{transform_indices = #map}, {transform_indices = #map}]} {
    %mul3A = arith.constant 2 : i32
    %mul3A_0 = arith.muli %arg1, %mul3A : i32
    %add3A = arith.addi %mul3A_0, %arg0 : i32
    "tpu.region"() ({
      %run_scoped3A = tpu.sem_alloc : memref<!tpu.dma_semaphore, #tpu.memory_space<semaphore_mem>>
      %dma_start3A = arith.constant 0 : i32
      %dma_start3A_15 = tpu.memref_slice %arg2[%add3A, %dma_start3A] : memref<32x10000xi32, #tpu.memory_space<hbm>> -> memref<1x10000xi32, #tpu.memory_space<hbm>>
      %dma_start3A_16 = tpu.memref_squeeze %dma_start3A_15 : memref<1x10000xi32, #tpu.memory_space<hbm>> -> memref<10000xi32, #tpu.memory_space<hbm>>
      %dma_start3A_17 = arith.constant 0 : i32
      %dma_start3A_18 = tpu.memref_slice %arg2[%add3A, %dma_start3A_17] : memref<32x10000xi32, #tpu.memory_space<hbm>> -> memref<1x10000xi32, #tpu.memory_space<hbm>>
      %dma_start3A_19 = tpu.memref_squeeze %dma_start3A_18 : memref<1x10000xi32, #tpu.memory_space<hbm>> -> memref<10000xi32, #tpu.memory_space<hbm>>
      tpu.enqueue_dma source(%dma_start3A_19 : memref<10000xi32, #tpu.memory_space<hbm>>) target(%arg4 : memref<10000xi32, #tpu.memory_space<vmem>>) target_semaphore(%run_scoped3A : memref<!tpu.dma_semaphore, #tpu.memory_space<semaphore_mem>>)
      %dma_wait3A = arith.constant 0 : i32
      %dma_wait3A_20 = tpu.memref_slice %arg2[%add3A, %dma_wait3A] : memref<32x10000xi32, #tpu.memory_space<hbm>> -> memref<1x10000xi32, #tpu.memory_space<hbm>>
      %dma_wait3A_21 = tpu.memref_squeeze %dma_wait3A_20 : memref<1x10000xi32, #tpu.memory_space<hbm>> -> memref<10000xi32, #tpu.memory_space<hbm>>
      %dma_wait3A_22 = arith.constant 0 : i32
      %dma_wait3A_23 = tpu.memref_slice %arg2[%add3A, %dma_wait3A_22] : memref<32x10000xi32, #tpu.memory_space<hbm>> -> memref<1x10000xi32, #tpu.memory_space<hbm>>
      %dma_wait3A_24 = tpu.memref_squeeze %dma_wait3A_23 : memref<1x10000xi32, #tpu.memory_space<hbm>> -> memref<10000xi32, #tpu.memory_space<hbm>>
      tpu.wait_dma2 semaphore(%run_scoped3A : memref<!tpu.dma_semaphore, #tpu.memory_space<semaphore_mem>>) src(%dma_wait3A_24 : memref<10000xi32, #tpu.memory_space<hbm>>) dst(%arg4 : memref<10000xi32, #tpu.memory_space<vmem>>)
      tpu.yield
    }) : () -> ()
    %broadcast_in_dim3A = arith.constant 0.000000e+00 : f32
    %broadcast_in_dim3A_1 = vector.broadcast %broadcast_in_dim3A : f32 to vector<16xf32>
    %scan3A = arith.constant 0 : i32
    %scan3A_2 = arith.constant 0 : i32
    %scan3A_3 = arith.constant 640 : i32
    %scan3A_4 = arith.addi %scan3A_2, %scan3A_3 : i32
    %scan3A_5 = arith.constant 1 : i32
    scf.for %scan3A_15 = %scan3A_2 to %scan3A_4 step %scan3A_5  : i32 {
      %mul3A_16 = arith.constant 16 : i32
      %mul3A_17 = arith.muli %scan3A_15, %mul3A_16 : i32
      %swap3A = arith.index_cast %mul3A_17 : i32 to index
      %swap3A_18 = tpu.vector_load %arg5[%swap3A] {strides = array<i32>} : memref<10240xf32, #tpu.memory_space<vmem>>, vector<16xf32>,
      tpu.vector_store %arg5[%swap3A], %broadcast_in_dim3A_1 {strides = array<i32>} : memref<10240xf32, #tpu.memory_space<vmem>>, vector<16xf32>,
    }
    %scan3A_6 = arith.constant 640 : i32
    %broadcast_in_dim3A_7 = arith.constant 1.000000e+00 : f32
    %broadcast_in_dim3A_8 = vector.broadcast %broadcast_in_dim3A_7 : f32 to vector<16xf32>
    %scan3A_9 = arith.constant 0 : i32
    %scan3A_10 = arith.constant 0 : i32
    %scan3A_11 = arith.constant 625 : i32
    %scan3A_12 = arith.addi %scan3A_10, %scan3A_11 : i32
    %scan3A_13 = arith.constant 1 : i32
    scf.for %scan3A_15 = %scan3A_10 to %scan3A_12 step %scan3A_13  : i32 {
      %mul3A_16 = arith.constant 16 : i32
      %mul3A_17 = arith.muli %scan3A_15, %mul3A_16 : i32
      %get3A = arith.index_cast %mul3A_17 : i32 to index
      %get3A_18 = tpu.vector_load %arg4[%get3A] {strides = array<i32>} : memref<10000xi32, #tpu.memory_space<vmem>>, vector<16xi32>,
      tpu.vector_store_idx %arg5[%get3A_18], %broadcast_in_dim3A_8 {add = true} : memref<10240xf32, #tpu.memory_space<vmem>>[vector<16xi32>], vector<16xf32>,
    }
    %scan3A_14 = arith.constant 625 : i32
    "tpu.region"() ({
      %run_scoped3A = tpu.sem_alloc : memref<!tpu.dma_semaphore, #tpu.memory_space<semaphore_mem>>
      %dma_start3A = arith.constant 0 : i32
      %dma_start3A_15 = tpu.memref_slice %arg3[%add3A, %dma_start3A] : memref<32x10240xf32, #tpu.memory_space<hbm>> -> memref<1x10240xf32, #tpu.memory_space<hbm>>
      %dma_start3A_16 = tpu.memref_squeeze %dma_start3A_15 : memref<1x10240xf32, #tpu.memory_space<hbm>> -> memref<10240xf32, #tpu.memory_space<hbm>>
      %dma_start3A_17 = arith.constant 0 : i32
      %dma_start3A_18 = tpu.memref_slice %arg3[%add3A, %dma_start3A_17] : memref<32x10240xf32, #tpu.memory_space<hbm>> -> memref<1x10240xf32, #tpu.memory_space<hbm>>
      %dma_start3A_19 = tpu.memref_squeeze %dma_start3A_18 : memref<1x10240xf32, #tpu.memory_space<hbm>> -> memref<10240xf32, #tpu.memory_space<hbm>>
      tpu.enqueue_dma source(%arg5 : memref<10240xf32, #tpu.memory_space<vmem>>) target(%dma_start3A_19 : memref<10240xf32, #tpu.memory_space<hbm>>) target_semaphore(%run_scoped3A : memref<!tpu.dma_semaphore, #tpu.memory_space<semaphore_mem>>)
      %dma_wait3A = arith.constant 0 : i32
      %dma_wait3A_20 = tpu.memref_slice %arg3[%add3A, %dma_wait3A] : memref<32x10240xf32, #tpu.memory_space<hbm>> -> memref<1x10240xf32, #tpu.memory_space<hbm>>
      %dma_wait3A_21 = tpu.memref_squeeze %dma_wait3A_20 : memref<1x10240xf32, #tpu.memory_space<hbm>> -> memref<10240xf32, #tpu.memory_space<hbm>>
      %dma_wait3A_22 = arith.constant 0 : i32
      %dma_wait3A_23 = tpu.memref_slice %arg3[%add3A, %dma_wait3A_22] : memref<32x10240xf32, #tpu.memory_space<hbm>> -> memref<1x10240xf32, #tpu.memory_space<hbm>>
      %dma_wait3A_24 = tpu.memref_squeeze %dma_wait3A_23 : memref<1x10240xf32, #tpu.memory_space<hbm>> -> memref<10240xf32, #tpu.memory_space<hbm>>
      tpu.wait_dma2 semaphore(%run_scoped3A : memref<!tpu.dma_semaphore, #tpu.memory_space<semaphore_mem>>) src(%arg5 : memref<10240xf32, #tpu.memory_space<vmem>>) dst(%dma_wait3A_24 : memref<10240xf32, #tpu.memory_space<hbm>>)
      tpu.yield
    }) : () -> ()
    return
  }
}

#map = affine_map<(d0, d1) -> (0, 0)>
#map1 = affine_map<(d0, d1) -> (0, 0, 0, 0, 0)>
#map2 = affine_map<(d0, d1) -> (0, 0, 0)>
module attributes {stable_mosaic.version = 14 : i64} {
  func.func @_sc_aggregate(%arg0: i32, %arg1: i32, %arg2: memref<20480x64xbf16, #tpu.memory_space<hbm>>, %arg3: memref<2x16x2x160x125xi32, #tpu.memory_space<hbm>>, %arg4: memref<10240x64xbf16, #tpu.memory_space<hbm>>, %arg5: memref<2x10240x64xbf16, #tpu.memory_space<hbm>>, %arg6: memref<160x125xi32, #tpu.memory_space<vmem>>, %arg7: memref<160x125xi32, #tpu.memory_space<vmem>>, %arg8: memref<125x64xbf16, #tpu.memory_space<vmem>>, %arg9: memref<125x64xbf16, #tpu.memory_space<vmem>>, %arg10: memref<125x64xbf16, #tpu.memory_space<vmem>>, %arg11: memref<125x64xbf16, #tpu.memory_space<vmem>>, %arg12: memref<125x64xbf16, #tpu.memory_space<vmem>>, %arg13: memref<125x64xbf16, #tpu.memory_space<vmem>>, %arg14: memref<125x64xbf16, #tpu.memory_space<vmem>>, %arg15: memref<125x64xbf16, #tpu.memory_space<vmem>>, %arg16: memref<10240x64xbf16, #tpu.memory_space<vmem_shared>>, %arg17: memref<!tpu.dma_semaphore, #tpu.memory_space<semaphore_mem>>) attributes {dimension_semantics = [#tpu.dimension_semantics<core_parallel>, #tpu.dimension_semantics<subcore_parallel>], iteration_bounds = array<i64: 2, 16>, scalar_prefetch = 0 : i64, scratch_operands = 12 : i64, tpu.core_type = #tpu.core_type<sc_vector_subcore>, window_params = [{transform_indices = #map}, {transform_indices = #map1}, {transform_indices = #map}, {transform_indices = #map2}]} {
    %mul3A = arith.constant 640 : i32
    %mul3A_0 = arith.muli %arg1, %mul3A : i32
    "tpu.region"() ({
      %run_scoped3A_56 = tpu.sem_alloc : memref<!tpu.dma_semaphore, #tpu.memory_space<semaphore_mem>>
      %dma_start3A_57 = arith.constant 0 : i32
      %dma_start3A_58 = tpu.memref_slice %arg16[%mul3A_0, %dma_start3A_57] : memref<10240x64xbf16, #tpu.memory_space<vmem_shared>> -> memref<640x64xbf16, #tpu.memory_space<vmem_shared>>
      %dma_start3A_59 = arith.constant 0 : i32
      %dma_start3A_60 = tpu.memref_slice %arg4[%mul3A_0, %dma_start3A_59] : memref<10240x64xbf16, #tpu.memory_space<hbm>> -> memref<640x64xbf16, #tpu.memory_space<hbm>>
      tpu.enqueue_dma source(%dma_start3A_60 : memref<640x64xbf16, #tpu.memory_space<hbm>>) target(%dma_start3A_58 : memref<640x64xbf16, #tpu.memory_space<vmem_shared>>) target_semaphore(%run_scoped3A_56 : memref<!tpu.dma_semaphore, #tpu.memory_space<semaphore_mem>>)
      %dma_wait3A = arith.constant 0 : i32
      %dma_wait3A_61 = tpu.memref_slice %arg16[%mul3A_0, %dma_wait3A] : memref<10240x64xbf16, #tpu.memory_space<vmem_shared>> -> memref<640x64xbf16, #tpu.memory_space<vmem_shared>>
      %dma_wait3A_62 = arith.constant 0 : i32
      %dma_wait3A_63 = tpu.memref_slice %arg4[%mul3A_0, %dma_wait3A_62] : memref<10240x64xbf16, #tpu.memory_space<hbm>> -> memref<640x64xbf16, #tpu.memory_space<hbm>>
      tpu.wait_dma2 semaphore(%run_scoped3A_56 : memref<!tpu.dma_semaphore, #tpu.memory_space<semaphore_mem>>) src(%dma_wait3A_63 : memref<640x64xbf16, #tpu.memory_space<hbm>>) dst(%dma_wait3A_61 : memref<640x64xbf16, #tpu.memory_space<vmem_shared>>)
      tpu.yield
    }) : () -> ()
    %run_scoped3A = arith.constant 0 : i32
    "tpu.region"() ({
      %run_scoped3A_56 = tpu.sem_alloc : memref<!tpu.dma_semaphore, #tpu.memory_space<semaphore_mem>>
      %dma_start3A_57 = arith.constant 0 : i32
      %dma_start3A_58 = arith.constant 0 : i32
      %dma_start3A_59 = tpu.memref_slice %arg3[%arg0, %arg1, %run_scoped3A, %dma_start3A_57, %dma_start3A_58] : memref<2x16x2x160x125xi32, #tpu.memory_space<hbm>> -> memref<1x1x1x160x125xi32, #tpu.memory_space<hbm>>
      %dma_start3A_60 = tpu.memref_squeeze %dma_start3A_59 : memref<1x1x1x160x125xi32, #tpu.memory_space<hbm>> -> memref<160x125xi32, #tpu.memory_space<hbm>>
      %dma_start3A_61 = arith.constant 0 : i32
      %dma_start3A_62 = arith.constant 0 : i32
      %dma_start3A_63 = tpu.memref_slice %arg3[%arg0, %arg1, %run_scoped3A, %dma_start3A_61, %dma_start3A_62] : memref<2x16x2x160x125xi32, #tpu.memory_space<hbm>> -> memref<1x1x1x160x125xi32, #tpu.memory_space<hbm>>
      %dma_start3A_64 = tpu.memref_squeeze %dma_start3A_63 : memref<1x1x1x160x125xi32, #tpu.memory_space<hbm>> -> memref<160x125xi32, #tpu.memory_space<hbm>>
      tpu.enqueue_dma source(%dma_start3A_64 : memref<160x125xi32, #tpu.memory_space<hbm>>) target(%arg6 : memref<160x125xi32, #tpu.memory_space<vmem>>) target_semaphore(%run_scoped3A_56 : memref<!tpu.dma_semaphore, #tpu.memory_space<semaphore_mem>>)
      %dma_wait3A = arith.constant 0 : i32
      %dma_wait3A_65 = arith.constant 0 : i32
      %dma_wait3A_66 = tpu.memref_slice %arg3[%arg0, %arg1, %run_scoped3A, %dma_wait3A, %dma_wait3A_65] : memref<2x16x2x160x125xi32, #tpu.memory_space<hbm>> -> memref<1x1x1x160x125xi32, #tpu.memory_space<hbm>>
      %dma_wait3A_67 = tpu.memref_squeeze %dma_wait3A_66 : memref<1x1x1x160x125xi32, #tpu.memory_space<hbm>> -> memref<160x125xi32, #tpu.memory_space<hbm>>
      %dma_wait3A_68 = arith.constant 0 : i32
      %dma_wait3A_69 = arith.constant 0 : i32
      %dma_wait3A_70 = tpu.memref_slice %arg3[%arg0, %arg1, %run_scoped3A, %dma_wait3A_68, %dma_wait3A_69] : memref<2x16x2x160x125xi32, #tpu.memory_space<hbm>> -> memref<1x1x1x160x125xi32, #tpu.memory_space<hbm>>
      %dma_wait3A_71 = tpu.memref_squeeze %dma_wait3A_70 : memref<1x1x1x160x125xi32, #tpu.memory_space<hbm>> -> memref<160x125xi32, #tpu.memory_space<hbm>>
      tpu.wait_dma2 semaphore(%run_scoped3A_56 : memref<!tpu.dma_semaphore, #tpu.memory_space<semaphore_mem>>) src(%dma_wait3A_71 : memref<160x125xi32, #tpu.memory_space<hbm>>) dst(%arg6 : memref<160x125xi32, #tpu.memory_space<vmem>>)
      tpu.yield
    }) : () -> ()
    %run_scoped3A_1 = arith.constant 1 : i32
    "tpu.region"() ({
      %run_scoped3A_56 = tpu.sem_alloc : memref<!tpu.dma_semaphore, #tpu.memory_space<semaphore_mem>>
      %dma_start3A_57 = arith.constant 0 : i32
      %dma_start3A_58 = arith.constant 0 : i32
      %dma_start3A_59 = tpu.memref_slice %arg3[%arg0, %arg1, %run_scoped3A_1, %dma_start3A_57, %dma_start3A_58] : memref<2x16x2x160x125xi32, #tpu.memory_space<hbm>> -> memref<1x1x1x160x125xi32, #tpu.memory_space<hbm>>
      %dma_start3A_60 = tpu.memref_squeeze %dma_start3A_59 : memref<1x1x1x160x125xi32, #tpu.memory_space<hbm>> -> memref<160x125xi32, #tpu.memory_space<hbm>>
      %dma_start3A_61 = arith.constant 0 : i32
      %dma_start3A_62 = arith.constant 0 : i32
      %dma_start3A_63 = tpu.memref_slice %arg3[%arg0, %arg1, %run_scoped3A_1, %dma_start3A_61, %dma_start3A_62] : memref<2x16x2x160x125xi32, #tpu.memory_space<hbm>> -> memref<1x1x1x160x125xi32, #tpu.memory_space<hbm>>
      %dma_start3A_64 = tpu.memref_squeeze %dma_start3A_63 : memref<1x1x1x160x125xi32, #tpu.memory_space<hbm>> -> memref<160x125xi32, #tpu.memory_space<hbm>>
      tpu.enqueue_dma source(%dma_start3A_64 : memref<160x125xi32, #tpu.memory_space<hbm>>) target(%arg7 : memref<160x125xi32, #tpu.memory_space<vmem>>) target_semaphore(%run_scoped3A_56 : memref<!tpu.dma_semaphore, #tpu.memory_space<semaphore_mem>>)
      %dma_wait3A = arith.constant 0 : i32
      %dma_wait3A_65 = arith.constant 0 : i32
      %dma_wait3A_66 = tpu.memref_slice %arg3[%arg0, %arg1, %run_scoped3A_1, %dma_wait3A, %dma_wait3A_65] : memref<2x16x2x160x125xi32, #tpu.memory_space<hbm>> -> memref<1x1x1x160x125xi32, #tpu.memory_space<hbm>>
      %dma_wait3A_67 = tpu.memref_squeeze %dma_wait3A_66 : memref<1x1x1x160x125xi32, #tpu.memory_space<hbm>> -> memref<160x125xi32, #tpu.memory_space<hbm>>
      %dma_wait3A_68 = arith.constant 0 : i32
      %dma_wait3A_69 = arith.constant 0 : i32
      %dma_wait3A_70 = tpu.memref_slice %arg3[%arg0, %arg1, %run_scoped3A_1, %dma_wait3A_68, %dma_wait3A_69] : memref<2x16x2x160x125xi32, #tpu.memory_space<hbm>> -> memref<1x1x1x160x125xi32, #tpu.memory_space<hbm>>
      %dma_wait3A_71 = tpu.memref_squeeze %dma_wait3A_70 : memref<1x1x1x160x125xi32, #tpu.memory_space<hbm>> -> memref<160x125xi32, #tpu.memory_space<hbm>>
      tpu.wait_dma2 semaphore(%run_scoped3A_56 : memref<!tpu.dma_semaphore, #tpu.memory_space<semaphore_mem>>) src(%dma_wait3A_71 : memref<160x125xi32, #tpu.memory_space<hbm>>) dst(%arg7 : memref<160x125xi32, #tpu.memory_space<vmem>>)
      tpu.yield
    }) : () -> ()
    %barrier3A = arith.constant 0 : index
    tpu.barrier barrier_id(%barrier3A)
    %dma_start3A = arith.constant 0 : i32
    %dma_start3A_2 = arith.constant 0 : i32
    %dma_start3A_3 = tpu.memref_slice %arg6[%dma_start3A, %dma_start3A_2] : memref<160x125xi32, #tpu.memory_space<vmem>> -> memref<1x125xi32, #tpu.memory_space<vmem>>
    %dma_start3A_4 = tpu.memref_squeeze %dma_start3A_3 : memref<1x125xi32, #tpu.memory_space<vmem>> -> memref<125xi32, #tpu.memory_space<vmem>>
    %dma_start3A_5 = arith.constant 0 : i32
    %dma_start3A_6 = arith.constant 0 : i32
    %dma_start3A_7 = tpu.memref_slice %arg2[%dma_start3A_5, %dma_start3A_6] : memref<20480x64xbf16, #tpu.memory_space<hbm>> -> memref<20480x64xbf16, #tpu.memory_space<hbm>>
    tpu.enqueue_indirect_dma source(%dma_start3A_7 : memref<20480x64xbf16, #tpu.memory_space<hbm>>) target(%arg8 : memref<125x64xbf16, #tpu.memory_space<vmem>>) offsets(%dma_start3A_4 : memref<125xi32, #tpu.memory_space<vmem>>) semaphore(%arg17 : memref<!tpu.dma_semaphore, #tpu.memory_space<semaphore_mem>>)
    %dma_start3A_8 = arith.constant 1 : i32
    %dma_start3A_9 = arith.constant 0 : i32
    %dma_start3A_10 = tpu.memref_slice %arg6[%dma_start3A_8, %dma_start3A_9] : memref<160x125xi32, #tpu.memory_space<vmem>> -> memref<1x125xi32, #tpu.memory_space<vmem>>
    %dma_start3A_11 = tpu.memref_squeeze %dma_start3A_10 : memref<1x125xi32, #tpu.memory_space<vmem>> -> memref<125xi32, #tpu.memory_space<vmem>>
    %dma_start3A_12 = arith.constant 0 : i32
    %dma_start3A_13 = arith.constant 0 : i32
    %dma_start3A_14 = tpu.memref_slice %arg2[%dma_start3A_12, %dma_start3A_13] : memref<20480x64xbf16, #tpu.memory_space<hbm>> -> memref<20480x64xbf16, #tpu.memory_space<hbm>>
    tpu.enqueue_indirect_dma source(%dma_start3A_14 : memref<20480x64xbf16, #tpu.memory_space<hbm>>) target(%arg9 : memref<125x64xbf16, #tpu.memory_space<vmem>>) offsets(%dma_start3A_11 : memref<125xi32, #tpu.memory_space<vmem>>) semaphore(%arg17 : memref<!tpu.dma_semaphore, #tpu.memory_space<semaphore_mem>>)
    %dma_start3A_15 = arith.constant 2 : i32
    %dma_start3A_16 = arith.constant 0 : i32
    %dma_start3A_17 = tpu.memref_slice %arg6[%dma_start3A_15, %dma_start3A_16] : memref<160x125xi32, #tpu.memory_space<vmem>> -> memref<1x125xi32, #tpu.memory_space<vmem>>
    %dma_start3A_18 = tpu.memref_squeeze %dma_start3A_17 : memref<1x125xi32, #tpu.memory_space<vmem>> -> memref<125xi32, #tpu.memory_space<vmem>>
    %dma_start3A_19 = arith.constant 0 : i32
    %dma_start3A_20 = arith.constant 0 : i32
    %dma_start3A_21 = tpu.memref_slice %arg2[%dma_start3A_19, %dma_start3A_20] : memref<20480x64xbf16, #tpu.memory_space<hbm>> -> memref<20480x64xbf16, #tpu.memory_space<hbm>>
    tpu.enqueue_indirect_dma source(%dma_start3A_21 : memref<20480x64xbf16, #tpu.memory_space<hbm>>) target(%arg10 : memref<125x64xbf16, #tpu.memory_space<vmem>>) offsets(%dma_start3A_18 : memref<125xi32, #tpu.memory_space<vmem>>) semaphore(%arg17 : memref<!tpu.dma_semaphore, #tpu.memory_space<semaphore_mem>>)
    %dma_start3A_22 = arith.constant 3 : i32
    %dma_start3A_23 = arith.constant 0 : i32
    %dma_start3A_24 = tpu.memref_slice %arg6[%dma_start3A_22, %dma_start3A_23] : memref<160x125xi32, #tpu.memory_space<vmem>> -> memref<1x125xi32, #tpu.memory_space<vmem>>
    %dma_start3A_25 = tpu.memref_squeeze %dma_start3A_24 : memref<1x125xi32, #tpu.memory_space<vmem>> -> memref<125xi32, #tpu.memory_space<vmem>>
    %dma_start3A_26 = arith.constant 0 : i32
    %dma_start3A_27 = arith.constant 0 : i32
    %dma_start3A_28 = tpu.memref_slice %arg2[%dma_start3A_26, %dma_start3A_27] : memref<20480x64xbf16, #tpu.memory_space<hbm>> -> memref<20480x64xbf16, #tpu.memory_space<hbm>>
    tpu.enqueue_indirect_dma source(%dma_start3A_28 : memref<20480x64xbf16, #tpu.memory_space<hbm>>) target(%arg11 : memref<125x64xbf16, #tpu.memory_space<vmem>>) offsets(%dma_start3A_25 : memref<125xi32, #tpu.memory_space<vmem>>) semaphore(%arg17 : memref<!tpu.dma_semaphore, #tpu.memory_space<semaphore_mem>>)
    %dma_start3A_29 = arith.constant 4 : i32
    %dma_start3A_30 = arith.constant 0 : i32
    %dma_start3A_31 = tpu.memref_slice %arg6[%dma_start3A_29, %dma_start3A_30] : memref<160x125xi32, #tpu.memory_space<vmem>> -> memref<1x125xi32, #tpu.memory_space<vmem>>
    %dma_start3A_32 = tpu.memref_squeeze %dma_start3A_31 : memref<1x125xi32, #tpu.memory_space<vmem>> -> memref<125xi32, #tpu.memory_space<vmem>>
    %dma_start3A_33 = arith.constant 0 : i32
    %dma_start3A_34 = arith.constant 0 : i32
    %dma_start3A_35 = tpu.memref_slice %arg2[%dma_start3A_33, %dma_start3A_34] : memref<20480x64xbf16, #tpu.memory_space<hbm>> -> memref<20480x64xbf16, #tpu.memory_space<hbm>>
    tpu.enqueue_indirect_dma source(%dma_start3A_35 : memref<20480x64xbf16, #tpu.memory_space<hbm>>) target(%arg12 : memref<125x64xbf16, #tpu.memory_space<vmem>>) offsets(%dma_start3A_32 : memref<125xi32, #tpu.memory_space<vmem>>) semaphore(%arg17 : memref<!tpu.dma_semaphore, #tpu.memory_space<semaphore_mem>>)
    %dma_start3A_36 = arith.constant 5 : i32
    %dma_start3A_37 = arith.constant 0 : i32
    %dma_start3A_38 = tpu.memref_slice %arg6[%dma_start3A_36, %dma_start3A_37] : memref<160x125xi32, #tpu.memory_space<vmem>> -> memref<1x125xi32, #tpu.memory_space<vmem>>
    %dma_start3A_39 = tpu.memref_squeeze %dma_start3A_38 : memref<1x125xi32, #tpu.memory_space<vmem>> -> memref<125xi32, #tpu.memory_space<vmem>>
    %dma_start3A_40 = arith.constant 0 : i32
    %dma_start3A_41 = arith.constant 0 : i32
    %dma_start3A_42 = tpu.memref_slice %arg2[%dma_start3A_40, %dma_start3A_41] : memref<20480x64xbf16, #tpu.memory_space<hbm>> -> memref<20480x64xbf16, #tpu.memory_space<hbm>>
    tpu.enqueue_indirect_dma source(%dma_start3A_42 : memref<20480x64xbf16, #tpu.memory_space<hbm>>) target(%arg13 : memref<125x64xbf16, #tpu.memory_space<vmem>>) offsets(%dma_start3A_39 : memref<125xi32, #tpu.memory_space<vmem>>) semaphore(%arg17 : memref<!tpu.dma_semaphore, #tpu.memory_space<semaphore_mem>>)
    %dma_start3A_43 = arith.constant 6 : i32
    %dma_start3A_44 = arith.constant 0 : i32
    %dma_start3A_45 = tpu.memref_slice %arg6[%dma_start3A_43, %dma_start3A_44] : memref<160x125xi32, #tpu.memory_space<vmem>> -> memref<1x125xi32, #tpu.memory_space<vmem>>
    %dma_start3A_46 = tpu.memref_squeeze %dma_start3A_45 : memref<1x125xi32, #tpu.memory_space<vmem>> -> memref<125xi32, #tpu.memory_space<vmem>>
    %dma_start3A_47 = arith.constant 0 : i32
    %dma_start3A_48 = arith.constant 0 : i32
    %dma_start3A_49 = tpu.memref_slice %arg2[%dma_start3A_47, %dma_start3A_48] : memref<20480x64xbf16, #tpu.memory_space<hbm>> -> memref<20480x64xbf16, #tpu.memory_space<hbm>>
    tpu.enqueue_indirect_dma source(%dma_start3A_49 : memref<20480x64xbf16, #tpu.memory_space<hbm>>) target(%arg14 : memref<125x64xbf16, #tpu.memory_space<vmem>>) offsets(%dma_start3A_46 : memref<125xi32, #tpu.memory_space<vmem>>) semaphore(%arg17 : memref<!tpu.dma_semaphore, #tpu.memory_space<semaphore_mem>>)
    %scan3A = arith.constant 0 : i32
    %scan3A_50 = arith.constant 0 : i32
    %scan3A_51 = arith.constant 20 : i32
    %scan3A_52 = arith.addi %scan3A_50, %scan3A_51 : i32
    %scan3A_53 = arith.constant 1 : i32
    scf.for %scan3A_56 = %scan3A_50 to %scan3A_52 step %scan3A_53  : i32 {
      %mul3A_57 = arith.constant 8 : i32
      %mul3A_58 = arith.muli %scan3A_56, %mul3A_57 : i32
      %add3A = arith.constant 0 : i32
      %add3A_59 = arith.addi %mul3A_58, %add3A : i32
      %dma_wait3A = arith.constant 0 : i32
      %dma_wait3A_60 = tpu.memref_slice %arg6[%add3A_59, %dma_wait3A] : memref<160x125xi32, #tpu.memory_space<vmem>> -> memref<1x125xi32, #tpu.memory_space<vmem>>
      %dma_wait3A_61 = tpu.memref_squeeze %dma_wait3A_60 : memref<1x125xi32, #tpu.memory_space<vmem>> -> memref<125xi32, #tpu.memory_space<vmem>>
      %dma_wait3A_62 = arith.constant 0 : i32
      %dma_wait3A_63 = arith.constant 0 : i32
      %dma_wait3A_64 = tpu.memref_slice %arg2[%dma_wait3A_62, %dma_wait3A_63] : memref<20480x64xbf16, #tpu.memory_space<hbm>> -> memref<20480x64xbf16, #tpu.memory_space<hbm>>
      tpu.wait_indirect_dma semaphore(%arg17 : memref<!tpu.dma_semaphore, #tpu.memory_space<semaphore_mem>>) src(%dma_wait3A_64 : memref<20480x64xbf16, #tpu.memory_space<hbm>>) dst(%arg8 : memref<125x64xbf16, #tpu.memory_space<vmem>>)
      %add3A_65 = arith.constant 8 : i32
      %add3A_66 = arith.addi %add3A_59, %add3A_65 : i32
      %sub3A = arith.constant 1 : i32
      %sub3A_67 = arith.subi %add3A_66, %sub3A : i32
      %lt3A = arith.constant 160 : i32
      %lt3A_68 = arith.cmpi slt, %sub3A_67, %lt3A : i32
      %convert_element_type3A = arith.extui %lt3A_68 : i1 to i32
      %cond3A = arith.constant 0 : i32
      %cond3A_69 = arith.cmpi ne, %convert_element_type3A, %cond3A : i32
      scf.if %cond3A_69 {
        %add3A_189 = arith.constant 8 : i32
        %add3A_190 = arith.addi %add3A_59, %add3A_189 : i32
        %sub3A_191 = arith.constant 1 : i32
        %sub3A_192 = arith.subi %add3A_190, %sub3A_191 : i32
        %dma_start3A_193 = arith.constant 0 : i32
        %dma_start3A_194 = tpu.memref_slice %arg6[%sub3A_192, %dma_start3A_193] : memref<160x125xi32, #tpu.memory_space<vmem>> -> memref<1x125xi32, #tpu.memory_space<vmem>>
        %dma_start3A_195 = tpu.memref_squeeze %dma_start3A_194 : memref<1x125xi32, #tpu.memory_space<vmem>> -> memref<125xi32, #tpu.memory_space<vmem>>
        %dma_start3A_196 = arith.constant 0 : i32
        %dma_start3A_197 = arith.constant 0 : i32
        %dma_start3A_198 = tpu.memref_slice %arg2[%dma_start3A_196, %dma_start3A_197] : memref<20480x64xbf16, #tpu.memory_space<hbm>> -> memref<20480x64xbf16, #tpu.memory_space<hbm>>
        tpu.enqueue_indirect_dma source(%dma_start3A_198 : memref<20480x64xbf16, #tpu.memory_space<hbm>>) target(%arg15 : memref<125x64xbf16, #tpu.memory_space<vmem>>) offsets(%dma_start3A_195 : memref<125xi32, #tpu.memory_space<vmem>>) semaphore(%arg17 : memref<!tpu.dma_semaphore, #tpu.memory_space<semaphore_mem>>)
      } else {
      }
      "tpu.region"() ({
        %run_scoped3A_189 = tpu.sem_alloc : memref<!tpu.dma_semaphore, #tpu.memory_space<semaphore_mem>>
        %dma_start3A_190 = arith.constant 0 : i32
        %dma_start3A_191 = tpu.memref_slice %arg7[%add3A_59, %dma_start3A_190] : memref<160x125xi32, #tpu.memory_space<vmem>> -> memref<1x125xi32, #tpu.memory_space<vmem>>
        %dma_start3A_192 = tpu.memref_squeeze %dma_start3A_191 : memref<1x125xi32, #tpu.memory_space<vmem>> -> memref<125xi32, #tpu.memory_space<vmem>>
        %dma_start3A_193 = arith.constant 0 : i32
        %dma_start3A_194 = arith.constant 0 : i32
        %dma_start3A_195 = tpu.memref_slice %arg16[%dma_start3A_193, %dma_start3A_194] : memref<10240x64xbf16, #tpu.memory_space<vmem_shared>> -> memref<10240x64xbf16, #tpu.memory_space<vmem_shared>>
        tpu.enqueue_indirect_dma source(%arg8 : memref<125x64xbf16, #tpu.memory_space<vmem>>) target(%dma_start3A_195 : memref<10240x64xbf16, #tpu.memory_space<vmem_shared>>) offsets(%dma_start3A_192 : memref<125xi32, #tpu.memory_space<vmem>>) semaphore(%run_scoped3A_189 : memref<!tpu.dma_semaphore, #tpu.memory_space<semaphore_mem>>) {add = true}
        %dma_wait3A_196 = arith.constant 0 : i32
        %dma_wait3A_197 = tpu.memref_slice %arg7[%add3A_59, %dma_wait3A_196] : memref<160x125xi32, #tpu.memory_space<vmem>> -> memref<1x125xi32, #tpu.memory_space<vmem>>
        %dma_wait3A_198 = tpu.memref_squeeze %dma_wait3A_197 : memref<1x125xi32, #tpu.memory_space<vmem>> -> memref<125xi32, #tpu.memory_space<vmem>>
        %dma_wait3A_199 = arith.constant 0 : i32
        %dma_wait3A_200 = arith.constant 0 : i32
        %dma_wait3A_201 = tpu.memref_slice %arg16[%dma_wait3A_199, %dma_wait3A_200] : memref<10240x64xbf16, #tpu.memory_space<vmem_shared>> -> memref<10240x64xbf16, #tpu.memory_space<vmem_shared>>
        tpu.wait_indirect_dma semaphore(%run_scoped3A_189 : memref<!tpu.dma_semaphore, #tpu.memory_space<semaphore_mem>>) src(%arg8 : memref<125x64xbf16, #tpu.memory_space<vmem>>) dst(%dma_wait3A_201 : memref<10240x64xbf16, #tpu.memory_space<vmem_shared>>)
        tpu.yield
      }) : () -> ()
      %add3A_70 = arith.constant 1 : i32
      %add3A_71 = arith.addi %mul3A_58, %add3A_70 : i32
      %dma_wait3A_72 = arith.constant 0 : i32
      %dma_wait3A_73 = tpu.memref_slice %arg6[%add3A_71, %dma_wait3A_72] : memref<160x125xi32, #tpu.memory_space<vmem>> -> memref<1x125xi32, #tpu.memory_space<vmem>>
      %dma_wait3A_74 = tpu.memref_squeeze %dma_wait3A_73 : memref<1x125xi32, #tpu.memory_space<vmem>> -> memref<125xi32, #tpu.memory_space<vmem>>
      %dma_wait3A_75 = arith.constant 0 : i32
      %dma_wait3A_76 = arith.constant 0 : i32
      %dma_wait3A_77 = tpu.memref_slice %arg2[%dma_wait3A_75, %dma_wait3A_76] : memref<20480x64xbf16, #tpu.memory_space<hbm>> -> memref<20480x64xbf16, #tpu.memory_space<hbm>>
      tpu.wait_indirect_dma semaphore(%arg17 : memref<!tpu.dma_semaphore, #tpu.memory_space<semaphore_mem>>) src(%dma_wait3A_77 : memref<20480x64xbf16, #tpu.memory_space<hbm>>) dst(%arg9 : memref<125x64xbf16, #tpu.memory_space<vmem>>)
      %add3A_78 = arith.constant 8 : i32
      %add3A_79 = arith.addi %add3A_71, %add3A_78 : i32
      %sub3A_80 = arith.constant 1 : i32
      %sub3A_81 = arith.subi %add3A_79, %sub3A_80 : i32
      %lt3A_82 = arith.constant 160 : i32
      %lt3A_83 = arith.cmpi slt, %sub3A_81, %lt3A_82 : i32
      %convert_element_type3A_84 = arith.extui %lt3A_83 : i1 to i32
      %cond3A_85 = arith.constant 0 : i32
      %cond3A_86 = arith.cmpi ne, %convert_element_type3A_84, %cond3A_85 : i32
      scf.if %cond3A_86 {
        %add3A_189 = arith.constant 8 : i32
        %add3A_190 = arith.addi %add3A_71, %add3A_189 : i32
        %sub3A_191 = arith.constant 1 : i32
        %sub3A_192 = arith.subi %add3A_190, %sub3A_191 : i32
        %dma_start3A_193 = arith.constant 0 : i32
        %dma_start3A_194 = tpu.memref_slice %arg6[%sub3A_192, %dma_start3A_193] : memref<160x125xi32, #tpu.memory_space<vmem>> -> memref<1x125xi32, #tpu.memory_space<vmem>>
        %dma_start3A_195 = tpu.memref_squeeze %dma_start3A_194 : memref<1x125xi32, #tpu.memory_space<vmem>> -> memref<125xi32, #tpu.memory_space<vmem>>
        %dma_start3A_196 = arith.constant 0 : i32
        %dma_start3A_197 = arith.constant 0 : i32
        %dma_start3A_198 = tpu.memref_slice %arg2[%dma_start3A_196, %dma_start3A_197] : memref<20480x64xbf16, #tpu.memory_space<hbm>> -> memref<20480x64xbf16, #tpu.memory_space<hbm>>
        tpu.enqueue_indirect_dma source(%dma_start3A_198 : memref<20480x64xbf16, #tpu.memory_space<hbm>>) target(%arg8 : memref<125x64xbf16, #tpu.memory_space<vmem>>) offsets(%dma_start3A_195 : memref<125xi32, #tpu.memory_space<vmem>>) semaphore(%arg17 : memref<!tpu.dma_semaphore, #tpu.memory_space<semaphore_mem>>)
      } else {
      }
      "tpu.region"() ({
        %run_scoped3A_189 = tpu.sem_alloc : memref<!tpu.dma_semaphore, #tpu.memory_space<semaphore_mem>>
        %dma_start3A_190 = arith.constant 0 : i32
        %dma_start3A_191 = tpu.memref_slice %arg7[%add3A_71, %dma_start3A_190] : memref<160x125xi32, #tpu.memory_space<vmem>> -> memref<1x125xi32, #tpu.memory_space<vmem>>
        %dma_start3A_192 = tpu.memref_squeeze %dma_start3A_191 : memref<1x125xi32, #tpu.memory_space<vmem>> -> memref<125xi32, #tpu.memory_space<vmem>>
        %dma_start3A_193 = arith.constant 0 : i32
        %dma_start3A_194 = arith.constant 0 : i32
        %dma_start3A_195 = tpu.memref_slice %arg16[%dma_start3A_193, %dma_start3A_194] : memref<10240x64xbf16, #tpu.memory_space<vmem_shared>> -> memref<10240x64xbf16, #tpu.memory_space<vmem_shared>>
        tpu.enqueue_indirect_dma source(%arg9 : memref<125x64xbf16, #tpu.memory_space<vmem>>) target(%dma_start3A_195 : memref<10240x64xbf16, #tpu.memory_space<vmem_shared>>) offsets(%dma_start3A_192 : memref<125xi32, #tpu.memory_space<vmem>>) semaphore(%run_scoped3A_189 : memref<!tpu.dma_semaphore, #tpu.memory_space<semaphore_mem>>) {add = true}
        %dma_wait3A_196 = arith.constant 0 : i32
        %dma_wait3A_197 = tpu.memref_slice %arg7[%add3A_71, %dma_wait3A_196] : memref<160x125xi32, #tpu.memory_space<vmem>> -> memref<1x125xi32, #tpu.memory_space<vmem>>
        %dma_wait3A_198 = tpu.memref_squeeze %dma_wait3A_197 : memref<1x125xi32, #tpu.memory_space<vmem>> -> memref<125xi32, #tpu.memory_space<vmem>>
        %dma_wait3A_199 = arith.constant 0 : i32
        %dma_wait3A_200 = arith.constant 0 : i32
        %dma_wait3A_201 = tpu.memref_slice %arg16[%dma_wait3A_199, %dma_wait3A_200] : memref<10240x64xbf16, #tpu.memory_space<vmem_shared>> -> memref<10240x64xbf16, #tpu.memory_space<vmem_shared>>
        tpu.wait_indirect_dma semaphore(%run_scoped3A_189 : memref<!tpu.dma_semaphore, #tpu.memory_space<semaphore_mem>>) src(%arg9 : memref<125x64xbf16, #tpu.memory_space<vmem>>) dst(%dma_wait3A_201 : memref<10240x64xbf16, #tpu.memory_space<vmem_shared>>)
        tpu.yield
      }) : () -> ()
      %add3A_87 = arith.constant 2 : i32
      %add3A_88 = arith.addi %mul3A_58, %add3A_87 : i32
      %dma_wait3A_89 = arith.constant 0 : i32
      %dma_wait3A_90 = tpu.memref_slice %arg6[%add3A_88, %dma_wait3A_89] : memref<160x125xi32, #tpu.memory_space<vmem>> -> memref<1x125xi32, #tpu.memory_space<vmem>>
      %dma_wait3A_91 = tpu.memref_squeeze %dma_wait3A_90 : memref<1x125xi32, #tpu.memory_space<vmem>> -> memref<125xi32, #tpu.memory_space<vmem>>
      %dma_wait3A_92 = arith.constant 0 : i32
      %dma_wait3A_93 = arith.constant 0 : i32
      %dma_wait3A_94 = tpu.memref_slice %arg2[%dma_wait3A_92, %dma_wait3A_93] : memref<20480x64xbf16, #tpu.memory_space<hbm>> -> memref<20480x64xbf16, #tpu.memory_space<hbm>>
      tpu.wait_indirect_dma semaphore(%arg17 : memref<!tpu.dma_semaphore, #tpu.memory_space<semaphore_mem>>) src(%dma_wait3A_94 : memref<20480x64xbf16, #tpu.memory_space<hbm>>) dst(%arg10 : memref<125x64xbf16, #tpu.memory_space<vmem>>)
      %add3A_95 = arith.constant 8 : i32
      %add3A_96 = arith.addi %add3A_88, %add3A_95 : i32
      %sub3A_97 = arith.constant 1 : i32
      %sub3A_98 = arith.subi %add3A_96, %sub3A_97 : i32
      %lt3A_99 = arith.constant 160 : i32
      %lt3A_100 = arith.cmpi slt, %sub3A_98, %lt3A_99 : i32
      %convert_element_type3A_101 = arith.extui %lt3A_100 : i1 to i32
      %cond3A_102 = arith.constant 0 : i32
      %cond3A_103 = arith.cmpi ne, %convert_element_type3A_101, %cond3A_102 : i32
      scf.if %cond3A_103 {
        %add3A_189 = arith.constant 8 : i32
        %add3A_190 = arith.addi %add3A_88, %add3A_189 : i32
        %sub3A_191 = arith.constant 1 : i32
        %sub3A_192 = arith.subi %add3A_190, %sub3A_191 : i32
        %dma_start3A_193 = arith.constant 0 : i32
        %dma_start3A_194 = tpu.memref_slice %arg6[%sub3A_192, %dma_start3A_193] : memref<160x125xi32, #tpu.memory_space<vmem>> -> memref<1x125xi32, #tpu.memory_space<vmem>>
        %dma_start3A_195 = tpu.memref_squeeze %dma_start3A_194 : memref<1x125xi32, #tpu.memory_space<vmem>> -> memref<125xi32, #tpu.memory_space<vmem>>
        %dma_start3A_196 = arith.constant 0 : i32
        %dma_start3A_197 = arith.constant 0 : i32
        %dma_start3A_198 = tpu.memref_slice %arg2[%dma_start3A_196, %dma_start3A_197] : memref<20480x64xbf16, #tpu.memory_space<hbm>> -> memref<20480x64xbf16, #tpu.memory_space<hbm>>
        tpu.enqueue_indirect_dma source(%dma_start3A_198 : memref<20480x64xbf16, #tpu.memory_space<hbm>>) target(%arg9 : memref<125x64xbf16, #tpu.memory_space<vmem>>) offsets(%dma_start3A_195 : memref<125xi32, #tpu.memory_space<vmem>>) semaphore(%arg17 : memref<!tpu.dma_semaphore, #tpu.memory_space<semaphore_mem>>)
      } else {
      }
      "tpu.region"() ({
        %run_scoped3A_189 = tpu.sem_alloc : memref<!tpu.dma_semaphore, #tpu.memory_space<semaphore_mem>>
        %dma_start3A_190 = arith.constant 0 : i32
        %dma_start3A_191 = tpu.memref_slice %arg7[%add3A_88, %dma_start3A_190] : memref<160x125xi32, #tpu.memory_space<vmem>> -> memref<1x125xi32, #tpu.memory_space<vmem>>
        %dma_start3A_192 = tpu.memref_squeeze %dma_start3A_191 : memref<1x125xi32, #tpu.memory_space<vmem>> -> memref<125xi32, #tpu.memory_space<vmem>>
        %dma_start3A_193 = arith.constant 0 : i32
        %dma_start3A_194 = arith.constant 0 : i32
        %dma_start3A_195 = tpu.memref_slice %arg16[%dma_start3A_193, %dma_start3A_194] : memref<10240x64xbf16, #tpu.memory_space<vmem_shared>> -> memref<10240x64xbf16, #tpu.memory_space<vmem_shared>>
        tpu.enqueue_indirect_dma source(%arg10 : memref<125x64xbf16, #tpu.memory_space<vmem>>) target(%dma_start3A_195 : memref<10240x64xbf16, #tpu.memory_space<vmem_shared>>) offsets(%dma_start3A_192 : memref<125xi32, #tpu.memory_space<vmem>>) semaphore(%run_scoped3A_189 : memref<!tpu.dma_semaphore, #tpu.memory_space<semaphore_mem>>) {add = true}
        %dma_wait3A_196 = arith.constant 0 : i32
        %dma_wait3A_197 = tpu.memref_slice %arg7[%add3A_88, %dma_wait3A_196] : memref<160x125xi32, #tpu.memory_space<vmem>> -> memref<1x125xi32, #tpu.memory_space<vmem>>
        %dma_wait3A_198 = tpu.memref_squeeze %dma_wait3A_197 : memref<1x125xi32, #tpu.memory_space<vmem>> -> memref<125xi32, #tpu.memory_space<vmem>>
        %dma_wait3A_199 = arith.constant 0 : i32
        %dma_wait3A_200 = arith.constant 0 : i32
        %dma_wait3A_201 = tpu.memref_slice %arg16[%dma_wait3A_199, %dma_wait3A_200] : memref<10240x64xbf16, #tpu.memory_space<vmem_shared>> -> memref<10240x64xbf16, #tpu.memory_space<vmem_shared>>
        tpu.wait_indirect_dma semaphore(%run_scoped3A_189 : memref<!tpu.dma_semaphore, #tpu.memory_space<semaphore_mem>>) src(%arg10 : memref<125x64xbf16, #tpu.memory_space<vmem>>) dst(%dma_wait3A_201 : memref<10240x64xbf16, #tpu.memory_space<vmem_shared>>)
        tpu.yield
      }) : () -> ()
      %add3A_104 = arith.constant 3 : i32
      %add3A_105 = arith.addi %mul3A_58, %add3A_104 : i32
      %dma_wait3A_106 = arith.constant 0 : i32
      %dma_wait3A_107 = tpu.memref_slice %arg6[%add3A_105, %dma_wait3A_106] : memref<160x125xi32, #tpu.memory_space<vmem>> -> memref<1x125xi32, #tpu.memory_space<vmem>>
      %dma_wait3A_108 = tpu.memref_squeeze %dma_wait3A_107 : memref<1x125xi32, #tpu.memory_space<vmem>> -> memref<125xi32, #tpu.memory_space<vmem>>
      %dma_wait3A_109 = arith.constant 0 : i32
      %dma_wait3A_110 = arith.constant 0 : i32
      %dma_wait3A_111 = tpu.memref_slice %arg2[%dma_wait3A_109, %dma_wait3A_110] : memref<20480x64xbf16, #tpu.memory_space<hbm>> -> memref<20480x64xbf16, #tpu.memory_space<hbm>>
      tpu.wait_indirect_dma semaphore(%arg17 : memref<!tpu.dma_semaphore, #tpu.memory_space<semaphore_mem>>) src(%dma_wait3A_111 : memref<20480x64xbf16, #tpu.memory_space<hbm>>) dst(%arg11 : memref<125x64xbf16, #tpu.memory_space<vmem>>)
      %add3A_112 = arith.constant 8 : i32
      %add3A_113 = arith.addi %add3A_105, %add3A_112 : i32
      %sub3A_114 = arith.constant 1 : i32
      %sub3A_115 = arith.subi %add3A_113, %sub3A_114 : i32
      %lt3A_116 = arith.constant 160 : i32
      %lt3A_117 = arith.cmpi slt, %sub3A_115, %lt3A_116 : i32
      %convert_element_type3A_118 = arith.extui %lt3A_117 : i1 to i32
      %cond3A_119 = arith.constant 0 : i32
      %cond3A_120 = arith.cmpi ne, %convert_element_type3A_118, %cond3A_119 : i32
      scf.if %cond3A_120 {
        %add3A_189 = arith.constant 8 : i32
        %add3A_190 = arith.addi %add3A_105, %add3A_189 : i32
        %sub3A_191 = arith.constant 1 : i32
        %sub3A_192 = arith.subi %add3A_190, %sub3A_191 : i32
        %dma_start3A_193 = arith.constant 0 : i32
        %dma_start3A_194 = tpu.memref_slice %arg6[%sub3A_192, %dma_start3A_193] : memref<160x125xi32, #tpu.memory_space<vmem>> -> memref<1x125xi32, #tpu.memory_space<vmem>>
        %dma_start3A_195 = tpu.memref_squeeze %dma_start3A_194 : memref<1x125xi32, #tpu.memory_space<vmem>> -> memref<125xi32, #tpu.memory_space<vmem>>
        %dma_start3A_196 = arith.constant 0 : i32
        %dma_start3A_197 = arith.constant 0 : i32
        %dma_start3A_198 = tpu.memref_slice %arg2[%dma_start3A_196, %dma_start3A_197] : memref<20480x64xbf16, #tpu.memory_space<hbm>> -> memref<20480x64xbf16, #tpu.memory_space<hbm>>
        tpu.enqueue_indirect_dma source(%dma_start3A_198 : memref<20480x64xbf16, #tpu.memory_space<hbm>>) target(%arg10 : memref<125x64xbf16, #tpu.memory_space<vmem>>) offsets(%dma_start3A_195 : memref<125xi32, #tpu.memory_space<vmem>>) semaphore(%arg17 : memref<!tpu.dma_semaphore, #tpu.memory_space<semaphore_mem>>)
      } else {
      }
      "tpu.region"() ({
        %run_scoped3A_189 = tpu.sem_alloc : memref<!tpu.dma_semaphore, #tpu.memory_space<semaphore_mem>>
        %dma_start3A_190 = arith.constant 0 : i32
        %dma_start3A_191 = tpu.memref_slice %arg7[%add3A_105, %dma_start3A_190] : memref<160x125xi32, #tpu.memory_space<vmem>> -> memref<1x125xi32, #tpu.memory_space<vmem>>
        %dma_start3A_192 = tpu.memref_squeeze %dma_start3A_191 : memref<1x125xi32, #tpu.memory_space<vmem>> -> memref<125xi32, #tpu.memory_space<vmem>>
        %dma_start3A_193 = arith.constant 0 : i32
        %dma_start3A_194 = arith.constant 0 : i32
        %dma_start3A_195 = tpu.memref_slice %arg16[%dma_start3A_193, %dma_start3A_194] : memref<10240x64xbf16, #tpu.memory_space<vmem_shared>> -> memref<10240x64xbf16, #tpu.memory_space<vmem_shared>>
        tpu.enqueue_indirect_dma source(%arg11 : memref<125x64xbf16, #tpu.memory_space<vmem>>) target(%dma_start3A_195 : memref<10240x64xbf16, #tpu.memory_space<vmem_shared>>) offsets(%dma_start3A_192 : memref<125xi32, #tpu.memory_space<vmem>>) semaphore(%run_scoped3A_189 : memref<!tpu.dma_semaphore, #tpu.memory_space<semaphore_mem>>) {add = true}
        %dma_wait3A_196 = arith.constant 0 : i32
        %dma_wait3A_197 = tpu.memref_slice %arg7[%add3A_105, %dma_wait3A_196] : memref<160x125xi32, #tpu.memory_space<vmem>> -> memref<1x125xi32, #tpu.memory_space<vmem>>
        %dma_wait3A_198 = tpu.memref_squeeze %dma_wait3A_197 : memref<1x125xi32, #tpu.memory_space<vmem>> -> memref<125xi32, #tpu.memory_space<vmem>>
        %dma_wait3A_199 = arith.constant 0 : i32
        %dma_wait3A_200 = arith.constant 0 : i32
        %dma_wait3A_201 = tpu.memref_slice %arg16[%dma_wait3A_199, %dma_wait3A_200] : memref<10240x64xbf16, #tpu.memory_space<vmem_shared>> -> memref<10240x64xbf16, #tpu.memory_space<vmem_shared>>
        tpu.wait_indirect_dma semaphore(%run_scoped3A_189 : memref<!tpu.dma_semaphore, #tpu.memory_space<semaphore_mem>>) src(%arg11 : memref<125x64xbf16, #tpu.memory_space<vmem>>) dst(%dma_wait3A_201 : memref<10240x64xbf16, #tpu.memory_space<vmem_shared>>)
        tpu.yield
      }) : () -> ()
      %add3A_121 = arith.constant 4 : i32
      %add3A_122 = arith.addi %mul3A_58, %add3A_121 : i32
      %dma_wait3A_123 = arith.constant 0 : i32
      %dma_wait3A_124 = tpu.memref_slice %arg6[%add3A_122, %dma_wait3A_123] : memref<160x125xi32, #tpu.memory_space<vmem>> -> memref<1x125xi32, #tpu.memory_space<vmem>>
      %dma_wait3A_125 = tpu.memref_squeeze %dma_wait3A_124 : memref<1x125xi32, #tpu.memory_space<vmem>> -> memref<125xi32, #tpu.memory_space<vmem>>
      %dma_wait3A_126 = arith.constant 0 : i32
      %dma_wait3A_127 = arith.constant 0 : i32
      %dma_wait3A_128 = tpu.memref_slice %arg2[%dma_wait3A_126, %dma_wait3A_127] : memref<20480x64xbf16, #tpu.memory_space<hbm>> -> memref<20480x64xbf16, #tpu.memory_space<hbm>>
      tpu.wait_indirect_dma semaphore(%arg17 : memref<!tpu.dma_semaphore, #tpu.memory_space<semaphore_mem>>) src(%dma_wait3A_128 : memref<20480x64xbf16, #tpu.memory_space<hbm>>) dst(%arg12 : memref<125x64xbf16, #tpu.memory_space<vmem>>)
      %add3A_129 = arith.constant 8 : i32
      %add3A_130 = arith.addi %add3A_122, %add3A_129 : i32
      %sub3A_131 = arith.constant 1 : i32
      %sub3A_132 = arith.subi %add3A_130, %sub3A_131 : i32
      %lt3A_133 = arith.constant 160 : i32
      %lt3A_134 = arith.cmpi slt, %sub3A_132, %lt3A_133 : i32
      %convert_element_type3A_135 = arith.extui %lt3A_134 : i1 to i32
      %cond3A_136 = arith.constant 0 : i32
      %cond3A_137 = arith.cmpi ne, %convert_element_type3A_135, %cond3A_136 : i32
      scf.if %cond3A_137 {
        %add3A_189 = arith.constant 8 : i32
        %add3A_190 = arith.addi %add3A_122, %add3A_189 : i32
        %sub3A_191 = arith.constant 1 : i32
        %sub3A_192 = arith.subi %add3A_190, %sub3A_191 : i32
        %dma_start3A_193 = arith.constant 0 : i32
        %dma_start3A_194 = tpu.memref_slice %arg6[%sub3A_192, %dma_start3A_193] : memref<160x125xi32, #tpu.memory_space<vmem>> -> memref<1x125xi32, #tpu.memory_space<vmem>>
        %dma_start3A_195 = tpu.memref_squeeze %dma_start3A_194 : memref<1x125xi32, #tpu.memory_space<vmem>> -> memref<125xi32, #tpu.memory_space<vmem>>
        %dma_start3A_196 = arith.constant 0 : i32
        %dma_start3A_197 = arith.constant 0 : i32
        %dma_start3A_198 = tpu.memref_slice %arg2[%dma_start3A_196, %dma_start3A_197] : memref<20480x64xbf16, #tpu.memory_space<hbm>> -> memref<20480x64xbf16, #tpu.memory_space<hbm>>
        tpu.enqueue_indirect_dma source(%dma_start3A_198 : memref<20480x64xbf16, #tpu.memory_space<hbm>>) target(%arg11 : memref<125x64xbf16, #tpu.memory_space<vmem>>) offsets(%dma_start3A_195 : memref<125xi32, #tpu.memory_space<vmem>>) semaphore(%arg17 : memref<!tpu.dma_semaphore, #tpu.memory_space<semaphore_mem>>)
      } else {
      }
      "tpu.region"() ({
        %run_scoped3A_189 = tpu.sem_alloc : memref<!tpu.dma_semaphore, #tpu.memory_space<semaphore_mem>>
        %dma_start3A_190 = arith.constant 0 : i32
        %dma_start3A_191 = tpu.memref_slice %arg7[%add3A_122, %dma_start3A_190] : memref<160x125xi32, #tpu.memory_space<vmem>> -> memref<1x125xi32, #tpu.memory_space<vmem>>
        %dma_start3A_192 = tpu.memref_squeeze %dma_start3A_191 : memref<1x125xi32, #tpu.memory_space<vmem>> -> memref<125xi32, #tpu.memory_space<vmem>>
        %dma_start3A_193 = arith.constant 0 : i32
        %dma_start3A_194 = arith.constant 0 : i32
        %dma_start3A_195 = tpu.memref_slice %arg16[%dma_start3A_193, %dma_start3A_194] : memref<10240x64xbf16, #tpu.memory_space<vmem_shared>> -> memref<10240x64xbf16, #tpu.memory_space<vmem_shared>>
        tpu.enqueue_indirect_dma source(%arg12 : memref<125x64xbf16, #tpu.memory_space<vmem>>) target(%dma_start3A_195 : memref<10240x64xbf16, #tpu.memory_space<vmem_shared>>) offsets(%dma_start3A_192 : memref<125xi32, #tpu.memory_space<vmem>>) semaphore(%run_scoped3A_189 : memref<!tpu.dma_semaphore, #tpu.memory_space<semaphore_mem>>) {add = true}
        %dma_wait3A_196 = arith.constant 0 : i32
        %dma_wait3A_197 = tpu.memref_slice %arg7[%add3A_122, %dma_wait3A_196] : memref<160x125xi32, #tpu.memory_space<vmem>> -> memref<1x125xi32, #tpu.memory_space<vmem>>
        %dma_wait3A_198 = tpu.memref_squeeze %dma_wait3A_197 : memref<1x125xi32, #tpu.memory_space<vmem>> -> memref<125xi32, #tpu.memory_space<vmem>>
        %dma_wait3A_199 = arith.constant 0 : i32
        %dma_wait3A_200 = arith.constant 0 : i32
        %dma_wait3A_201 = tpu.memref_slice %arg16[%dma_wait3A_199, %dma_wait3A_200] : memref<10240x64xbf16, #tpu.memory_space<vmem_shared>> -> memref<10240x64xbf16, #tpu.memory_space<vmem_shared>>
        tpu.wait_indirect_dma semaphore(%run_scoped3A_189 : memref<!tpu.dma_semaphore, #tpu.memory_space<semaphore_mem>>) src(%arg12 : memref<125x64xbf16, #tpu.memory_space<vmem>>) dst(%dma_wait3A_201 : memref<10240x64xbf16, #tpu.memory_space<vmem_shared>>)
        tpu.yield
      }) : () -> ()
      %add3A_138 = arith.constant 5 : i32
      %add3A_139 = arith.addi %mul3A_58, %add3A_138 : i32
      %dma_wait3A_140 = arith.constant 0 : i32
      %dma_wait3A_141 = tpu.memref_slice %arg6[%add3A_139, %dma_wait3A_140] : memref<160x125xi32, #tpu.memory_space<vmem>> -> memref<1x125xi32, #tpu.memory_space<vmem>>
      %dma_wait3A_142 = tpu.memref_squeeze %dma_wait3A_141 : memref<1x125xi32, #tpu.memory_space<vmem>> -> memref<125xi32, #tpu.memory_space<vmem>>
      %dma_wait3A_143 = arith.constant 0 : i32
      %dma_wait3A_144 = arith.constant 0 : i32
      %dma_wait3A_145 = tpu.memref_slice %arg2[%dma_wait3A_143, %dma_wait3A_144] : memref<20480x64xbf16, #tpu.memory_space<hbm>> -> memref<20480x64xbf16, #tpu.memory_space<hbm>>
      tpu.wait_indirect_dma semaphore(%arg17 : memref<!tpu.dma_semaphore, #tpu.memory_space<semaphore_mem>>) src(%dma_wait3A_145 : memref<20480x64xbf16, #tpu.memory_space<hbm>>) dst(%arg13 : memref<125x64xbf16, #tpu.memory_space<vmem>>)
      %add3A_146 = arith.constant 8 : i32
      %add3A_147 = arith.addi %add3A_139, %add3A_146 : i32
      %sub3A_148 = arith.constant 1 : i32
      %sub3A_149 = arith.subi %add3A_147, %sub3A_148 : i32
      %lt3A_150 = arith.constant 160 : i32
      %lt3A_151 = arith.cmpi slt, %sub3A_149, %lt3A_150 : i32
      %convert_element_type3A_152 = arith.extui %lt3A_151 : i1 to i32
      %cond3A_153 = arith.constant 0 : i32
      %cond3A_154 = arith.cmpi ne, %convert_element_type3A_152, %cond3A_153 : i32
      scf.if %cond3A_154 {
        %add3A_189 = arith.constant 8 : i32
        %add3A_190 = arith.addi %add3A_139, %add3A_189 : i32
        %sub3A_191 = arith.constant 1 : i32
        %sub3A_192 = arith.subi %add3A_190, %sub3A_191 : i32
        %dma_start3A_193 = arith.constant 0 : i32
        %dma_start3A_194 = tpu.memref_slice %arg6[%sub3A_192, %dma_start3A_193] : memref<160x125xi32, #tpu.memory_space<vmem>> -> memref<1x125xi32, #tpu.memory_space<vmem>>
        %dma_start3A_195 = tpu.memref_squeeze %dma_start3A_194 : memref<1x125xi32, #tpu.memory_space<vmem>> -> memref<125xi32, #tpu.memory_space<vmem>>
        %dma_start3A_196 = arith.constant 0 : i32
        %dma_start3A_197 = arith.constant 0 : i32
        %dma_start3A_198 = tpu.memref_slice %arg2[%dma_start3A_196, %dma_start3A_197] : memref<20480x64xbf16, #tpu.memory_space<hbm>> -> memref<20480x64xbf16, #tpu.memory_space<hbm>>
        tpu.enqueue_indirect_dma source(%dma_start3A_198 : memref<20480x64xbf16, #tpu.memory_space<hbm>>) target(%arg12 : memref<125x64xbf16, #tpu.memory_space<vmem>>) offsets(%dma_start3A_195 : memref<125xi32, #tpu.memory_space<vmem>>) semaphore(%arg17 : memref<!tpu.dma_semaphore, #tpu.memory_space<semaphore_mem>>)
      } else {
      }
      "tpu.region"() ({
        %run_scoped3A_189 = tpu.sem_alloc : memref<!tpu.dma_semaphore, #tpu.memory_space<semaphore_mem>>
        %dma_start3A_190 = arith.constant 0 : i32
        %dma_start3A_191 = tpu.memref_slice %arg7[%add3A_139, %dma_start3A_190] : memref<160x125xi32, #tpu.memory_space<vmem>> -> memref<1x125xi32, #tpu.memory_space<vmem>>
        %dma_start3A_192 = tpu.memref_squeeze %dma_start3A_191 : memref<1x125xi32, #tpu.memory_space<vmem>> -> memref<125xi32, #tpu.memory_space<vmem>>
        %dma_start3A_193 = arith.constant 0 : i32
        %dma_start3A_194 = arith.constant 0 : i32
        %dma_start3A_195 = tpu.memref_slice %arg16[%dma_start3A_193, %dma_start3A_194] : memref<10240x64xbf16, #tpu.memory_space<vmem_shared>> -> memref<10240x64xbf16, #tpu.memory_space<vmem_shared>>
        tpu.enqueue_indirect_dma source(%arg13 : memref<125x64xbf16, #tpu.memory_space<vmem>>) target(%dma_start3A_195 : memref<10240x64xbf16, #tpu.memory_space<vmem_shared>>) offsets(%dma_start3A_192 : memref<125xi32, #tpu.memory_space<vmem>>) semaphore(%run_scoped3A_189 : memref<!tpu.dma_semaphore, #tpu.memory_space<semaphore_mem>>) {add = true}
        %dma_wait3A_196 = arith.constant 0 : i32
        %dma_wait3A_197 = tpu.memref_slice %arg7[%add3A_139, %dma_wait3A_196] : memref<160x125xi32, #tpu.memory_space<vmem>> -> memref<1x125xi32, #tpu.memory_space<vmem>>
        %dma_wait3A_198 = tpu.memref_squeeze %dma_wait3A_197 : memref<1x125xi32, #tpu.memory_space<vmem>> -> memref<125xi32, #tpu.memory_space<vmem>>
        %dma_wait3A_199 = arith.constant 0 : i32
        %dma_wait3A_200 = arith.constant 0 : i32
        %dma_wait3A_201 = tpu.memref_slice %arg16[%dma_wait3A_199, %dma_wait3A_200] : memref<10240x64xbf16, #tpu.memory_space<vmem_shared>> -> memref<10240x64xbf16, #tpu.memory_space<vmem_shared>>
        tpu.wait_indirect_dma semaphore(%run_scoped3A_189 : memref<!tpu.dma_semaphore, #tpu.memory_space<semaphore_mem>>) src(%arg13 : memref<125x64xbf16, #tpu.memory_space<vmem>>) dst(%dma_wait3A_201 : memref<10240x64xbf16, #tpu.memory_space<vmem_shared>>)
        tpu.yield
      }) : () -> ()
      %add3A_155 = arith.constant 6 : i32
      %add3A_156 = arith.addi %mul3A_58, %add3A_155 : i32
      %dma_wait3A_157 = arith.constant 0 : i32
      %dma_wait3A_158 = tpu.memref_slice %arg6[%add3A_156, %dma_wait3A_157] : memref<160x125xi32, #tpu.memory_space<vmem>> -> memref<1x125xi32, #tpu.memory_space<vmem>>
      %dma_wait3A_159 = tpu.memref_squeeze %dma_wait3A_158 : memref<1x125xi32, #tpu.memory_space<vmem>> -> memref<125xi32, #tpu.memory_space<vmem>>
      %dma_wait3A_160 = arith.constant 0 : i32
      %dma_wait3A_161 = arith.constant 0 : i32
      %dma_wait3A_162 = tpu.memref_slice %arg2[%dma_wait3A_160, %dma_wait3A_161] : memref<20480x64xbf16, #tpu.memory_space<hbm>> -> memref<20480x64xbf16, #tpu.memory_space<hbm>>
      tpu.wait_indirect_dma semaphore(%arg17 : memref<!tpu.dma_semaphore, #tpu.memory_space<semaphore_mem>>) src(%dma_wait3A_162 : memref<20480x64xbf16, #tpu.memory_space<hbm>>) dst(%arg14 : memref<125x64xbf16, #tpu.memory_space<vmem>>)
      %add3A_163 = arith.constant 8 : i32
      %add3A_164 = arith.addi %add3A_156, %add3A_163 : i32
      %sub3A_165 = arith.constant 1 : i32
      %sub3A_166 = arith.subi %add3A_164, %sub3A_165 : i32
      %lt3A_167 = arith.constant 160 : i32
      %lt3A_168 = arith.cmpi slt, %sub3A_166, %lt3A_167 : i32
      %convert_element_type3A_169 = arith.extui %lt3A_168 : i1 to i32
      %cond3A_170 = arith.constant 0 : i32
      %cond3A_171 = arith.cmpi ne, %convert_element_type3A_169, %cond3A_170 : i32
      scf.if %cond3A_171 {
        %add3A_189 = arith.constant 8 : i32
        %add3A_190 = arith.addi %add3A_156, %add3A_189 : i32
        %sub3A_191 = arith.constant 1 : i32
        %sub3A_192 = arith.subi %add3A_190, %sub3A_191 : i32
        %dma_start3A_193 = arith.constant 0 : i32
        %dma_start3A_194 = tpu.memref_slice %arg6[%sub3A_192, %dma_start3A_193] : memref<160x125xi32, #tpu.memory_space<vmem>> -> memref<1x125xi32, #tpu.memory_space<vmem>>
        %dma_start3A_195 = tpu.memref_squeeze %dma_start3A_194 : memref<1x125xi32, #tpu.memory_space<vmem>> -> memref<125xi32, #tpu.memory_space<vmem>>
        %dma_start3A_196 = arith.constant 0 : i32
        %dma_start3A_197 = arith.constant 0 : i32
        %dma_start3A_198 = tpu.memref_slice %arg2[%dma_start3A_196, %dma_start3A_197] : memref<20480x64xbf16, #tpu.memory_space<hbm>> -> memref<20480x64xbf16, #tpu.memory_space<hbm>>
        tpu.enqueue_indirect_dma source(%dma_start3A_198 : memref<20480x64xbf16, #tpu.memory_space<hbm>>) target(%arg13 : memref<125x64xbf16, #tpu.memory_space<vmem>>) offsets(%dma_start3A_195 : memref<125xi32, #tpu.memory_space<vmem>>) semaphore(%arg17 : memref<!tpu.dma_semaphore, #tpu.memory_space<semaphore_mem>>)
      } else {
      }
      "tpu.region"() ({
        %run_scoped3A_189 = tpu.sem_alloc : memref<!tpu.dma_semaphore, #tpu.memory_space<semaphore_mem>>
        %dma_start3A_190 = arith.constant 0 : i32
        %dma_start3A_191 = tpu.memref_slice %arg7[%add3A_156, %dma_start3A_190] : memref<160x125xi32, #tpu.memory_space<vmem>> -> memref<1x125xi32, #tpu.memory_space<vmem>>
        %dma_start3A_192 = tpu.memref_squeeze %dma_start3A_191 : memref<1x125xi32, #tpu.memory_space<vmem>> -> memref<125xi32, #tpu.memory_space<vmem>>
        %dma_start3A_193 = arith.constant 0 : i32
        %dma_start3A_194 = arith.constant 0 : i32
        %dma_start3A_195 = tpu.memref_slice %arg16[%dma_start3A_193, %dma_start3A_194] : memref<10240x64xbf16, #tpu.memory_space<vmem_shared>> -> memref<10240x64xbf16, #tpu.memory_space<vmem_shared>>
        tpu.enqueue_indirect_dma source(%arg14 : memref<125x64xbf16, #tpu.memory_space<vmem>>) target(%dma_start3A_195 : memref<10240x64xbf16, #tpu.memory_space<vmem_shared>>) offsets(%dma_start3A_192 : memref<125xi32, #tpu.memory_space<vmem>>) semaphore(%run_scoped3A_189 : memref<!tpu.dma_semaphore, #tpu.memory_space<semaphore_mem>>) {add = true}
        %dma_wait3A_196 = arith.constant 0 : i32
        %dma_wait3A_197 = tpu.memref_slice %arg7[%add3A_156, %dma_wait3A_196] : memref<160x125xi32, #tpu.memory_space<vmem>> -> memref<1x125xi32, #tpu.memory_space<vmem>>
        %dma_wait3A_198 = tpu.memref_squeeze %dma_wait3A_197 : memref<1x125xi32, #tpu.memory_space<vmem>> -> memref<125xi32, #tpu.memory_space<vmem>>
        %dma_wait3A_199 = arith.constant 0 : i32
        %dma_wait3A_200 = arith.constant 0 : i32
        %dma_wait3A_201 = tpu.memref_slice %arg16[%dma_wait3A_199, %dma_wait3A_200] : memref<10240x64xbf16, #tpu.memory_space<vmem_shared>> -> memref<10240x64xbf16, #tpu.memory_space<vmem_shared>>
        tpu.wait_indirect_dma semaphore(%run_scoped3A_189 : memref<!tpu.dma_semaphore, #tpu.memory_space<semaphore_mem>>) src(%arg14 : memref<125x64xbf16, #tpu.memory_space<vmem>>) dst(%dma_wait3A_201 : memref<10240x64xbf16, #tpu.memory_space<vmem_shared>>)
        tpu.yield
      }) : () -> ()
      %add3A_172 = arith.constant 7 : i32
      %add3A_173 = arith.addi %mul3A_58, %add3A_172 : i32
      %dma_wait3A_174 = arith.constant 0 : i32
      %dma_wait3A_175 = tpu.memref_slice %arg6[%add3A_173, %dma_wait3A_174] : memref<160x125xi32, #tpu.memory_space<vmem>> -> memref<1x125xi32, #tpu.memory_space<vmem>>
      %dma_wait3A_176 = tpu.memref_squeeze %dma_wait3A_175 : memref<1x125xi32, #tpu.memory_space<vmem>> -> memref<125xi32, #tpu.memory_space<vmem>>
      %dma_wait3A_177 = arith.constant 0 : i32
      %dma_wait3A_178 = arith.constant 0 : i32
      %dma_wait3A_179 = tpu.memref_slice %arg2[%dma_wait3A_177, %dma_wait3A_178] : memref<20480x64xbf16, #tpu.memory_space<hbm>> -> memref<20480x64xbf16, #tpu.memory_space<hbm>>
      tpu.wait_indirect_dma semaphore(%arg17 : memref<!tpu.dma_semaphore, #tpu.memory_space<semaphore_mem>>) src(%dma_wait3A_179 : memref<20480x64xbf16, #tpu.memory_space<hbm>>) dst(%arg15 : memref<125x64xbf16, #tpu.memory_space<vmem>>)
      %add3A_180 = arith.constant 8 : i32
      %add3A_181 = arith.addi %add3A_173, %add3A_180 : i32
      %sub3A_182 = arith.constant 1 : i32
      %sub3A_183 = arith.subi %add3A_181, %sub3A_182 : i32
      %lt3A_184 = arith.constant 160 : i32
      %lt3A_185 = arith.cmpi slt, %sub3A_183, %lt3A_184 : i32
      %convert_element_type3A_186 = arith.extui %lt3A_185 : i1 to i32
      %cond3A_187 = arith.constant 0 : i32
      %cond3A_188 = arith.cmpi ne, %convert_element_type3A_186, %cond3A_187 : i32
      scf.if %cond3A_188 {
        %add3A_189 = arith.constant 8 : i32
        %add3A_190 = arith.addi %add3A_173, %add3A_189 : i32
        %sub3A_191 = arith.constant 1 : i32
        %sub3A_192 = arith.subi %add3A_190, %sub3A_191 : i32
        %dma_start3A_193 = arith.constant 0 : i32
        %dma_start3A_194 = tpu.memref_slice %arg6[%sub3A_192, %dma_start3A_193] : memref<160x125xi32, #tpu.memory_space<vmem>> -> memref<1x125xi32, #tpu.memory_space<vmem>>
        %dma_start3A_195 = tpu.memref_squeeze %dma_start3A_194 : memref<1x125xi32, #tpu.memory_space<vmem>> -> memref<125xi32, #tpu.memory_space<vmem>>
        %dma_start3A_196 = arith.constant 0 : i32
        %dma_start3A_197 = arith.constant 0 : i32
        %dma_start3A_198 = tpu.memref_slice %arg2[%dma_start3A_196, %dma_start3A_197] : memref<20480x64xbf16, #tpu.memory_space<hbm>> -> memref<20480x64xbf16, #tpu.memory_space<hbm>>
        tpu.enqueue_indirect_dma source(%dma_start3A_198 : memref<20480x64xbf16, #tpu.memory_space<hbm>>) target(%arg14 : memref<125x64xbf16, #tpu.memory_space<vmem>>) offsets(%dma_start3A_195 : memref<125xi32, #tpu.memory_space<vmem>>) semaphore(%arg17 : memref<!tpu.dma_semaphore, #tpu.memory_space<semaphore_mem>>)
      } else {
      }
      "tpu.region"() ({
        %run_scoped3A_189 = tpu.sem_alloc : memref<!tpu.dma_semaphore, #tpu.memory_space<semaphore_mem>>
        %dma_start3A_190 = arith.constant 0 : i32
        %dma_start3A_191 = tpu.memref_slice %arg7[%add3A_173, %dma_start3A_190] : memref<160x125xi32, #tpu.memory_space<vmem>> -> memref<1x125xi32, #tpu.memory_space<vmem>>
        %dma_start3A_192 = tpu.memref_squeeze %dma_start3A_191 : memref<1x125xi32, #tpu.memory_space<vmem>> -> memref<125xi32, #tpu.memory_space<vmem>>
        %dma_start3A_193 = arith.constant 0 : i32
        %dma_start3A_194 = arith.constant 0 : i32
        %dma_start3A_195 = tpu.memref_slice %arg16[%dma_start3A_193, %dma_start3A_194] : memref<10240x64xbf16, #tpu.memory_space<vmem_shared>> -> memref<10240x64xbf16, #tpu.memory_space<vmem_shared>>
        tpu.enqueue_indirect_dma source(%arg15 : memref<125x64xbf16, #tpu.memory_space<vmem>>) target(%dma_start3A_195 : memref<10240x64xbf16, #tpu.memory_space<vmem_shared>>) offsets(%dma_start3A_192 : memref<125xi32, #tpu.memory_space<vmem>>) semaphore(%run_scoped3A_189 : memref<!tpu.dma_semaphore, #tpu.memory_space<semaphore_mem>>) {add = true}
        %dma_wait3A_196 = arith.constant 0 : i32
        %dma_wait3A_197 = tpu.memref_slice %arg7[%add3A_173, %dma_wait3A_196] : memref<160x125xi32, #tpu.memory_space<vmem>> -> memref<1x125xi32, #tpu.memory_space<vmem>>
        %dma_wait3A_198 = tpu.memref_squeeze %dma_wait3A_197 : memref<1x125xi32, #tpu.memory_space<vmem>> -> memref<125xi32, #tpu.memory_space<vmem>>
        %dma_wait3A_199 = arith.constant 0 : i32
        %dma_wait3A_200 = arith.constant 0 : i32
        %dma_wait3A_201 = tpu.memref_slice %arg16[%dma_wait3A_199, %dma_wait3A_200] : memref<10240x64xbf16, #tpu.memory_space<vmem_shared>> -> memref<10240x64xbf16, #tpu.memory_space<vmem_shared>>
        tpu.wait_indirect_dma semaphore(%run_scoped3A_189 : memref<!tpu.dma_semaphore, #tpu.memory_space<semaphore_mem>>) src(%arg15 : memref<125x64xbf16, #tpu.memory_space<vmem>>) dst(%dma_wait3A_201 : memref<10240x64xbf16, #tpu.memory_space<vmem_shared>>)
        tpu.yield
      }) : () -> ()
    }
    %scan3A_54 = arith.constant 20 : i32
    %barrier3A_55 = arith.constant 0 : index
    tpu.barrier barrier_id(%barrier3A_55)
    "tpu.region"() ({
      %run_scoped3A_56 = tpu.sem_alloc : memref<!tpu.dma_semaphore, #tpu.memory_space<semaphore_mem>>
      %dma_start3A_57 = arith.constant 0 : i32
      %dma_start3A_58 = tpu.memref_slice %arg5[%arg0, %mul3A_0, %dma_start3A_57] : memref<2x10240x64xbf16, #tpu.memory_space<hbm>> -> memref<1x640x64xbf16, #tpu.memory_space<hbm>>
      %dma_start3A_59 = tpu.memref_squeeze %dma_start3A_58 : memref<1x640x64xbf16, #tpu.memory_space<hbm>> -> memref<640x64xbf16, #tpu.memory_space<hbm>>
      %dma_start3A_60 = arith.constant 0 : i32
      %dma_start3A_61 = tpu.memref_slice %arg16[%mul3A_0, %dma_start3A_60] : memref<10240x64xbf16, #tpu.memory_space<vmem_shared>> -> memref<640x64xbf16, #tpu.memory_space<vmem_shared>>
      tpu.enqueue_dma source(%dma_start3A_61 : memref<640x64xbf16, #tpu.memory_space<vmem_shared>>) target(%dma_start3A_59 : memref<640x64xbf16, #tpu.memory_space<hbm>>) target_semaphore(%run_scoped3A_56 : memref<!tpu.dma_semaphore, #tpu.memory_space<semaphore_mem>>)
      %dma_wait3A = arith.constant 0 : i32
      %dma_wait3A_62 = tpu.memref_slice %arg5[%arg0, %mul3A_0, %dma_wait3A] : memref<2x10240x64xbf16, #tpu.memory_space<hbm>> -> memref<1x640x64xbf16, #tpu.memory_space<hbm>>
      %dma_wait3A_63 = tpu.memref_squeeze %dma_wait3A_62 : memref<1x640x64xbf16, #tpu.memory_space<hbm>> -> memref<640x64xbf16, #tpu.memory_space<hbm>>
      %dma_wait3A_64 = arith.constant 0 : i32
      %dma_wait3A_65 = tpu.memref_slice %arg16[%mul3A_0, %dma_wait3A_64] : memref<10240x64xbf16, #tpu.memory_space<vmem_shared>> -> memref<640x64xbf16, #tpu.memory_space<vmem_shared>>
      tpu.wait_dma2 semaphore(%run_scoped3A_56 : memref<!tpu.dma_semaphore, #tpu.memory_space<semaphore_mem>>) src(%dma_wait3A_65 : memref<640x64xbf16, #tpu.memory_space<vmem_shared>>) dst(%dma_wait3A_63 : memref<640x64xbf16, #tpu.memory_space<hbm>>)
      tpu.yield
    }) : () -> ()
    return
  }
}

#map = affine_map<(d0, d1) -> (0, 0)>
#map1 = affine_map<(d0, d1) -> (0, 0, 0, 0, 0)>
#map2 = affine_map<(d0, d1) -> (0, 0, 0)>
module attributes {stable_mosaic.version = 14 : i64} {
  func.func @_sc_aggregate(%arg0: i32, %arg1: i32, %arg2: memref<20480x64xbf16, #tpu.memory_space<hbm>>, %arg3: memref<2x16x2x160x125xi32, #tpu.memory_space<hbm>>, %arg4: memref<10240x64xbf16, #tpu.memory_space<hbm>>, %arg5: memref<2x10240x64xbf16, #tpu.memory_space<hbm>>, %arg6: memref<160x125xi32, #tpu.memory_space<vmem>>, %arg7: memref<160x125xi32, #tpu.memory_space<vmem>>, %arg8: memref<125x64xbf16, #tpu.memory_space<vmem>>, %arg9: memref<125x64xbf16, #tpu.memory_space<vmem>>, %arg10: memref<125x64xbf16, #tpu.memory_space<vmem>>, %arg11: memref<125x64xbf16, #tpu.memory_space<vmem>>, %arg12: memref<125x64xbf16, #tpu.memory_space<vmem>>, %arg13: memref<125x64xbf16, #tpu.memory_space<vmem>>, %arg14: memref<125x64xbf16, #tpu.memory_space<vmem>>, %arg15: memref<125x64xbf16, #tpu.memory_space<vmem>>, %arg16: memref<10240x64xbf16, #tpu.memory_space<vmem_shared>>, %arg17: memref<!tpu.dma_semaphore, #tpu.memory_space<semaphore_mem>>) attributes {dimension_semantics = [#tpu.dimension_semantics<core_parallel>, #tpu.dimension_semantics<subcore_parallel>], iteration_bounds = array<i64: 2, 16>, scalar_prefetch = 0 : i64, scratch_operands = 12 : i64, tpu.core_type = #tpu.core_type<sc_vector_subcore>, window_params = [{transform_indices = #map}, {transform_indices = #map1}, {transform_indices = #map}, {transform_indices = #map2}]} {
    %mul3A = arith.constant 640 : i32
    %mul3A_0 = arith.muli %arg1, %mul3A : i32
    "tpu.region"() ({
      %run_scoped3A_56 = tpu.sem_alloc : memref<!tpu.dma_semaphore, #tpu.memory_space<semaphore_mem>>
      %dma_start3A_57 = arith.constant 0 : i32
      %dma_start3A_58 = tpu.memref_slice %arg16[%mul3A_0, %dma_start3A_57] : memref<10240x64xbf16, #tpu.memory_space<vmem_shared>> -> memref<640x64xbf16, #tpu.memory_space<vmem_shared>>
      %dma_start3A_59 = arith.constant 0 : i32
      %dma_start3A_60 = tpu.memref_slice %arg4[%mul3A_0, %dma_start3A_59] : memref<10240x64xbf16, #tpu.memory_space<hbm>> -> memref<640x64xbf16, #tpu.memory_space<hbm>>
      tpu.enqueue_dma source(%dma_start3A_60 : memref<640x64xbf16, #tpu.memory_space<hbm>>) target(%dma_start3A_58 : memref<640x64xbf16, #tpu.memory_space<vmem_shared>>) target_semaphore(%run_scoped3A_56 : memref<!tpu.dma_semaphore, #tpu.memory_space<semaphore_mem>>)
      %dma_wait3A = arith.constant 0 : i32
      %dma_wait3A_61 = tpu.memref_slice %arg16[%mul3A_0, %dma_wait3A] : memref<10240x64xbf16, #tpu.memory_space<vmem_shared>> -> memref<640x64xbf16, #tpu.memory_space<vmem_shared>>
      %dma_wait3A_62 = arith.constant 0 : i32
      %dma_wait3A_63 = tpu.memref_slice %arg4[%mul3A_0, %dma_wait3A_62] : memref<10240x64xbf16, #tpu.memory_space<hbm>> -> memref<640x64xbf16, #tpu.memory_space<hbm>>
      tpu.wait_dma2 semaphore(%run_scoped3A_56 : memref<!tpu.dma_semaphore, #tpu.memory_space<semaphore_mem>>) src(%dma_wait3A_63 : memref<640x64xbf16, #tpu.memory_space<hbm>>) dst(%dma_wait3A_61 : memref<640x64xbf16, #tpu.memory_space<vmem_shared>>)
      tpu.yield
    }) : () -> ()
    %run_scoped3A = arith.constant 0 : i32
    "tpu.region"() ({
      %run_scoped3A_56 = tpu.sem_alloc : memref<!tpu.dma_semaphore, #tpu.memory_space<semaphore_mem>>
      %dma_start3A_57 = arith.constant 0 : i32
      %dma_start3A_58 = arith.constant 0 : i32
      %dma_start3A_59 = tpu.memref_slice %arg3[%arg0, %arg1, %run_scoped3A, %dma_start3A_57, %dma_start3A_58] : memref<2x16x2x160x125xi32, #tpu.memory_space<hbm>> -> memref<1x1x1x160x125xi32, #tpu.memory_space<hbm>>
      %dma_start3A_60 = tpu.memref_squeeze %dma_start3A_59 : memref<1x1x1x160x125xi32, #tpu.memory_space<hbm>> -> memref<160x125xi32, #tpu.memory_space<hbm>>
      %dma_start3A_61 = arith.constant 0 : i32
      %dma_start3A_62 = arith.constant 0 : i32
      %dma_start3A_63 = tpu.memref_slice %arg3[%arg0, %arg1, %run_scoped3A, %dma_start3A_61, %dma_start3A_62] : memref<2x16x2x160x125xi32, #tpu.memory_space<hbm>> -> memref<1x1x1x160x125xi32, #tpu.memory_space<hbm>>
      %dma_start3A_64 = tpu.memref_squeeze %dma_start3A_63 : memref<1x1x1x160x125xi32, #tpu.memory_space<hbm>> -> memref<160x125xi32, #tpu.memory_space<hbm>>
      tpu.enqueue_dma source(%dma_start3A_64 : memref<160x125xi32, #tpu.memory_space<hbm>>) target(%arg6 : memref<160x125xi32, #tpu.memory_space<vmem>>) target_semaphore(%run_scoped3A_56 : memref<!tpu.dma_semaphore, #tpu.memory_space<semaphore_mem>>)
      %dma_wait3A = arith.constant 0 : i32
      %dma_wait3A_65 = arith.constant 0 : i32
      %dma_wait3A_66 = tpu.memref_slice %arg3[%arg0, %arg1, %run_scoped3A, %dma_wait3A, %dma_wait3A_65] : memref<2x16x2x160x125xi32, #tpu.memory_space<hbm>> -> memref<1x1x1x160x125xi32, #tpu.memory_space<hbm>>
      %dma_wait3A_67 = tpu.memref_squeeze %dma_wait3A_66 : memref<1x1x1x160x125xi32, #tpu.memory_space<hbm>> -> memref<160x125xi32, #tpu.memory_space<hbm>>
      %dma_wait3A_68 = arith.constant 0 : i32
      %dma_wait3A_69 = arith.constant 0 : i32
      %dma_wait3A_70 = tpu.memref_slice %arg3[%arg0, %arg1, %run_scoped3A, %dma_wait3A_68, %dma_wait3A_69] : memref<2x16x2x160x125xi32, #tpu.memory_space<hbm>> -> memref<1x1x1x160x125xi32, #tpu.memory_space<hbm>>
      %dma_wait3A_71 = tpu.memref_squeeze %dma_wait3A_70 : memref<1x1x1x160x125xi32, #tpu.memory_space<hbm>> -> memref<160x125xi32, #tpu.memory_space<hbm>>
      tpu.wait_dma2 semaphore(%run_scoped3A_56 : memref<!tpu.dma_semaphore, #tpu.memory_space<semaphore_mem>>) src(%dma_wait3A_71 : memref<160x125xi32, #tpu.memory_space<hbm>>) dst(%arg6 : memref<160x125xi32, #tpu.memory_space<vmem>>)
      tpu.yield
    }) : () -> ()
    %run_scoped3A_1 = arith.constant 1 : i32
    "tpu.region"() ({
      %run_scoped3A_56 = tpu.sem_alloc : memref<!tpu.dma_semaphore, #tpu.memory_space<semaphore_mem>>
      %dma_start3A_57 = arith.constant 0 : i32
      %dma_start3A_58 = arith.constant 0 : i32
      %dma_start3A_59 = tpu.memref_slice %arg3[%arg0, %arg1, %run_scoped3A_1, %dma_start3A_57, %dma_start3A_58] : memref<2x16x2x160x125xi32, #tpu.memory_space<hbm>> -> memref<1x1x1x160x125xi32, #tpu.memory_space<hbm>>
      %dma_start3A_60 = tpu.memref_squeeze %dma_start3A_59 : memref<1x1x1x160x125xi32, #tpu.memory_space<hbm>> -> memref<160x125xi32, #tpu.memory_space<hbm>>
      %dma_start3A_61 = arith.constant 0 : i32
      %dma_start3A_62 = arith.constant 0 : i32
      %dma_start3A_63 = tpu.memref_slice %arg3[%arg0, %arg1, %run_scoped3A_1, %dma_start3A_61, %dma_start3A_62] : memref<2x16x2x160x125xi32, #tpu.memory_space<hbm>> -> memref<1x1x1x160x125xi32, #tpu.memory_space<hbm>>
      %dma_start3A_64 = tpu.memref_squeeze %dma_start3A_63 : memref<1x1x1x160x125xi32, #tpu.memory_space<hbm>> -> memref<160x125xi32, #tpu.memory_space<hbm>>
      tpu.enqueue_dma source(%dma_start3A_64 : memref<160x125xi32, #tpu.memory_space<hbm>>) target(%arg7 : memref<160x125xi32, #tpu.memory_space<vmem>>) target_semaphore(%run_scoped3A_56 : memref<!tpu.dma_semaphore, #tpu.memory_space<semaphore_mem>>)
      %dma_wait3A = arith.constant 0 : i32
      %dma_wait3A_65 = arith.constant 0 : i32
      %dma_wait3A_66 = tpu.memref_slice %arg3[%arg0, %arg1, %run_scoped3A_1, %dma_wait3A, %dma_wait3A_65] : memref<2x16x2x160x125xi32, #tpu.memory_space<hbm>> -> memref<1x1x1x160x125xi32, #tpu.memory_space<hbm>>
      %dma_wait3A_67 = tpu.memref_squeeze %dma_wait3A_66 : memref<1x1x1x160x125xi32, #tpu.memory_space<hbm>> -> memref<160x125xi32, #tpu.memory_space<hbm>>
      %dma_wait3A_68 = arith.constant 0 : i32
      %dma_wait3A_69 = arith.constant 0 : i32
      %dma_wait3A_70 = tpu.memref_slice %arg3[%arg0, %arg1, %run_scoped3A_1, %dma_wait3A_68, %dma_wait3A_69] : memref<2x16x2x160x125xi32, #tpu.memory_space<hbm>> -> memref<1x1x1x160x125xi32, #tpu.memory_space<hbm>>
      %dma_wait3A_71 = tpu.memref_squeeze %dma_wait3A_70 : memref<1x1x1x160x125xi32, #tpu.memory_space<hbm>> -> memref<160x125xi32, #tpu.memory_space<hbm>>
      tpu.wait_dma2 semaphore(%run_scoped3A_56 : memref<!tpu.dma_semaphore, #tpu.memory_space<semaphore_mem>>) src(%dma_wait3A_71 : memref<160x125xi32, #tpu.memory_space<hbm>>) dst(%arg7 : memref<160x125xi32, #tpu.memory_space<vmem>>)
      tpu.yield
    }) : () -> ()
    %barrier3A = arith.constant 0 : index
    tpu.barrier barrier_id(%barrier3A)
    %dma_start3A = arith.constant 0 : i32
    %dma_start3A_2 = arith.constant 0 : i32
    %dma_start3A_3 = tpu.memref_slice %arg6[%dma_start3A, %dma_start3A_2] : memref<160x125xi32, #tpu.memory_space<vmem>> -> memref<1x125xi32, #tpu.memory_space<vmem>>
    %dma_start3A_4 = tpu.memref_squeeze %dma_start3A_3 : memref<1x125xi32, #tpu.memory_space<vmem>> -> memref<125xi32, #tpu.memory_space<vmem>>
    %dma_start3A_5 = arith.constant 0 : i32
    %dma_start3A_6 = arith.constant 0 : i32
    %dma_start3A_7 = tpu.memref_slice %arg2[%dma_start3A_5, %dma_start3A_6] : memref<20480x64xbf16, #tpu.memory_space<hbm>> -> memref<20480x64xbf16, #tpu.memory_space<hbm>>
    tpu.enqueue_indirect_dma source(%dma_start3A_7 : memref<20480x64xbf16, #tpu.memory_space<hbm>>) target(%arg8 : memref<125x64xbf16, #tpu.memory_space<vmem>>) offsets(%dma_start3A_4 : memref<125xi32, #tpu.memory_space<vmem>>) semaphore(%arg17 : memref<!tpu.dma_semaphore, #tpu.memory_space<semaphore_mem>>)
    %dma_start3A_8 = arith.constant 1 : i32
    %dma_start3A_9 = arith.constant 0 : i32
    %dma_start3A_10 = tpu.memref_slice %arg6[%dma_start3A_8, %dma_start3A_9] : memref<160x125xi32, #tpu.memory_space<vmem>> -> memref<1x125xi32, #tpu.memory_space<vmem>>
    %dma_start3A_11 = tpu.memref_squeeze %dma_start3A_10 : memref<1x125xi32, #tpu.memory_space<vmem>> -> memref<125xi32, #tpu.memory_space<vmem>>
    %dma_start3A_12 = arith.constant 0 : i32
    %dma_start3A_13 = arith.constant 0 : i32
    %dma_start3A_14 = tpu.memref_slice %arg2[%dma_start3A_12, %dma_start3A_13] : memref<20480x64xbf16, #tpu.memory_space<hbm>> -> memref<20480x64xbf16, #tpu.memory_space<hbm>>
    tpu.enqueue_indirect_dma source(%dma_start3A_14 : memref<20480x64xbf16, #tpu.memory_space<hbm>>) target(%arg9 : memref<125x64xbf16, #tpu.memory_space<vmem>>) offsets(%dma_start3A_11 : memref<125xi32, #tpu.memory_space<vmem>>) semaphore(%arg17 : memref<!tpu.dma_semaphore, #tpu.memory_space<semaphore_mem>>)
    %dma_start3A_15 = arith.constant 2 : i32
    %dma_start3A_16 = arith.constant 0 : i32
    %dma_start3A_17 = tpu.memref_slice %arg6[%dma_start3A_15, %dma_start3A_16] : memref<160x125xi32, #tpu.memory_space<vmem>> -> memref<1x125xi32, #tpu.memory_space<vmem>>
    %dma_start3A_18 = tpu.memref_squeeze %dma_start3A_17 : memref<1x125xi32, #tpu.memory_space<vmem>> -> memref<125xi32, #tpu.memory_space<vmem>>
    %dma_start3A_19 = arith.constant 0 : i32
    %dma_start3A_20 = arith.constant 0 : i32
    %dma_start3A_21 = tpu.memref_slice %arg2[%dma_start3A_19, %dma_start3A_20] : memref<20480x64xbf16, #tpu.memory_space<hbm>> -> memref<20480x64xbf16, #tpu.memory_space<hbm>>
    tpu.enqueue_indirect_dma source(%dma_start3A_21 : memref<20480x64xbf16, #tpu.memory_space<hbm>>) target(%arg10 : memref<125x64xbf16, #tpu.memory_space<vmem>>) offsets(%dma_start3A_18 : memref<125xi32, #tpu.memory_space<vmem>>) semaphore(%arg17 : memref<!tpu.dma_semaphore, #tpu.memory_space<semaphore_mem>>)
    %dma_start3A_22 = arith.constant 3 : i32
    %dma_start3A_23 = arith.constant 0 : i32
    %dma_start3A_24 = tpu.memref_slice %arg6[%dma_start3A_22, %dma_start3A_23] : memref<160x125xi32, #tpu.memory_space<vmem>> -> memref<1x125xi32, #tpu.memory_space<vmem>>
    %dma_start3A_25 = tpu.memref_squeeze %dma_start3A_24 : memref<1x125xi32, #tpu.memory_space<vmem>> -> memref<125xi32, #tpu.memory_space<vmem>>
    %dma_start3A_26 = arith.constant 0 : i32
    %dma_start3A_27 = arith.constant 0 : i32
    %dma_start3A_28 = tpu.memref_slice %arg2[%dma_start3A_26, %dma_start3A_27] : memref<20480x64xbf16, #tpu.memory_space<hbm>> -> memref<20480x64xbf16, #tpu.memory_space<hbm>>
    tpu.enqueue_indirect_dma source(%dma_start3A_28 : memref<20480x64xbf16, #tpu.memory_space<hbm>>) target(%arg11 : memref<125x64xbf16, #tpu.memory_space<vmem>>) offsets(%dma_start3A_25 : memref<125xi32, #tpu.memory_space<vmem>>) semaphore(%arg17 : memref<!tpu.dma_semaphore, #tpu.memory_space<semaphore_mem>>)
    %dma_start3A_29 = arith.constant 4 : i32
    %dma_start3A_30 = arith.constant 0 : i32
    %dma_start3A_31 = tpu.memref_slice %arg6[%dma_start3A_29, %dma_start3A_30] : memref<160x125xi32, #tpu.memory_space<vmem>> -> memref<1x125xi32, #tpu.memory_space<vmem>>
    %dma_start3A_32 = tpu.memref_squeeze %dma_start3A_31 : memref<1x125xi32, #tpu.memory_space<vmem>> -> memref<125xi32, #tpu.memory_space<vmem>>
    %dma_start3A_33 = arith.constant 0 : i32
    %dma_start3A_34 = arith.constant 0 : i32
    %dma_start3A_35 = tpu.memref_slice %arg2[%dma_start3A_33, %dma_start3A_34] : memref<20480x64xbf16, #tpu.memory_space<hbm>> -> memref<20480x64xbf16, #tpu.memory_space<hbm>>
    tpu.enqueue_indirect_dma source(%dma_start3A_35 : memref<20480x64xbf16, #tpu.memory_space<hbm>>) target(%arg12 : memref<125x64xbf16, #tpu.memory_space<vmem>>) offsets(%dma_start3A_32 : memref<125xi32, #tpu.memory_space<vmem>>) semaphore(%arg17 : memref<!tpu.dma_semaphore, #tpu.memory_space<semaphore_mem>>)
    %dma_start3A_36 = arith.constant 5 : i32
    %dma_start3A_37 = arith.constant 0 : i32
    %dma_start3A_38 = tpu.memref_slice %arg6[%dma_start3A_36, %dma_start3A_37] : memref<160x125xi32, #tpu.memory_space<vmem>> -> memref<1x125xi32, #tpu.memory_space<vmem>>
    %dma_start3A_39 = tpu.memref_squeeze %dma_start3A_38 : memref<1x125xi32, #tpu.memory_space<vmem>> -> memref<125xi32, #tpu.memory_space<vmem>>
    %dma_start3A_40 = arith.constant 0 : i32
    %dma_start3A_41 = arith.constant 0 : i32
    %dma_start3A_42 = tpu.memref_slice %arg2[%dma_start3A_40, %dma_start3A_41] : memref<20480x64xbf16, #tpu.memory_space<hbm>> -> memref<20480x64xbf16, #tpu.memory_space<hbm>>
    tpu.enqueue_indirect_dma source(%dma_start3A_42 : memref<20480x64xbf16, #tpu.memory_space<hbm>>) target(%arg13 : memref<125x64xbf16, #tpu.memory_space<vmem>>) offsets(%dma_start3A_39 : memref<125xi32, #tpu.memory_space<vmem>>) semaphore(%arg17 : memref<!tpu.dma_semaphore, #tpu.memory_space<semaphore_mem>>)
    %dma_start3A_43 = arith.constant 6 : i32
    %dma_start3A_44 = arith.constant 0 : i32
    %dma_start3A_45 = tpu.memref_slice %arg6[%dma_start3A_43, %dma_start3A_44] : memref<160x125xi32, #tpu.memory_space<vmem>> -> memref<1x125xi32, #tpu.memory_space<vmem>>
    %dma_start3A_46 = tpu.memref_squeeze %dma_start3A_45 : memref<1x125xi32, #tpu.memory_space<vmem>> -> memref<125xi32, #tpu.memory_space<vmem>>
    %dma_start3A_47 = arith.constant 0 : i32
    %dma_start3A_48 = arith.constant 0 : i32
    %dma_start3A_49 = tpu.memref_slice %arg2[%dma_start3A_47, %dma_start3A_48] : memref<20480x64xbf16, #tpu.memory_space<hbm>> -> memref<20480x64xbf16, #tpu.memory_space<hbm>>
    tpu.enqueue_indirect_dma source(%dma_start3A_49 : memref<20480x64xbf16, #tpu.memory_space<hbm>>) target(%arg14 : memref<125x64xbf16, #tpu.memory_space<vmem>>) offsets(%dma_start3A_46 : memref<125xi32, #tpu.memory_space<vmem>>) semaphore(%arg17 : memref<!tpu.dma_semaphore, #tpu.memory_space<semaphore_mem>>)
    %scan3A = arith.constant 0 : i32
    %scan3A_50 = arith.constant 0 : i32
    %scan3A_51 = arith.constant 20 : i32
    %scan3A_52 = arith.addi %scan3A_50, %scan3A_51 : i32
    %scan3A_53 = arith.constant 1 : i32
    scf.for %scan3A_56 = %scan3A_50 to %scan3A_52 step %scan3A_53  : i32 {
      %mul3A_57 = arith.constant 8 : i32
      %mul3A_58 = arith.muli %scan3A_56, %mul3A_57 : i32
      %add3A = arith.constant 0 : i32
      %add3A_59 = arith.addi %mul3A_58, %add3A : i32
      %dma_wait3A = arith.constant 0 : i32
      %dma_wait3A_60 = tpu.memref_slice %arg6[%add3A_59, %dma_wait3A] : memref<160x125xi32, #tpu.memory_space<vmem>> -> memref<1x125xi32, #tpu.memory_space<vmem>>
      %dma_wait3A_61 = tpu.memref_squeeze %dma_wait3A_60 : memref<1x125xi32, #tpu.memory_space<vmem>> -> memref<125xi32, #tpu.memory_space<vmem>>
      %dma_wait3A_62 = arith.constant 0 : i32
      %dma_wait3A_63 = arith.constant 0 : i32
      %dma_wait3A_64 = tpu.memref_slice %arg2[%dma_wait3A_62, %dma_wait3A_63] : memref<20480x64xbf16, #tpu.memory_space<hbm>> -> memref<20480x64xbf16, #tpu.memory_space<hbm>>
      tpu.wait_indirect_dma semaphore(%arg17 : memref<!tpu.dma_semaphore, #tpu.memory_space<semaphore_mem>>) src(%dma_wait3A_64 : memref<20480x64xbf16, #tpu.memory_space<hbm>>) dst(%arg8 : memref<125x64xbf16, #tpu.memory_space<vmem>>)
      %add3A_65 = arith.constant 8 : i32
      %add3A_66 = arith.addi %add3A_59, %add3A_65 : i32
      %sub3A = arith.constant 1 : i32
      %sub3A_67 = arith.subi %add3A_66, %sub3A : i32
      %lt3A = arith.constant 160 : i32
      %lt3A_68 = arith.cmpi slt, %sub3A_67, %lt3A : i32
      %convert_element_type3A = arith.extui %lt3A_68 : i1 to i32
      %cond3A = arith.constant 0 : i32
      %cond3A_69 = arith.cmpi ne, %convert_element_type3A, %cond3A : i32
      scf.if %cond3A_69 {
        %add3A_189 = arith.constant 8 : i32
        %add3A_190 = arith.addi %add3A_59, %add3A_189 : i32
        %sub3A_191 = arith.constant 1 : i32
        %sub3A_192 = arith.subi %add3A_190, %sub3A_191 : i32
        %dma_start3A_193 = arith.constant 0 : i32
        %dma_start3A_194 = tpu.memref_slice %arg6[%sub3A_192, %dma_start3A_193] : memref<160x125xi32, #tpu.memory_space<vmem>> -> memref<1x125xi32, #tpu.memory_space<vmem>>
        %dma_start3A_195 = tpu.memref_squeeze %dma_start3A_194 : memref<1x125xi32, #tpu.memory_space<vmem>> -> memref<125xi32, #tpu.memory_space<vmem>>
        %dma_start3A_196 = arith.constant 0 : i32
        %dma_start3A_197 = arith.constant 0 : i32
        %dma_start3A_198 = tpu.memref_slice %arg2[%dma_start3A_196, %dma_start3A_197] : memref<20480x64xbf16, #tpu.memory_space<hbm>> -> memref<20480x64xbf16, #tpu.memory_space<hbm>>
        tpu.enqueue_indirect_dma source(%dma_start3A_198 : memref<20480x64xbf16, #tpu.memory_space<hbm>>) target(%arg15 : memref<125x64xbf16, #tpu.memory_space<vmem>>) offsets(%dma_start3A_195 : memref<125xi32, #tpu.memory_space<vmem>>) semaphore(%arg17 : memref<!tpu.dma_semaphore, #tpu.memory_space<semaphore_mem>>)
      } else {
      }
      "tpu.region"() ({
        %run_scoped3A_189 = tpu.sem_alloc : memref<!tpu.dma_semaphore, #tpu.memory_space<semaphore_mem>>
        %dma_start3A_190 = arith.constant 0 : i32
        %dma_start3A_191 = tpu.memref_slice %arg7[%add3A_59, %dma_start3A_190] : memref<160x125xi32, #tpu.memory_space<vmem>> -> memref<1x125xi32, #tpu.memory_space<vmem>>
        %dma_start3A_192 = tpu.memref_squeeze %dma_start3A_191 : memref<1x125xi32, #tpu.memory_space<vmem>> -> memref<125xi32, #tpu.memory_space<vmem>>
        %dma_start3A_193 = arith.constant 0 : i32
        %dma_start3A_194 = arith.constant 0 : i32
        %dma_start3A_195 = tpu.memref_slice %arg16[%dma_start3A_193, %dma_start3A_194] : memref<10240x64xbf16, #tpu.memory_space<vmem_shared>> -> memref<10240x64xbf16, #tpu.memory_space<vmem_shared>>
        tpu.enqueue_indirect_dma source(%arg8 : memref<125x64xbf16, #tpu.memory_space<vmem>>) target(%dma_start3A_195 : memref<10240x64xbf16, #tpu.memory_space<vmem_shared>>) offsets(%dma_start3A_192 : memref<125xi32, #tpu.memory_space<vmem>>) semaphore(%run_scoped3A_189 : memref<!tpu.dma_semaphore, #tpu.memory_space<semaphore_mem>>) {add = true}
        %dma_wait3A_196 = arith.constant 0 : i32
        %dma_wait3A_197 = tpu.memref_slice %arg7[%add3A_59, %dma_wait3A_196] : memref<160x125xi32, #tpu.memory_space<vmem>> -> memref<1x125xi32, #tpu.memory_space<vmem>>
        %dma_wait3A_198 = tpu.memref_squeeze %dma_wait3A_197 : memref<1x125xi32, #tpu.memory_space<vmem>> -> memref<125xi32, #tpu.memory_space<vmem>>
        %dma_wait3A_199 = arith.constant 0 : i32
        %dma_wait3A_200 = arith.constant 0 : i32
        %dma_wait3A_201 = tpu.memref_slice %arg16[%dma_wait3A_199, %dma_wait3A_200] : memref<10240x64xbf16, #tpu.memory_space<vmem_shared>> -> memref<10240x64xbf16, #tpu.memory_space<vmem_shared>>
        tpu.wait_indirect_dma semaphore(%run_scoped3A_189 : memref<!tpu.dma_semaphore, #tpu.memory_space<semaphore_mem>>) src(%arg8 : memref<125x64xbf16, #tpu.memory_space<vmem>>) dst(%dma_wait3A_201 : memref<10240x64xbf16, #tpu.memory_space<vmem_shared>>)
        tpu.yield
      }) : () -> ()
      %add3A_70 = arith.constant 1 : i32
      %add3A_71 = arith.addi %mul3A_58, %add3A_70 : i32
      %dma_wait3A_72 = arith.constant 0 : i32
      %dma_wait3A_73 = tpu.memref_slice %arg6[%add3A_71, %dma_wait3A_72] : memref<160x125xi32, #tpu.memory_space<vmem>> -> memref<1x125xi32, #tpu.memory_space<vmem>>
      %dma_wait3A_74 = tpu.memref_squeeze %dma_wait3A_73 : memref<1x125xi32, #tpu.memory_space<vmem>> -> memref<125xi32, #tpu.memory_space<vmem>>
      %dma_wait3A_75 = arith.constant 0 : i32
      %dma_wait3A_76 = arith.constant 0 : i32
      %dma_wait3A_77 = tpu.memref_slice %arg2[%dma_wait3A_75, %dma_wait3A_76] : memref<20480x64xbf16, #tpu.memory_space<hbm>> -> memref<20480x64xbf16, #tpu.memory_space<hbm>>
      tpu.wait_indirect_dma semaphore(%arg17 : memref<!tpu.dma_semaphore, #tpu.memory_space<semaphore_mem>>) src(%dma_wait3A_77 : memref<20480x64xbf16, #tpu.memory_space<hbm>>) dst(%arg9 : memref<125x64xbf16, #tpu.memory_space<vmem>>)
      %add3A_78 = arith.constant 8 : i32
      %add3A_79 = arith.addi %add3A_71, %add3A_78 : i32
      %sub3A_80 = arith.constant 1 : i32
      %sub3A_81 = arith.subi %add3A_79, %sub3A_80 : i32
      %lt3A_82 = arith.constant 160 : i32
      %lt3A_83 = arith.cmpi slt, %sub3A_81, %lt3A_82 : i32
      %convert_element_type3A_84 = arith.extui %lt3A_83 : i1 to i32
      %cond3A_85 = arith.constant 0 : i32
      %cond3A_86 = arith.cmpi ne, %convert_element_type3A_84, %cond3A_85 : i32
      scf.if %cond3A_86 {
        %add3A_189 = arith.constant 8 : i32
        %add3A_190 = arith.addi %add3A_71, %add3A_189 : i32
        %sub3A_191 = arith.constant 1 : i32
        %sub3A_192 = arith.subi %add3A_190, %sub3A_191 : i32
        %dma_start3A_193 = arith.constant 0 : i32
        %dma_start3A_194 = tpu.memref_slice %arg6[%sub3A_192, %dma_start3A_193] : memref<160x125xi32, #tpu.memory_space<vmem>> -> memref<1x125xi32, #tpu.memory_space<vmem>>
        %dma_start3A_195 = tpu.memref_squeeze %dma_start3A_194 : memref<1x125xi32, #tpu.memory_space<vmem>> -> memref<125xi32, #tpu.memory_space<vmem>>
        %dma_start3A_196 = arith.constant 0 : i32
        %dma_start3A_197 = arith.constant 0 : i32
        %dma_start3A_198 = tpu.memref_slice %arg2[%dma_start3A_196, %dma_start3A_197] : memref<20480x64xbf16, #tpu.memory_space<hbm>> -> memref<20480x64xbf16, #tpu.memory_space<hbm>>
        tpu.enqueue_indirect_dma source(%dma_start3A_198 : memref<20480x64xbf16, #tpu.memory_space<hbm>>) target(%arg8 : memref<125x64xbf16, #tpu.memory_space<vmem>>) offsets(%dma_start3A_195 : memref<125xi32, #tpu.memory_space<vmem>>) semaphore(%arg17 : memref<!tpu.dma_semaphore, #tpu.memory_space<semaphore_mem>>)
      } else {
      }
      "tpu.region"() ({
        %run_scoped3A_189 = tpu.sem_alloc : memref<!tpu.dma_semaphore, #tpu.memory_space<semaphore_mem>>
        %dma_start3A_190 = arith.constant 0 : i32
        %dma_start3A_191 = tpu.memref_slice %arg7[%add3A_71, %dma_start3A_190] : memref<160x125xi32, #tpu.memory_space<vmem>> -> memref<1x125xi32, #tpu.memory_space<vmem>>
        %dma_start3A_192 = tpu.memref_squeeze %dma_start3A_191 : memref<1x125xi32, #tpu.memory_space<vmem>> -> memref<125xi32, #tpu.memory_space<vmem>>
        %dma_start3A_193 = arith.constant 0 : i32
        %dma_start3A_194 = arith.constant 0 : i32
        %dma_start3A_195 = tpu.memref_slice %arg16[%dma_start3A_193, %dma_start3A_194] : memref<10240x64xbf16, #tpu.memory_space<vmem_shared>> -> memref<10240x64xbf16, #tpu.memory_space<vmem_shared>>
        tpu.enqueue_indirect_dma source(%arg9 : memref<125x64xbf16, #tpu.memory_space<vmem>>) target(%dma_start3A_195 : memref<10240x64xbf16, #tpu.memory_space<vmem_shared>>) offsets(%dma_start3A_192 : memref<125xi32, #tpu.memory_space<vmem>>) semaphore(%run_scoped3A_189 : memref<!tpu.dma_semaphore, #tpu.memory_space<semaphore_mem>>) {add = true}
        %dma_wait3A_196 = arith.constant 0 : i32
        %dma_wait3A_197 = tpu.memref_slice %arg7[%add3A_71, %dma_wait3A_196] : memref<160x125xi32, #tpu.memory_space<vmem>> -> memref<1x125xi32, #tpu.memory_space<vmem>>
        %dma_wait3A_198 = tpu.memref_squeeze %dma_wait3A_197 : memref<1x125xi32, #tpu.memory_space<vmem>> -> memref<125xi32, #tpu.memory_space<vmem>>
        %dma_wait3A_199 = arith.constant 0 : i32
        %dma_wait3A_200 = arith.constant 0 : i32
        %dma_wait3A_201 = tpu.memref_slice %arg16[%dma_wait3A_199, %dma_wait3A_200] : memref<10240x64xbf16, #tpu.memory_space<vmem_shared>> -> memref<10240x64xbf16, #tpu.memory_space<vmem_shared>>
        tpu.wait_indirect_dma semaphore(%run_scoped3A_189 : memref<!tpu.dma_semaphore, #tpu.memory_space<semaphore_mem>>) src(%arg9 : memref<125x64xbf16, #tpu.memory_space<vmem>>) dst(%dma_wait3A_201 : memref<10240x64xbf16, #tpu.memory_space<vmem_shared>>)
        tpu.yield
      }) : () -> ()
      %add3A_87 = arith.constant 2 : i32
      %add3A_88 = arith.addi %mul3A_58, %add3A_87 : i32
      %dma_wait3A_89 = arith.constant 0 : i32
      %dma_wait3A_90 = tpu.memref_slice %arg6[%add3A_88, %dma_wait3A_89] : memref<160x125xi32, #tpu.memory_space<vmem>> -> memref<1x125xi32, #tpu.memory_space<vmem>>
      %dma_wait3A_91 = tpu.memref_squeeze %dma_wait3A_90 : memref<1x125xi32, #tpu.memory_space<vmem>> -> memref<125xi32, #tpu.memory_space<vmem>>
      %dma_wait3A_92 = arith.constant 0 : i32
      %dma_wait3A_93 = arith.constant 0 : i32
      %dma_wait3A_94 = tpu.memref_slice %arg2[%dma_wait3A_92, %dma_wait3A_93] : memref<20480x64xbf16, #tpu.memory_space<hbm>> -> memref<20480x64xbf16, #tpu.memory_space<hbm>>
      tpu.wait_indirect_dma semaphore(%arg17 : memref<!tpu.dma_semaphore, #tpu.memory_space<semaphore_mem>>) src(%dma_wait3A_94 : memref<20480x64xbf16, #tpu.memory_space<hbm>>) dst(%arg10 : memref<125x64xbf16, #tpu.memory_space<vmem>>)
      %add3A_95 = arith.constant 8 : i32
      %add3A_96 = arith.addi %add3A_88, %add3A_95 : i32
      %sub3A_97 = arith.constant 1 : i32
      %sub3A_98 = arith.subi %add3A_96, %sub3A_97 : i32
      %lt3A_99 = arith.constant 160 : i32
      %lt3A_100 = arith.cmpi slt, %sub3A_98, %lt3A_99 : i32
      %convert_element_type3A_101 = arith.extui %lt3A_100 : i1 to i32
      %cond3A_102 = arith.constant 0 : i32
      %cond3A_103 = arith.cmpi ne, %convert_element_type3A_101, %cond3A_102 : i32
      scf.if %cond3A_103 {
        %add3A_189 = arith.constant 8 : i32
        %add3A_190 = arith.addi %add3A_88, %add3A_189 : i32
        %sub3A_191 = arith.constant 1 : i32
        %sub3A_192 = arith.subi %add3A_190, %sub3A_191 : i32
        %dma_start3A_193 = arith.constant 0 : i32
        %dma_start3A_194 = tpu.memref_slice %arg6[%sub3A_192, %dma_start3A_193] : memref<160x125xi32, #tpu.memory_space<vmem>> -> memref<1x125xi32, #tpu.memory_space<vmem>>
        %dma_start3A_195 = tpu.memref_squeeze %dma_start3A_194 : memref<1x125xi32, #tpu.memory_space<vmem>> -> memref<125xi32, #tpu.memory_space<vmem>>
        %dma_start3A_196 = arith.constant 0 : i32
        %dma_start3A_197 = arith.constant 0 : i32
        %dma_start3A_198 = tpu.memref_slice %arg2[%dma_start3A_196, %dma_start3A_197] : memref<20480x64xbf16, #tpu.memory_space<hbm>> -> memref<20480x64xbf16, #tpu.memory_space<hbm>>
        tpu.enqueue_indirect_dma source(%dma_start3A_198 : memref<20480x64xbf16, #tpu.memory_space<hbm>>) target(%arg9 : memref<125x64xbf16, #tpu.memory_space<vmem>>) offsets(%dma_start3A_195 : memref<125xi32, #tpu.memory_space<vmem>>) semaphore(%arg17 : memref<!tpu.dma_semaphore, #tpu.memory_space<semaphore_mem>>)
      } else {
      }
      "tpu.region"() ({
        %run_scoped3A_189 = tpu.sem_alloc : memref<!tpu.dma_semaphore, #tpu.memory_space<semaphore_mem>>
        %dma_start3A_190 = arith.constant 0 : i32
        %dma_start3A_191 = tpu.memref_slice %arg7[%add3A_88, %dma_start3A_190] : memref<160x125xi32, #tpu.memory_space<vmem>> -> memref<1x125xi32, #tpu.memory_space<vmem>>
        %dma_start3A_192 = tpu.memref_squeeze %dma_start3A_191 : memref<1x125xi32, #tpu.memory_space<vmem>> -> memref<125xi32, #tpu.memory_space<vmem>>
        %dma_start3A_193 = arith.constant 0 : i32
        %dma_start3A_194 = arith.constant 0 : i32
        %dma_start3A_195 = tpu.memref_slice %arg16[%dma_start3A_193, %dma_start3A_194] : memref<10240x64xbf16, #tpu.memory_space<vmem_shared>> -> memref<10240x64xbf16, #tpu.memory_space<vmem_shared>>
        tpu.enqueue_indirect_dma source(%arg10 : memref<125x64xbf16, #tpu.memory_space<vmem>>) target(%dma_start3A_195 : memref<10240x64xbf16, #tpu.memory_space<vmem_shared>>) offsets(%dma_start3A_192 : memref<125xi32, #tpu.memory_space<vmem>>) semaphore(%run_scoped3A_189 : memref<!tpu.dma_semaphore, #tpu.memory_space<semaphore_mem>>) {add = true}
        %dma_wait3A_196 = arith.constant 0 : i32
        %dma_wait3A_197 = tpu.memref_slice %arg7[%add3A_88, %dma_wait3A_196] : memref<160x125xi32, #tpu.memory_space<vmem>> -> memref<1x125xi32, #tpu.memory_space<vmem>>
        %dma_wait3A_198 = tpu.memref_squeeze %dma_wait3A_197 : memref<1x125xi32, #tpu.memory_space<vmem>> -> memref<125xi32, #tpu.memory_space<vmem>>
        %dma_wait3A_199 = arith.constant 0 : i32
        %dma_wait3A_200 = arith.constant 0 : i32
        %dma_wait3A_201 = tpu.memref_slice %arg16[%dma_wait3A_199, %dma_wait3A_200] : memref<10240x64xbf16, #tpu.memory_space<vmem_shared>> -> memref<10240x64xbf16, #tpu.memory_space<vmem_shared>>
        tpu.wait_indirect_dma semaphore(%run_scoped3A_189 : memref<!tpu.dma_semaphore, #tpu.memory_space<semaphore_mem>>) src(%arg10 : memref<125x64xbf16, #tpu.memory_space<vmem>>) dst(%dma_wait3A_201 : memref<10240x64xbf16, #tpu.memory_space<vmem_shared>>)
        tpu.yield
      }) : () -> ()
      %add3A_104 = arith.constant 3 : i32
      %add3A_105 = arith.addi %mul3A_58, %add3A_104 : i32
      %dma_wait3A_106 = arith.constant 0 : i32
      %dma_wait3A_107 = tpu.memref_slice %arg6[%add3A_105, %dma_wait3A_106] : memref<160x125xi32, #tpu.memory_space<vmem>> -> memref<1x125xi32, #tpu.memory_space<vmem>>
      %dma_wait3A_108 = tpu.memref_squeeze %dma_wait3A_107 : memref<1x125xi32, #tpu.memory_space<vmem>> -> memref<125xi32, #tpu.memory_space<vmem>>
      %dma_wait3A_109 = arith.constant 0 : i32
      %dma_wait3A_110 = arith.constant 0 : i32
      %dma_wait3A_111 = tpu.memref_slice %arg2[%dma_wait3A_109, %dma_wait3A_110] : memref<20480x64xbf16, #tpu.memory_space<hbm>> -> memref<20480x64xbf16, #tpu.memory_space<hbm>>
      tpu.wait_indirect_dma semaphore(%arg17 : memref<!tpu.dma_semaphore, #tpu.memory_space<semaphore_mem>>) src(%dma_wait3A_111 : memref<20480x64xbf16, #tpu.memory_space<hbm>>) dst(%arg11 : memref<125x64xbf16, #tpu.memory_space<vmem>>)
      %add3A_112 = arith.constant 8 : i32
      %add3A_113 = arith.addi %add3A_105, %add3A_112 : i32
      %sub3A_114 = arith.constant 1 : i32
      %sub3A_115 = arith.subi %add3A_113, %sub3A_114 : i32
      %lt3A_116 = arith.constant 160 : i32
      %lt3A_117 = arith.cmpi slt, %sub3A_115, %lt3A_116 : i32
      %convert_element_type3A_118 = arith.extui %lt3A_117 : i1 to i32
      %cond3A_119 = arith.constant 0 : i32
      %cond3A_120 = arith.cmpi ne, %convert_element_type3A_118, %cond3A_119 : i32
      scf.if %cond3A_120 {
        %add3A_189 = arith.constant 8 : i32
        %add3A_190 = arith.addi %add3A_105, %add3A_189 : i32
        %sub3A_191 = arith.constant 1 : i32
        %sub3A_192 = arith.subi %add3A_190, %sub3A_191 : i32
        %dma_start3A_193 = arith.constant 0 : i32
        %dma_start3A_194 = tpu.memref_slice %arg6[%sub3A_192, %dma_start3A_193] : memref<160x125xi32, #tpu.memory_space<vmem>> -> memref<1x125xi32, #tpu.memory_space<vmem>>
        %dma_start3A_195 = tpu.memref_squeeze %dma_start3A_194 : memref<1x125xi32, #tpu.memory_space<vmem>> -> memref<125xi32, #tpu.memory_space<vmem>>
        %dma_start3A_196 = arith.constant 0 : i32
        %dma_start3A_197 = arith.constant 0 : i32
        %dma_start3A_198 = tpu.memref_slice %arg2[%dma_start3A_196, %dma_start3A_197] : memref<20480x64xbf16, #tpu.memory_space<hbm>> -> memref<20480x64xbf16, #tpu.memory_space<hbm>>
        tpu.enqueue_indirect_dma source(%dma_start3A_198 : memref<20480x64xbf16, #tpu.memory_space<hbm>>) target(%arg10 : memref<125x64xbf16, #tpu.memory_space<vmem>>) offsets(%dma_start3A_195 : memref<125xi32, #tpu.memory_space<vmem>>) semaphore(%arg17 : memref<!tpu.dma_semaphore, #tpu.memory_space<semaphore_mem>>)
      } else {
      }
      "tpu.region"() ({
        %run_scoped3A_189 = tpu.sem_alloc : memref<!tpu.dma_semaphore, #tpu.memory_space<semaphore_mem>>
        %dma_start3A_190 = arith.constant 0 : i32
        %dma_start3A_191 = tpu.memref_slice %arg7[%add3A_105, %dma_start3A_190] : memref<160x125xi32, #tpu.memory_space<vmem>> -> memref<1x125xi32, #tpu.memory_space<vmem>>
        %dma_start3A_192 = tpu.memref_squeeze %dma_start3A_191 : memref<1x125xi32, #tpu.memory_space<vmem>> -> memref<125xi32, #tpu.memory_space<vmem>>
        %dma_start3A_193 = arith.constant 0 : i32
        %dma_start3A_194 = arith.constant 0 : i32
        %dma_start3A_195 = tpu.memref_slice %arg16[%dma_start3A_193, %dma_start3A_194] : memref<10240x64xbf16, #tpu.memory_space<vmem_shared>> -> memref<10240x64xbf16, #tpu.memory_space<vmem_shared>>
        tpu.enqueue_indirect_dma source(%arg11 : memref<125x64xbf16, #tpu.memory_space<vmem>>) target(%dma_start3A_195 : memref<10240x64xbf16, #tpu.memory_space<vmem_shared>>) offsets(%dma_start3A_192 : memref<125xi32, #tpu.memory_space<vmem>>) semaphore(%run_scoped3A_189 : memref<!tpu.dma_semaphore, #tpu.memory_space<semaphore_mem>>) {add = true}
        %dma_wait3A_196 = arith.constant 0 : i32
        %dma_wait3A_197 = tpu.memref_slice %arg7[%add3A_105, %dma_wait3A_196] : memref<160x125xi32, #tpu.memory_space<vmem>> -> memref<1x125xi32, #tpu.memory_space<vmem>>
        %dma_wait3A_198 = tpu.memref_squeeze %dma_wait3A_197 : memref<1x125xi32, #tpu.memory_space<vmem>> -> memref<125xi32, #tpu.memory_space<vmem>>
        %dma_wait3A_199 = arith.constant 0 : i32
        %dma_wait3A_200 = arith.constant 0 : i32
        %dma_wait3A_201 = tpu.memref_slice %arg16[%dma_wait3A_199, %dma_wait3A_200] : memref<10240x64xbf16, #tpu.memory_space<vmem_shared>> -> memref<10240x64xbf16, #tpu.memory_space<vmem_shared>>
        tpu.wait_indirect_dma semaphore(%run_scoped3A_189 : memref<!tpu.dma_semaphore, #tpu.memory_space<semaphore_mem>>) src(%arg11 : memref<125x64xbf16, #tpu.memory_space<vmem>>) dst(%dma_wait3A_201 : memref<10240x64xbf16, #tpu.memory_space<vmem_shared>>)
        tpu.yield
      }) : () -> ()
      %add3A_121 = arith.constant 4 : i32
      %add3A_122 = arith.addi %mul3A_58, %add3A_121 : i32
      %dma_wait3A_123 = arith.constant 0 : i32
      %dma_wait3A_124 = tpu.memref_slice %arg6[%add3A_122, %dma_wait3A_123] : memref<160x125xi32, #tpu.memory_space<vmem>> -> memref<1x125xi32, #tpu.memory_space<vmem>>
      %dma_wait3A_125 = tpu.memref_squeeze %dma_wait3A_124 : memref<1x125xi32, #tpu.memory_space<vmem>> -> memref<125xi32, #tpu.memory_space<vmem>>
      %dma_wait3A_126 = arith.constant 0 : i32
      %dma_wait3A_127 = arith.constant 0 : i32
      %dma_wait3A_128 = tpu.memref_slice %arg2[%dma_wait3A_126, %dma_wait3A_127] : memref<20480x64xbf16, #tpu.memory_space<hbm>> -> memref<20480x64xbf16, #tpu.memory_space<hbm>>
      tpu.wait_indirect_dma semaphore(%arg17 : memref<!tpu.dma_semaphore, #tpu.memory_space<semaphore_mem>>) src(%dma_wait3A_128 : memref<20480x64xbf16, #tpu.memory_space<hbm>>) dst(%arg12 : memref<125x64xbf16, #tpu.memory_space<vmem>>)
      %add3A_129 = arith.constant 8 : i32
      %add3A_130 = arith.addi %add3A_122, %add3A_129 : i32
      %sub3A_131 = arith.constant 1 : i32
      %sub3A_132 = arith.subi %add3A_130, %sub3A_131 : i32
      %lt3A_133 = arith.constant 160 : i32
      %lt3A_134 = arith.cmpi slt, %sub3A_132, %lt3A_133 : i32
      %convert_element_type3A_135 = arith.extui %lt3A_134 : i1 to i32
      %cond3A_136 = arith.constant 0 : i32
      %cond3A_137 = arith.cmpi ne, %convert_element_type3A_135, %cond3A_136 : i32
      scf.if %cond3A_137 {
        %add3A_189 = arith.constant 8 : i32
        %add3A_190 = arith.addi %add3A_122, %add3A_189 : i32
        %sub3A_191 = arith.constant 1 : i32
        %sub3A_192 = arith.subi %add3A_190, %sub3A_191 : i32
        %dma_start3A_193 = arith.constant 0 : i32
        %dma_start3A_194 = tpu.memref_slice %arg6[%sub3A_192, %dma_start3A_193] : memref<160x125xi32, #tpu.memory_space<vmem>> -> memref<1x125xi32, #tpu.memory_space<vmem>>
        %dma_start3A_195 = tpu.memref_squeeze %dma_start3A_194 : memref<1x125xi32, #tpu.memory_space<vmem>> -> memref<125xi32, #tpu.memory_space<vmem>>
        %dma_start3A_196 = arith.constant 0 : i32
        %dma_start3A_197 = arith.constant 0 : i32
        %dma_start3A_198 = tpu.memref_slice %arg2[%dma_start3A_196, %dma_start3A_197] : memref<20480x64xbf16, #tpu.memory_space<hbm>> -> memref<20480x64xbf16, #tpu.memory_space<hbm>>
        tpu.enqueue_indirect_dma source(%dma_start3A_198 : memref<20480x64xbf16, #tpu.memory_space<hbm>>) target(%arg11 : memref<125x64xbf16, #tpu.memory_space<vmem>>) offsets(%dma_start3A_195 : memref<125xi32, #tpu.memory_space<vmem>>) semaphore(%arg17 : memref<!tpu.dma_semaphore, #tpu.memory_space<semaphore_mem>>)
      } else {
      }
      "tpu.region"() ({
        %run_scoped3A_189 = tpu.sem_alloc : memref<!tpu.dma_semaphore, #tpu.memory_space<semaphore_mem>>
        %dma_start3A_190 = arith.constant 0 : i32
        %dma_start3A_191 = tpu.memref_slice %arg7[%add3A_122, %dma_start3A_190] : memref<160x125xi32, #tpu.memory_space<vmem>> -> memref<1x125xi32, #tpu.memory_space<vmem>>
        %dma_start3A_192 = tpu.memref_squeeze %dma_start3A_191 : memref<1x125xi32, #tpu.memory_space<vmem>> -> memref<125xi32, #tpu.memory_space<vmem>>
        %dma_start3A_193 = arith.constant 0 : i32
        %dma_start3A_194 = arith.constant 0 : i32
        %dma_start3A_195 = tpu.memref_slice %arg16[%dma_start3A_193, %dma_start3A_194] : memref<10240x64xbf16, #tpu.memory_space<vmem_shared>> -> memref<10240x64xbf16, #tpu.memory_space<vmem_shared>>
        tpu.enqueue_indirect_dma source(%arg12 : memref<125x64xbf16, #tpu.memory_space<vmem>>) target(%dma_start3A_195 : memref<10240x64xbf16, #tpu.memory_space<vmem_shared>>) offsets(%dma_start3A_192 : memref<125xi32, #tpu.memory_space<vmem>>) semaphore(%run_scoped3A_189 : memref<!tpu.dma_semaphore, #tpu.memory_space<semaphore_mem>>) {add = true}
        %dma_wait3A_196 = arith.constant 0 : i32
        %dma_wait3A_197 = tpu.memref_slice %arg7[%add3A_122, %dma_wait3A_196] : memref<160x125xi32, #tpu.memory_space<vmem>> -> memref<1x125xi32, #tpu.memory_space<vmem>>
        %dma_wait3A_198 = tpu.memref_squeeze %dma_wait3A_197 : memref<1x125xi32, #tpu.memory_space<vmem>> -> memref<125xi32, #tpu.memory_space<vmem>>
        %dma_wait3A_199 = arith.constant 0 : i32
        %dma_wait3A_200 = arith.constant 0 : i32
        %dma_wait3A_201 = tpu.memref_slice %arg16[%dma_wait3A_199, %dma_wait3A_200] : memref<10240x64xbf16, #tpu.memory_space<vmem_shared>> -> memref<10240x64xbf16, #tpu.memory_space<vmem_shared>>
        tpu.wait_indirect_dma semaphore(%run_scoped3A_189 : memref<!tpu.dma_semaphore, #tpu.memory_space<semaphore_mem>>) src(%arg12 : memref<125x64xbf16, #tpu.memory_space<vmem>>) dst(%dma_wait3A_201 : memref<10240x64xbf16, #tpu.memory_space<vmem_shared>>)
        tpu.yield
      }) : () -> ()
      %add3A_138 = arith.constant 5 : i32
      %add3A_139 = arith.addi %mul3A_58, %add3A_138 : i32
      %dma_wait3A_140 = arith.constant 0 : i32
      %dma_wait3A_141 = tpu.memref_slice %arg6[%add3A_139, %dma_wait3A_140] : memref<160x125xi32, #tpu.memory_space<vmem>> -> memref<1x125xi32, #tpu.memory_space<vmem>>
      %dma_wait3A_142 = tpu.memref_squeeze %dma_wait3A_141 : memref<1x125xi32, #tpu.memory_space<vmem>> -> memref<125xi32, #tpu.memory_space<vmem>>
      %dma_wait3A_143 = arith.constant 0 : i32
      %dma_wait3A_144 = arith.constant 0 : i32
      %dma_wait3A_145 = tpu.memref_slice %arg2[%dma_wait3A_143, %dma_wait3A_144] : memref<20480x64xbf16, #tpu.memory_space<hbm>> -> memref<20480x64xbf16, #tpu.memory_space<hbm>>
      tpu.wait_indirect_dma semaphore(%arg17 : memref<!tpu.dma_semaphore, #tpu.memory_space<semaphore_mem>>) src(%dma_wait3A_145 : memref<20480x64xbf16, #tpu.memory_space<hbm>>) dst(%arg13 : memref<125x64xbf16, #tpu.memory_space<vmem>>)
      %add3A_146 = arith.constant 8 : i32
      %add3A_147 = arith.addi %add3A_139, %add3A_146 : i32
      %sub3A_148 = arith.constant 1 : i32
      %sub3A_149 = arith.subi %add3A_147, %sub3A_148 : i32
      %lt3A_150 = arith.constant 160 : i32
      %lt3A_151 = arith.cmpi slt, %sub3A_149, %lt3A_150 : i32
      %convert_element_type3A_152 = arith.extui %lt3A_151 : i1 to i32
      %cond3A_153 = arith.constant 0 : i32
      %cond3A_154 = arith.cmpi ne, %convert_element_type3A_152, %cond3A_153 : i32
      scf.if %cond3A_154 {
        %add3A_189 = arith.constant 8 : i32
        %add3A_190 = arith.addi %add3A_139, %add3A_189 : i32
        %sub3A_191 = arith.constant 1 : i32
        %sub3A_192 = arith.subi %add3A_190, %sub3A_191 : i32
        %dma_start3A_193 = arith.constant 0 : i32
        %dma_start3A_194 = tpu.memref_slice %arg6[%sub3A_192, %dma_start3A_193] : memref<160x125xi32, #tpu.memory_space<vmem>> -> memref<1x125xi32, #tpu.memory_space<vmem>>
        %dma_start3A_195 = tpu.memref_squeeze %dma_start3A_194 : memref<1x125xi32, #tpu.memory_space<vmem>> -> memref<125xi32, #tpu.memory_space<vmem>>
        %dma_start3A_196 = arith.constant 0 : i32
        %dma_start3A_197 = arith.constant 0 : i32
        %dma_start3A_198 = tpu.memref_slice %arg2[%dma_start3A_196, %dma_start3A_197] : memref<20480x64xbf16, #tpu.memory_space<hbm>> -> memref<20480x64xbf16, #tpu.memory_space<hbm>>
        tpu.enqueue_indirect_dma source(%dma_start3A_198 : memref<20480x64xbf16, #tpu.memory_space<hbm>>) target(%arg12 : memref<125x64xbf16, #tpu.memory_space<vmem>>) offsets(%dma_start3A_195 : memref<125xi32, #tpu.memory_space<vmem>>) semaphore(%arg17 : memref<!tpu.dma_semaphore, #tpu.memory_space<semaphore_mem>>)
      } else {
      }
      "tpu.region"() ({
        %run_scoped3A_189 = tpu.sem_alloc : memref<!tpu.dma_semaphore, #tpu.memory_space<semaphore_mem>>
        %dma_start3A_190 = arith.constant 0 : i32
        %dma_start3A_191 = tpu.memref_slice %arg7[%add3A_139, %dma_start3A_190] : memref<160x125xi32, #tpu.memory_space<vmem>> -> memref<1x125xi32, #tpu.memory_space<vmem>>
        %dma_start3A_192 = tpu.memref_squeeze %dma_start3A_191 : memref<1x125xi32, #tpu.memory_space<vmem>> -> memref<125xi32, #tpu.memory_space<vmem>>
        %dma_start3A_193 = arith.constant 0 : i32
        %dma_start3A_194 = arith.constant 0 : i32
        %dma_start3A_195 = tpu.memref_slice %arg16[%dma_start3A_193, %dma_start3A_194] : memref<10240x64xbf16, #tpu.memory_space<vmem_shared>> -> memref<10240x64xbf16, #tpu.memory_space<vmem_shared>>
        tpu.enqueue_indirect_dma source(%arg13 : memref<125x64xbf16, #tpu.memory_space<vmem>>) target(%dma_start3A_195 : memref<10240x64xbf16, #tpu.memory_space<vmem_shared>>) offsets(%dma_start3A_192 : memref<125xi32, #tpu.memory_space<vmem>>) semaphore(%run_scoped3A_189 : memref<!tpu.dma_semaphore, #tpu.memory_space<semaphore_mem>>) {add = true}
        %dma_wait3A_196 = arith.constant 0 : i32
        %dma_wait3A_197 = tpu.memref_slice %arg7[%add3A_139, %dma_wait3A_196] : memref<160x125xi32, #tpu.memory_space<vmem>> -> memref<1x125xi32, #tpu.memory_space<vmem>>
        %dma_wait3A_198 = tpu.memref_squeeze %dma_wait3A_197 : memref<1x125xi32, #tpu.memory_space<vmem>> -> memref<125xi32, #tpu.memory_space<vmem>>
        %dma_wait3A_199 = arith.constant 0 : i32
        %dma_wait3A_200 = arith.constant 0 : i32
        %dma_wait3A_201 = tpu.memref_slice %arg16[%dma_wait3A_199, %dma_wait3A_200] : memref<10240x64xbf16, #tpu.memory_space<vmem_shared>> -> memref<10240x64xbf16, #tpu.memory_space<vmem_shared>>
        tpu.wait_indirect_dma semaphore(%run_scoped3A_189 : memref<!tpu.dma_semaphore, #tpu.memory_space<semaphore_mem>>) src(%arg13 : memref<125x64xbf16, #tpu.memory_space<vmem>>) dst(%dma_wait3A_201 : memref<10240x64xbf16, #tpu.memory_space<vmem_shared>>)
        tpu.yield
      }) : () -> ()
      %add3A_155 = arith.constant 6 : i32
      %add3A_156 = arith.addi %mul3A_58, %add3A_155 : i32
      %dma_wait3A_157 = arith.constant 0 : i32
      %dma_wait3A_158 = tpu.memref_slice %arg6[%add3A_156, %dma_wait3A_157] : memref<160x125xi32, #tpu.memory_space<vmem>> -> memref<1x125xi32, #tpu.memory_space<vmem>>
      %dma_wait3A_159 = tpu.memref_squeeze %dma_wait3A_158 : memref<1x125xi32, #tpu.memory_space<vmem>> -> memref<125xi32, #tpu.memory_space<vmem>>
      %dma_wait3A_160 = arith.constant 0 : i32
      %dma_wait3A_161 = arith.constant 0 : i32
      %dma_wait3A_162 = tpu.memref_slice %arg2[%dma_wait3A_160, %dma_wait3A_161] : memref<20480x64xbf16, #tpu.memory_space<hbm>> -> memref<20480x64xbf16, #tpu.memory_space<hbm>>
      tpu.wait_indirect_dma semaphore(%arg17 : memref<!tpu.dma_semaphore, #tpu.memory_space<semaphore_mem>>) src(%dma_wait3A_162 : memref<20480x64xbf16, #tpu.memory_space<hbm>>) dst(%arg14 : memref<125x64xbf16, #tpu.memory_space<vmem>>)
      %add3A_163 = arith.constant 8 : i32
      %add3A_164 = arith.addi %add3A_156, %add3A_163 : i32
      %sub3A_165 = arith.constant 1 : i32
      %sub3A_166 = arith.subi %add3A_164, %sub3A_165 : i32
      %lt3A_167 = arith.constant 160 : i32
      %lt3A_168 = arith.cmpi slt, %sub3A_166, %lt3A_167 : i32
      %convert_element_type3A_169 = arith.extui %lt3A_168 : i1 to i32
      %cond3A_170 = arith.constant 0 : i32
      %cond3A_171 = arith.cmpi ne, %convert_element_type3A_169, %cond3A_170 : i32
      scf.if %cond3A_171 {
        %add3A_189 = arith.constant 8 : i32
        %add3A_190 = arith.addi %add3A_156, %add3A_189 : i32
        %sub3A_191 = arith.constant 1 : i32
        %sub3A_192 = arith.subi %add3A_190, %sub3A_191 : i32
        %dma_start3A_193 = arith.constant 0 : i32
        %dma_start3A_194 = tpu.memref_slice %arg6[%sub3A_192, %dma_start3A_193] : memref<160x125xi32, #tpu.memory_space<vmem>> -> memref<1x125xi32, #tpu.memory_space<vmem>>
        %dma_start3A_195 = tpu.memref_squeeze %dma_start3A_194 : memref<1x125xi32, #tpu.memory_space<vmem>> -> memref<125xi32, #tpu.memory_space<vmem>>
        %dma_start3A_196 = arith.constant 0 : i32
        %dma_start3A_197 = arith.constant 0 : i32
        %dma_start3A_198 = tpu.memref_slice %arg2[%dma_start3A_196, %dma_start3A_197] : memref<20480x64xbf16, #tpu.memory_space<hbm>> -> memref<20480x64xbf16, #tpu.memory_space<hbm>>
        tpu.enqueue_indirect_dma source(%dma_start3A_198 : memref<20480x64xbf16, #tpu.memory_space<hbm>>) target(%arg13 : memref<125x64xbf16, #tpu.memory_space<vmem>>) offsets(%dma_start3A_195 : memref<125xi32, #tpu.memory_space<vmem>>) semaphore(%arg17 : memref<!tpu.dma_semaphore, #tpu.memory_space<semaphore_mem>>)
      } else {
      }
      "tpu.region"() ({
        %run_scoped3A_189 = tpu.sem_alloc : memref<!tpu.dma_semaphore, #tpu.memory_space<semaphore_mem>>
        %dma_start3A_190 = arith.constant 0 : i32
        %dma_start3A_191 = tpu.memref_slice %arg7[%add3A_156, %dma_start3A_190] : memref<160x125xi32, #tpu.memory_space<vmem>> -> memref<1x125xi32, #tpu.memory_space<vmem>>
        %dma_start3A_192 = tpu.memref_squeeze %dma_start3A_191 : memref<1x125xi32, #tpu.memory_space<vmem>> -> memref<125xi32, #tpu.memory_space<vmem>>
        %dma_start3A_193 = arith.constant 0 : i32
        %dma_start3A_194 = arith.constant 0 : i32
        %dma_start3A_195 = tpu.memref_slice %arg16[%dma_start3A_193, %dma_start3A_194] : memref<10240x64xbf16, #tpu.memory_space<vmem_shared>> -> memref<10240x64xbf16, #tpu.memory_space<vmem_shared>>
        tpu.enqueue_indirect_dma source(%arg14 : memref<125x64xbf16, #tpu.memory_space<vmem>>) target(%dma_start3A_195 : memref<10240x64xbf16, #tpu.memory_space<vmem_shared>>) offsets(%dma_start3A_192 : memref<125xi32, #tpu.memory_space<vmem>>) semaphore(%run_scoped3A_189 : memref<!tpu.dma_semaphore, #tpu.memory_space<semaphore_mem>>) {add = true}
        %dma_wait3A_196 = arith.constant 0 : i32
        %dma_wait3A_197 = tpu.memref_slice %arg7[%add3A_156, %dma_wait3A_196] : memref<160x125xi32, #tpu.memory_space<vmem>> -> memref<1x125xi32, #tpu.memory_space<vmem>>
        %dma_wait3A_198 = tpu.memref_squeeze %dma_wait3A_197 : memref<1x125xi32, #tpu.memory_space<vmem>> -> memref<125xi32, #tpu.memory_space<vmem>>
        %dma_wait3A_199 = arith.constant 0 : i32
        %dma_wait3A_200 = arith.constant 0 : i32
        %dma_wait3A_201 = tpu.memref_slice %arg16[%dma_wait3A_199, %dma_wait3A_200] : memref<10240x64xbf16, #tpu.memory_space<vmem_shared>> -> memref<10240x64xbf16, #tpu.memory_space<vmem_shared>>
        tpu.wait_indirect_dma semaphore(%run_scoped3A_189 : memref<!tpu.dma_semaphore, #tpu.memory_space<semaphore_mem>>) src(%arg14 : memref<125x64xbf16, #tpu.memory_space<vmem>>) dst(%dma_wait3A_201 : memref<10240x64xbf16, #tpu.memory_space<vmem_shared>>)
        tpu.yield
      }) : () -> ()
      %add3A_172 = arith.constant 7 : i32
      %add3A_173 = arith.addi %mul3A_58, %add3A_172 : i32
      %dma_wait3A_174 = arith.constant 0 : i32
      %dma_wait3A_175 = tpu.memref_slice %arg6[%add3A_173, %dma_wait3A_174] : memref<160x125xi32, #tpu.memory_space<vmem>> -> memref<1x125xi32, #tpu.memory_space<vmem>>
      %dma_wait3A_176 = tpu.memref_squeeze %dma_wait3A_175 : memref<1x125xi32, #tpu.memory_space<vmem>> -> memref<125xi32, #tpu.memory_space<vmem>>
      %dma_wait3A_177 = arith.constant 0 : i32
      %dma_wait3A_178 = arith.constant 0 : i32
      %dma_wait3A_179 = tpu.memref_slice %arg2[%dma_wait3A_177, %dma_wait3A_178] : memref<20480x64xbf16, #tpu.memory_space<hbm>> -> memref<20480x64xbf16, #tpu.memory_space<hbm>>
      tpu.wait_indirect_dma semaphore(%arg17 : memref<!tpu.dma_semaphore, #tpu.memory_space<semaphore_mem>>) src(%dma_wait3A_179 : memref<20480x64xbf16, #tpu.memory_space<hbm>>) dst(%arg15 : memref<125x64xbf16, #tpu.memory_space<vmem>>)
      %add3A_180 = arith.constant 8 : i32
      %add3A_181 = arith.addi %add3A_173, %add3A_180 : i32
      %sub3A_182 = arith.constant 1 : i32
      %sub3A_183 = arith.subi %add3A_181, %sub3A_182 : i32
      %lt3A_184 = arith.constant 160 : i32
      %lt3A_185 = arith.cmpi slt, %sub3A_183, %lt3A_184 : i32
      %convert_element_type3A_186 = arith.extui %lt3A_185 : i1 to i32
      %cond3A_187 = arith.constant 0 : i32
      %cond3A_188 = arith.cmpi ne, %convert_element_type3A_186, %cond3A_187 : i32
      scf.if %cond3A_188 {
        %add3A_189 = arith.constant 8 : i32
        %add3A_190 = arith.addi %add3A_173, %add3A_189 : i32
        %sub3A_191 = arith.constant 1 : i32
        %sub3A_192 = arith.subi %add3A_190, %sub3A_191 : i32
        %dma_start3A_193 = arith.constant 0 : i32
        %dma_start3A_194 = tpu.memref_slice %arg6[%sub3A_192, %dma_start3A_193] : memref<160x125xi32, #tpu.memory_space<vmem>> -> memref<1x125xi32, #tpu.memory_space<vmem>>
        %dma_start3A_195 = tpu.memref_squeeze %dma_start3A_194 : memref<1x125xi32, #tpu.memory_space<vmem>> -> memref<125xi32, #tpu.memory_space<vmem>>
        %dma_start3A_196 = arith.constant 0 : i32
        %dma_start3A_197 = arith.constant 0 : i32
        %dma_start3A_198 = tpu.memref_slice %arg2[%dma_start3A_196, %dma_start3A_197] : memref<20480x64xbf16, #tpu.memory_space<hbm>> -> memref<20480x64xbf16, #tpu.memory_space<hbm>>
        tpu.enqueue_indirect_dma source(%dma_start3A_198 : memref<20480x64xbf16, #tpu.memory_space<hbm>>) target(%arg14 : memref<125x64xbf16, #tpu.memory_space<vmem>>) offsets(%dma_start3A_195 : memref<125xi32, #tpu.memory_space<vmem>>) semaphore(%arg17 : memref<!tpu.dma_semaphore, #tpu.memory_space<semaphore_mem>>)
      } else {
      }
      "tpu.region"() ({
        %run_scoped3A_189 = tpu.sem_alloc : memref<!tpu.dma_semaphore, #tpu.memory_space<semaphore_mem>>
        %dma_start3A_190 = arith.constant 0 : i32
        %dma_start3A_191 = tpu.memref_slice %arg7[%add3A_173, %dma_start3A_190] : memref<160x125xi32, #tpu.memory_space<vmem>> -> memref<1x125xi32, #tpu.memory_space<vmem>>
        %dma_start3A_192 = tpu.memref_squeeze %dma_start3A_191 : memref<1x125xi32, #tpu.memory_space<vmem>> -> memref<125xi32, #tpu.memory_space<vmem>>
        %dma_start3A_193 = arith.constant 0 : i32
        %dma_start3A_194 = arith.constant 0 : i32
        %dma_start3A_195 = tpu.memref_slice %arg16[%dma_start3A_193, %dma_start3A_194] : memref<10240x64xbf16, #tpu.memory_space<vmem_shared>> -> memref<10240x64xbf16, #tpu.memory_space<vmem_shared>>
        tpu.enqueue_indirect_dma source(%arg15 : memref<125x64xbf16, #tpu.memory_space<vmem>>) target(%dma_start3A_195 : memref<10240x64xbf16, #tpu.memory_space<vmem_shared>>) offsets(%dma_start3A_192 : memref<125xi32, #tpu.memory_space<vmem>>) semaphore(%run_scoped3A_189 : memref<!tpu.dma_semaphore, #tpu.memory_space<semaphore_mem>>) {add = true}
        %dma_wait3A_196 = arith.constant 0 : i32
        %dma_wait3A_197 = tpu.memref_slice %arg7[%add3A_173, %dma_wait3A_196] : memref<160x125xi32, #tpu.memory_space<vmem>> -> memref<1x125xi32, #tpu.memory_space<vmem>>
        %dma_wait3A_198 = tpu.memref_squeeze %dma_wait3A_197 : memref<1x125xi32, #tpu.memory_space<vmem>> -> memref<125xi32, #tpu.memory_space<vmem>>
        %dma_wait3A_199 = arith.constant 0 : i32
        %dma_wait3A_200 = arith.constant 0 : i32
        %dma_wait3A_201 = tpu.memref_slice %arg16[%dma_wait3A_199, %dma_wait3A_200] : memref<10240x64xbf16, #tpu.memory_space<vmem_shared>> -> memref<10240x64xbf16, #tpu.memory_space<vmem_shared>>
        tpu.wait_indirect_dma semaphore(%run_scoped3A_189 : memref<!tpu.dma_semaphore, #tpu.memory_space<semaphore_mem>>) src(%arg15 : memref<125x64xbf16, #tpu.memory_space<vmem>>) dst(%dma_wait3A_201 : memref<10240x64xbf16, #tpu.memory_space<vmem_shared>>)
        tpu.yield
      }) : () -> ()
    }
    %scan3A_54 = arith.constant 20 : i32
    %barrier3A_55 = arith.constant 0 : index
    tpu.barrier barrier_id(%barrier3A_55)
    "tpu.region"() ({
      %run_scoped3A_56 = tpu.sem_alloc : memref<!tpu.dma_semaphore, #tpu.memory_space<semaphore_mem>>
      %dma_start3A_57 = arith.constant 0 : i32
      %dma_start3A_58 = tpu.memref_slice %arg5[%arg0, %mul3A_0, %dma_start3A_57] : memref<2x10240x64xbf16, #tpu.memory_space<hbm>> -> memref<1x640x64xbf16, #tpu.memory_space<hbm>>
      %dma_start3A_59 = tpu.memref_squeeze %dma_start3A_58 : memref<1x640x64xbf16, #tpu.memory_space<hbm>> -> memref<640x64xbf16, #tpu.memory_space<hbm>>
      %dma_start3A_60 = arith.constant 0 : i32
      %dma_start3A_61 = tpu.memref_slice %arg16[%mul3A_0, %dma_start3A_60] : memref<10240x64xbf16, #tpu.memory_space<vmem_shared>> -> memref<640x64xbf16, #tpu.memory_space<vmem_shared>>
      tpu.enqueue_dma source(%dma_start3A_61 : memref<640x64xbf16, #tpu.memory_space<vmem_shared>>) target(%dma_start3A_59 : memref<640x64xbf16, #tpu.memory_space<hbm>>) target_semaphore(%run_scoped3A_56 : memref<!tpu.dma_semaphore, #tpu.memory_space<semaphore_mem>>)
      %dma_wait3A = arith.constant 0 : i32
      %dma_wait3A_62 = tpu.memref_slice %arg5[%arg0, %mul3A_0, %dma_wait3A] : memref<2x10240x64xbf16, #tpu.memory_space<hbm>> -> memref<1x640x64xbf16, #tpu.memory_space<hbm>>
      %dma_wait3A_63 = tpu.memref_squeeze %dma_wait3A_62 : memref<1x640x64xbf16, #tpu.memory_space<hbm>> -> memref<640x64xbf16, #tpu.memory_space<hbm>>
      %dma_wait3A_64 = arith.constant 0 : i32
      %dma_wait3A_65 = tpu.memref_slice %arg16[%mul3A_0, %dma_wait3A_64] : memref<10240x64xbf16, #tpu.memory_space<vmem_shared>> -> memref<640x64xbf16, #tpu.memory_space<vmem_shared>>
      tpu.wait_dma2 semaphore(%run_scoped3A_56 : memref<!tpu.dma_semaphore, #tpu.memory_space<semaphore_mem>>) src(%dma_wait3A_65 : memref<640x64xbf16, #tpu.memory_space<vmem_shared>>) dst(%dma_wait3A_63 : memref<640x64xbf16, #tpu.memory_space<hbm>>)
      tpu.yield
    }) : () -> ()
    return
  }
}

module attributes {stable_mosaic.version = 14 : i64} {
  func.func @body(%arg0: memref<32x80x128xf32, #tpu.memory_space<vmem>>, %arg1: memref<80x128xf32, #tpu.memory_space<vmem>>) attributes {dimension_semantics = [], scalar_prefetch = 0 : i64, scratch_operands = 0 : i64, tpu.core_type = #tpu.core_type<tc>} {
    %get3A = arith.constant 0 : index
    %get3A_0 = arith.constant 0 : index
    %get3A_1 = arith.constant 0 : index
    %get3A_2 = vector.load %arg0[%get3A, %get3A_0, %get3A_1] : memref<32x80x128xf32, #tpu.memory_space<vmem>>, vector<32x80x128xf32>
    %reduce_sum3A = arith.constant dense<0.000000e+00> : vector<80x128xf32>
    %reduce_sum3A_3 = vector.multi_reduction <add>, %get3A_2, %reduce_sum3A [0] : vector<32x80x128xf32> to vector<80x128xf32>
    %add3A = arith.constant 1.000000e+00 : f32
    %add3A_4 = vector.broadcast %add3A : f32 to vector<80x128xf32>
    %add3A_5 = arith.addf %reduce_sum3A_3, %add3A_4 : vector<80x128xf32>
    %rsqrt3A = math.rsqrt %add3A_5 : vector<80x128xf32>
    %swap3A = arith.constant 0 : index
    %swap3A_6 = arith.constant 0 : index
    %swap3A_7 = vector.load %arg1[%swap3A, %swap3A_6] : memref<80x128xf32, #tpu.memory_space<vmem>>, vector<80x128xf32>
    tpu.vector_store %arg1[%swap3A, %swap3A_6], %rsqrt3A {strides = array<i32>} : memref<80x128xf32, #tpu.memory_space<vmem>>, vector<80x128xf32>,
    return
  }
}

module attributes {stable_mosaic.version = 14 : i64} {
  func.func @body(%arg0: i32, %arg1: memref<1024x128xf32, #tpu.memory_space<vmem>>, %arg2: memref<1024x1xf32, #tpu.memory_space<vmem>>, %arg3: memref<128x128xf32, #tpu.memory_space<vmem>>, %arg4: memref<128x128xf32, #tpu.memory_space<vmem>>, %arg5: memref<1x128xf32, #tpu.memory_space<vmem>>, %arg6: memref<2x1024x64xbf16, #tpu.memory_space<vmem>>, %arg7: memref<1024x128xf32, #tpu.memory_space<vmem>>) attributes {dimension_semantics = [#tpu.dimension_semantics<arbitrary>], iteration_bounds = array<i64: 10>, scalar_prefetch = 0 : i64, scratch_operands = 0 : i64, tpu.core_type = #tpu.core_type<tc>, window_params = [{transform_indices = @transform_0, window_bounds = array<i64: 1024, 128>}, {transform_indices = @transform_1, window_bounds = array<i64: 1024, 1>}, {pipeline_mode = #tpu.pipeline_mode<synchronous>, transform_indices = @transform_2, window_bounds = array<i64: 128, 128>}, {pipeline_mode = #tpu.pipeline_mode<synchronous>, transform_indices = @transform_3, window_bounds = array<i64: 128, 128>}, {pipeline_mode = #tpu.pipeline_mode<synchronous>, transform_indices = @transform_4, window_bounds = array<i64: 1, 128>}, {transform_indices = @transform_5, window_bounds = array<i64: 2, 1024, 64>}, {transform_indices = @transform_6, window_bounds = array<i64: 1024, 128>}]} {
    %get3A = arith.constant 0 : index
    %get3A_0 = arith.constant 0 : index
    %get3A_1 = vector.load %arg1[%get3A, %get3A_0] : memref<1024x128xf32, #tpu.memory_space<vmem>>, vector<1024x128xf32>
    %get3A_2 = arith.constant 0 : index
    %get3A_3 = arith.constant 0 : index
    %get3A_4 = vector.load %arg3[%get3A_2, %get3A_3] : memref<128x128xf32, #tpu.memory_space<vmem>>, vector<128x128xf32>
    %dot_general3A = arith.constant dense<0.000000e+00> : vector<1024x128xf32>
    %dot_general3A_5 = tpu.matmul %get3A_1, %get3A_4, %dot_general3A {dimension_numbers = #tpu.dot_dimension_numbers<[1], [0], [0], [1], [0, 0, 1, 1], [], []>, transpose_lhs_hint = false} : vector<1024x128xf32>, vector<128x128xf32>, vector<1024x128xf32> -> vector<1024x128xf32>
    %get3A_6 = arith.constant 0 : index
    %get3A_7 = arith.constant 0 : index
    %get3A_8 = vector.load %arg2[%get3A_6, %get3A_7] : memref<1024x1xf32, #tpu.memory_space<vmem>>, vector<1024x1xf32>
    %mul3A = vector.broadcast %get3A_8 : vector<1024x1xf32> to vector<1024x128xf32>
    %mul3A_9 = arith.mulf %dot_general3A_5, %mul3A : vector<1024x128xf32>
    %convert_element_type3A = arith.truncf %mul3A_9 : vector<1024x128xf32> to vector<1024x128xbf16>
    %slice3A = vector.extract_strided_slice %convert_element_type3A {offsets = [0, 0], sizes = [1024, 64], strides = [1, 1]} : vector<1024x128xbf16> to vector<1024x64xbf16>
    %slice3A_10 = vector.extract_strided_slice %convert_element_type3A {offsets = [0, 64], sizes = [1024, 64], strides = [1, 1]} : vector<1024x128xbf16> to vector<1024x64xbf16>
    %swap3A = arith.constant 0 : index
    %swap3A_11 = arith.constant 0 : index
    %swap3A_12 = arith.constant 0 : index
    %swap3A_13 = vector.load %arg6[%swap3A, %swap3A_11, %swap3A_12] : memref<2x1024x64xbf16, #tpu.memory_space<vmem>>, vector<1x1024x64xbf16>
    %swap3A_14 = vector.shape_cast %swap3A_13 : vector<1x1024x64xbf16> to vector<1024x64xbf16>
    %swap3A_15 = vector.shape_cast %slice3A : vector<1024x64xbf16> to vector<1x1024x64xbf16>
    tpu.vector_store %arg6[%swap3A, %swap3A_11, %swap3A_12], %swap3A_15 {strides = array<i32>} : memref<2x1024x64xbf16, #tpu.memory_space<vmem>>, vector<1x1024x64xbf16>,
    %swap3A_16 = arith.constant 1 : index
    %swap3A_17 = arith.constant 0 : index
    %swap3A_18 = arith.constant 0 : index
    %swap3A_19 = vector.load %arg6[%swap3A_16, %swap3A_17, %swap3A_18] : memref<2x1024x64xbf16, #tpu.memory_space<vmem>>, vector<1x1024x64xbf16>
    %swap3A_20 = vector.shape_cast %swap3A_19 : vector<1x1024x64xbf16> to vector<1024x64xbf16>
    %swap3A_21 = vector.shape_cast %slice3A_10 : vector<1024x64xbf16> to vector<1x1024x64xbf16>
    tpu.vector_store %arg6[%swap3A_16, %swap3A_17, %swap3A_18], %swap3A_21 {strides = array<i32>} : memref<2x1024x64xbf16, #tpu.memory_space<vmem>>, vector<1x1024x64xbf16>,
    %get3A_22 = arith.constant 0 : index
    %get3A_23 = arith.constant 0 : index
    %get3A_24 = vector.load %arg4[%get3A_22, %get3A_23] : memref<128x128xf32, #tpu.memory_space<vmem>>, vector<128x128xf32>
    %dot_general3A_25 = arith.constant dense<0.000000e+00> : vector<1024x128xf32>
    %dot_general3A_26 = tpu.matmul %get3A_1, %get3A_24, %dot_general3A_25 {dimension_numbers = #tpu.dot_dimension_numbers<[1], [0], [0], [1], [0, 0, 1, 1], [], []>, transpose_lhs_hint = false} : vector<1024x128xf32>, vector<128x128xf32>, vector<1024x128xf32> -> vector<1024x128xf32>
    %get3A_27 = arith.constant 0 : index
    %get3A_28 = arith.constant 0 : index
    %get3A_29 = vector.load %arg5[%get3A_27, %get3A_28] : memref<1x128xf32, #tpu.memory_space<vmem>>, vector<1x128xf32>
    %add3A = vector.broadcast %get3A_29 : vector<1x128xf32> to vector<1024x128xf32>
    %add3A_30 = arith.addf %dot_general3A_26, %add3A : vector<1024x128xf32>
    %max3A = arith.constant 0.000000e+00 : f32
    %max3A_31 = vector.broadcast %max3A : f32 to vector<1024x128xf32>
    %max3A_32 = arith.maximumf %add3A_30, %max3A_31 : vector<1024x128xf32>
    %swap3A_33 = arith.constant 0 : index
    %swap3A_34 = arith.constant 0 : index
    %swap3A_35 = vector.load %arg7[%swap3A_33, %swap3A_34] : memref<1024x128xf32, #tpu.memory_space<vmem>>, vector<1024x128xf32>
    tpu.vector_store %arg7[%swap3A_33, %swap3A_34], %max3A_32 {strides = array<i32>} : memref<1024x128xf32, #tpu.memory_space<vmem>>, vector<1024x128xf32>,
    return
  }
  func.func @transform_0(%arg0: i32) -> (i32, i32) {
    %c0_i32 = arith.constant 0 : i32
    %c0_i32_0 = arith.constant 0 : i32
    return %arg0, %c0_i32 : i32, i32
  }
  func.func @transform_1(%arg0: i32) -> (i32, i32) {
    %c0_i32 = arith.constant 0 : i32
    %c0_i32_0 = arith.constant 0 : i32
    return %arg0, %c0_i32 : i32, i32
  }
  func.func @transform_2(%arg0: i32) -> (i32, i32) {
    %c0_i32 = arith.constant 0 : i32
    %c0_i32_0 = arith.constant 0 : i32
    %c0_i32_1 = arith.constant 0 : i32
    return %c0_i32, %c0_i32_0 : i32, i32
  }
  func.func @transform_3(%arg0: i32) -> (i32, i32) {
    %c0_i32 = arith.constant 0 : i32
    %c0_i32_0 = arith.constant 0 : i32
    %c0_i32_1 = arith.constant 0 : i32
    return %c0_i32, %c0_i32_0 : i32, i32
  }
  func.func @transform_4(%arg0: i32) -> (i32, i32) {
    %c0_i32 = arith.constant 0 : i32
    %c0_i32_0 = arith.constant 0 : i32
    %c0_i32_1 = arith.constant 0 : i32
    return %c0_i32, %c0_i32_0 : i32, i32
  }
  func.func @transform_5(%arg0: i32) -> (i32, i32, i32) {
    %c0_i32 = arith.constant 0 : i32
    %c0_i32_0 = arith.constant 0 : i32
    %c0_i32_1 = arith.constant 0 : i32
    return %c0_i32, %arg0, %c0_i32_0 : i32, i32, i32
  }
  func.func @transform_6(%arg0: i32) -> (i32, i32) {
    %c0_i32 = arith.constant 0 : i32
    %c0_i32_0 = arith.constant 0 : i32
    return %arg0, %c0_i32 : i32, i32
  }
}

module attributes {stable_mosaic.version = 14 : i64} {
  func.func @body(%arg0: i32, %arg1: memref<2x1024x64xbf16, #tpu.memory_space<vmem>>, %arg2: memref<2x1024x64xbf16, #tpu.memory_space<vmem>>, %arg3: memref<1024x1xf32, #tpu.memory_space<vmem>>, %arg4: memref<1x128xf32, #tpu.memory_space<vmem>>, %arg5: memref<128x128xf32, #tpu.memory_space<vmem>>, %arg6: memref<2x1024x64xbf16, #tpu.memory_space<vmem>>) attributes {dimension_semantics = [#tpu.dimension_semantics<arbitrary>], iteration_bounds = array<i64: 10>, scalar_prefetch = 0 : i64, scratch_operands = 0 : i64, tpu.core_type = #tpu.core_type<tc>, window_params = [{transform_indices = @transform_0, window_bounds = array<i64: 2, 1024, 64>}, {transform_indices = @transform_1, window_bounds = array<i64: 2, 1024, 64>}, {transform_indices = @transform_2, window_bounds = array<i64: 1024, 1>}, {pipeline_mode = #tpu.pipeline_mode<synchronous>, transform_indices = @transform_3, window_bounds = array<i64: 1, 128>}, {pipeline_mode = #tpu.pipeline_mode<synchronous>, transform_indices = @transform_4, window_bounds = array<i64: 128, 128>}, {transform_indices = @transform_5, window_bounds = array<i64: 2, 1024, 64>}]} {
    %get3A = arith.constant 0 : index
    %get3A_0 = arith.constant 0 : index
    %get3A_1 = arith.constant 0 : index
    %get3A_2 = vector.load %arg1[%get3A, %get3A_0, %get3A_1] : memref<2x1024x64xbf16, #tpu.memory_space<vmem>>, vector<1x1024x64xbf16>
    %get3A_3 = vector.shape_cast %get3A_2 : vector<1x1024x64xbf16> to vector<1024x64xbf16>
    %get3A_4 = arith.constant 0 : index
    %get3A_5 = arith.constant 0 : index
    %get3A_6 = arith.constant 0 : index
    %get3A_7 = vector.load %arg2[%get3A_4, %get3A_5, %get3A_6] : memref<2x1024x64xbf16, #tpu.memory_space<vmem>>, vector<1x1024x64xbf16>
    %get3A_8 = vector.shape_cast %get3A_7 : vector<1x1024x64xbf16> to vector<1024x64xbf16>
    %add3A = arith.addf %get3A_3, %get3A_8 : vector<1024x64xbf16>
    %get3A_9 = arith.constant 1 : index
    %get3A_10 = arith.constant 0 : index
    %get3A_11 = arith.constant 0 : index
    %get3A_12 = vector.load %arg1[%get3A_9, %get3A_10, %get3A_11] : memref<2x1024x64xbf16, #tpu.memory_space<vmem>>, vector<1x1024x64xbf16>
    %get3A_13 = vector.shape_cast %get3A_12 : vector<1x1024x64xbf16> to vector<1024x64xbf16>
    %get3A_14 = arith.constant 1 : index
    %get3A_15 = arith.constant 0 : index
    %get3A_16 = arith.constant 0 : index
    %get3A_17 = vector.load %arg2[%get3A_14, %get3A_15, %get3A_16] : memref<2x1024x64xbf16, #tpu.memory_space<vmem>>, vector<1x1024x64xbf16>
    %get3A_18 = vector.shape_cast %get3A_17 : vector<1x1024x64xbf16> to vector<1024x64xbf16>
    %add3A_19 = arith.addf %get3A_13, %get3A_18 : vector<1024x64xbf16>
    %concatenate3A = tpu.concatenate %add3A, %add3A_19 in 1 : vector<1024x64xbf16>, vector<1024x64xbf16> -> vector<1024x128xbf16>
    %convert_element_type3A = arith.extf %concatenate3A : vector<1024x128xbf16> to vector<1024x128xf32>
    %get3A_20 = arith.constant 0 : index
    %get3A_21 = arith.constant 0 : index
    %get3A_22 = vector.load %arg3[%get3A_20, %get3A_21] : memref<1024x1xf32, #tpu.memory_space<vmem>>, vector<1024x1xf32>
    %mul3A = vector.broadcast %get3A_22 : vector<1024x1xf32> to vector<1024x128xf32>
    %mul3A_23 = arith.mulf %convert_element_type3A, %mul3A : vector<1024x128xf32>
    %get3A_24 = arith.constant 0 : index
    %get3A_25 = arith.constant 0 : index
    %get3A_26 = vector.load %arg4[%get3A_24, %get3A_25] : memref<1x128xf32, #tpu.memory_space<vmem>>, vector<1x128xf32>
    %add3A_27 = vector.broadcast %get3A_26 : vector<1x128xf32> to vector<1024x128xf32>
    %add3A_28 = arith.addf %mul3A_23, %add3A_27 : vector<1024x128xf32>
    %max3A = arith.constant 0.000000e+00 : f32
    %max3A_29 = vector.broadcast %max3A : f32 to vector<1024x128xf32>
    %max3A_30 = arith.maximumf %add3A_28, %max3A_29 : vector<1024x128xf32>
    %get3A_31 = arith.constant 0 : index
    %get3A_32 = arith.constant 0 : index
    %get3A_33 = vector.load %arg5[%get3A_31, %get3A_32] : memref<128x128xf32, #tpu.memory_space<vmem>>, vector<128x128xf32>
    %dot_general3A = arith.constant dense<0.000000e+00> : vector<1024x128xf32>
    %dot_general3A_34 = tpu.matmul %max3A_30, %get3A_33, %dot_general3A {dimension_numbers = #tpu.dot_dimension_numbers<[1], [0], [0], [1], [0, 0, 1, 1], [], []>, transpose_lhs_hint = false} : vector<1024x128xf32>, vector<128x128xf32>, vector<1024x128xf32> -> vector<1024x128xf32>
    %get3A_35 = arith.constant 0 : index
    %get3A_36 = arith.constant 0 : index
    %get3A_37 = vector.load %arg3[%get3A_35, %get3A_36] : memref<1024x1xf32, #tpu.memory_space<vmem>>, vector<1024x1xf32>
    %mul3A_38 = vector.broadcast %get3A_37 : vector<1024x1xf32> to vector<1024x128xf32>
    %mul3A_39 = arith.mulf %dot_general3A_34, %mul3A_38 : vector<1024x128xf32>
    %convert_element_type3A_40 = arith.truncf %mul3A_39 : vector<1024x128xf32> to vector<1024x128xbf16>
    %slice3A = vector.extract_strided_slice %convert_element_type3A_40 {offsets = [0, 0], sizes = [1024, 64], strides = [1, 1]} : vector<1024x128xbf16> to vector<1024x64xbf16>
    %slice3A_41 = vector.extract_strided_slice %convert_element_type3A_40 {offsets = [0, 64], sizes = [1024, 64], strides = [1, 1]} : vector<1024x128xbf16> to vector<1024x64xbf16>
    %swap3A = arith.constant 0 : index
    %swap3A_42 = arith.constant 0 : index
    %swap3A_43 = arith.constant 0 : index
    %swap3A_44 = vector.load %arg6[%swap3A, %swap3A_42, %swap3A_43] : memref<2x1024x64xbf16, #tpu.memory_space<vmem>>, vector<1x1024x64xbf16>
    %swap3A_45 = vector.shape_cast %swap3A_44 : vector<1x1024x64xbf16> to vector<1024x64xbf16>
    %swap3A_46 = vector.shape_cast %slice3A : vector<1024x64xbf16> to vector<1x1024x64xbf16>
    tpu.vector_store %arg6[%swap3A, %swap3A_42, %swap3A_43], %swap3A_46 {strides = array<i32>} : memref<2x1024x64xbf16, #tpu.memory_space<vmem>>, vector<1x1024x64xbf16>,
    %swap3A_47 = arith.constant 1 : index
    %swap3A_48 = arith.constant 0 : index
    %swap3A_49 = arith.constant 0 : index
    %swap3A_50 = vector.load %arg6[%swap3A_47, %swap3A_48, %swap3A_49] : memref<2x1024x64xbf16, #tpu.memory_space<vmem>>, vector<1x1024x64xbf16>
    %swap3A_51 = vector.shape_cast %swap3A_50 : vector<1x1024x64xbf16> to vector<1024x64xbf16>
    %swap3A_52 = vector.shape_cast %slice3A_41 : vector<1024x64xbf16> to vector<1x1024x64xbf16>
    tpu.vector_store %arg6[%swap3A_47, %swap3A_48, %swap3A_49], %swap3A_52 {strides = array<i32>} : memref<2x1024x64xbf16, #tpu.memory_space<vmem>>, vector<1x1024x64xbf16>,
    return
  }
  func.func @transform_0(%arg0: i32) -> (i32, i32, i32) {
    %c0_i32 = arith.constant 0 : i32
    %c0_i32_0 = arith.constant 0 : i32
    %c0_i32_1 = arith.constant 0 : i32
    return %c0_i32, %arg0, %c0_i32_0 : i32, i32, i32
  }
  func.func @transform_1(%arg0: i32) -> (i32, i32, i32) {
    %c0_i32 = arith.constant 0 : i32
    %c0_i32_0 = arith.constant 0 : i32
    %c0_i32_1 = arith.constant 0 : i32
    return %c0_i32, %arg0, %c0_i32_0 : i32, i32, i32
  }
  func.func @transform_2(%arg0: i32) -> (i32, i32) {
    %c0_i32 = arith.constant 0 : i32
    %c0_i32_0 = arith.constant 0 : i32
    return %arg0, %c0_i32 : i32, i32
  }
  func.func @transform_3(%arg0: i32) -> (i32, i32) {
    %c0_i32 = arith.constant 0 : i32
    %c0_i32_0 = arith.constant 0 : i32
    %c0_i32_1 = arith.constant 0 : i32
    return %c0_i32, %c0_i32_0 : i32, i32
  }
  func.func @transform_4(%arg0: i32) -> (i32, i32) {
    %c0_i32 = arith.constant 0 : i32
    %c0_i32_0 = arith.constant 0 : i32
    %c0_i32_1 = arith.constant 0 : i32
    return %c0_i32, %c0_i32_0 : i32, i32
  }
  func.func @transform_5(%arg0: i32) -> (i32, i32, i32) {
    %c0_i32 = arith.constant 0 : i32
    %c0_i32_0 = arith.constant 0 : i32
    %c0_i32_1 = arith.constant 0 : i32
    return %c0_i32, %arg0, %c0_i32_0 : i32, i32, i32
  }
}

module attributes {stable_mosaic.version = 14 : i64} {
  func.func @body(%arg0: i32, %arg1: memref<2x1024x64xbf16, #tpu.memory_space<vmem>>, %arg2: memref<2x1024x64xbf16, #tpu.memory_space<vmem>>, %arg3: memref<1024x1xf32, #tpu.memory_space<vmem>>, %arg4: memref<1x128xf32, #tpu.memory_space<vmem>>, %arg5: memref<1024x128xf32, #tpu.memory_space<vmem>>, %arg6: memref<128x128xf32, #tpu.memory_space<vmem>>, %arg7: memref<1x128xf32, #tpu.memory_space<vmem>>, %arg8: memref<1024x128xf32, #tpu.memory_space<vmem>>) attributes {dimension_semantics = [#tpu.dimension_semantics<arbitrary>], iteration_bounds = array<i64: 10>, scalar_prefetch = 0 : i64, scratch_operands = 0 : i64, tpu.core_type = #tpu.core_type<tc>, window_params = [{transform_indices = @transform_0, window_bounds = array<i64: 2, 1024, 64>}, {transform_indices = @transform_1, window_bounds = array<i64: 2, 1024, 64>}, {transform_indices = @transform_2, window_bounds = array<i64: 1024, 1>}, {pipeline_mode = #tpu.pipeline_mode<synchronous>, transform_indices = @transform_3, window_bounds = array<i64: 1, 128>}, {transform_indices = @transform_4, window_bounds = array<i64: 1024, 128>}, {pipeline_mode = #tpu.pipeline_mode<synchronous>, transform_indices = @transform_5, window_bounds = array<i64: 128, 128>}, {pipeline_mode = #tpu.pipeline_mode<synchronous>, transform_indices = @transform_6, window_bounds = array<i64: 1, 128>}, {transform_indices = @transform_7, window_bounds = array<i64: 1024, 128>}]} {
    %get3A = arith.constant 0 : index
    %get3A_0 = arith.constant 0 : index
    %get3A_1 = arith.constant 0 : index
    %get3A_2 = vector.load %arg1[%get3A, %get3A_0, %get3A_1] : memref<2x1024x64xbf16, #tpu.memory_space<vmem>>, vector<1x1024x64xbf16>
    %get3A_3 = vector.shape_cast %get3A_2 : vector<1x1024x64xbf16> to vector<1024x64xbf16>
    %get3A_4 = arith.constant 0 : index
    %get3A_5 = arith.constant 0 : index
    %get3A_6 = arith.constant 0 : index
    %get3A_7 = vector.load %arg2[%get3A_4, %get3A_5, %get3A_6] : memref<2x1024x64xbf16, #tpu.memory_space<vmem>>, vector<1x1024x64xbf16>
    %get3A_8 = vector.shape_cast %get3A_7 : vector<1x1024x64xbf16> to vector<1024x64xbf16>
    %add3A = arith.addf %get3A_3, %get3A_8 : vector<1024x64xbf16>
    %get3A_9 = arith.constant 1 : index
    %get3A_10 = arith.constant 0 : index
    %get3A_11 = arith.constant 0 : index
    %get3A_12 = vector.load %arg1[%get3A_9, %get3A_10, %get3A_11] : memref<2x1024x64xbf16, #tpu.memory_space<vmem>>, vector<1x1024x64xbf16>
    %get3A_13 = vector.shape_cast %get3A_12 : vector<1x1024x64xbf16> to vector<1024x64xbf16>
    %get3A_14 = arith.constant 1 : index
    %get3A_15 = arith.constant 0 : index
    %get3A_16 = arith.constant 0 : index
    %get3A_17 = vector.load %arg2[%get3A_14, %get3A_15, %get3A_16] : memref<2x1024x64xbf16, #tpu.memory_space<vmem>>, vector<1x1024x64xbf16>
    %get3A_18 = vector.shape_cast %get3A_17 : vector<1x1024x64xbf16> to vector<1024x64xbf16>
    %add3A_19 = arith.addf %get3A_13, %get3A_18 : vector<1024x64xbf16>
    %concatenate3A = tpu.concatenate %add3A, %add3A_19 in 1 : vector<1024x64xbf16>, vector<1024x64xbf16> -> vector<1024x128xbf16>
    %convert_element_type3A = arith.extf %concatenate3A : vector<1024x128xbf16> to vector<1024x128xf32>
    %get3A_20 = arith.constant 0 : index
    %get3A_21 = arith.constant 0 : index
    %get3A_22 = vector.load %arg3[%get3A_20, %get3A_21] : memref<1024x1xf32, #tpu.memory_space<vmem>>, vector<1024x1xf32>
    %mul3A = vector.broadcast %get3A_22 : vector<1024x1xf32> to vector<1024x128xf32>
    %mul3A_23 = arith.mulf %convert_element_type3A, %mul3A : vector<1024x128xf32>
    %get3A_24 = arith.constant 0 : index
    %get3A_25 = arith.constant 0 : index
    %get3A_26 = vector.load %arg4[%get3A_24, %get3A_25] : memref<1x128xf32, #tpu.memory_space<vmem>>, vector<1x128xf32>
    %add3A_27 = vector.broadcast %get3A_26 : vector<1x128xf32> to vector<1024x128xf32>
    %add3A_28 = arith.addf %mul3A_23, %add3A_27 : vector<1024x128xf32>
    %get3A_29 = arith.constant 0 : index
    %get3A_30 = arith.constant 0 : index
    %get3A_31 = vector.load %arg5[%get3A_29, %get3A_30] : memref<1024x128xf32, #tpu.memory_space<vmem>>, vector<1024x128xf32>
    %get3A_32 = arith.constant 0 : index
    %get3A_33 = arith.constant 0 : index
    %get3A_34 = vector.load %arg6[%get3A_32, %get3A_33] : memref<128x128xf32, #tpu.memory_space<vmem>>, vector<128x128xf32>
    %dot_general3A = arith.constant dense<0.000000e+00> : vector<1024x128xf32>
    %dot_general3A_35 = tpu.matmul %get3A_31, %get3A_34, %dot_general3A {dimension_numbers = #tpu.dot_dimension_numbers<[1], [0], [0], [1], [0, 0, 1, 1], [], []>, transpose_lhs_hint = false} : vector<1024x128xf32>, vector<128x128xf32>, vector<1024x128xf32> -> vector<1024x128xf32>
    %get3A_36 = arith.constant 0 : index
    %get3A_37 = arith.constant 0 : index
    %get3A_38 = vector.load %arg7[%get3A_36, %get3A_37] : memref<1x128xf32, #tpu.memory_space<vmem>>, vector<1x128xf32>
    %add3A_39 = vector.broadcast %get3A_38 : vector<1x128xf32> to vector<1024x128xf32>
    %add3A_40 = arith.addf %dot_general3A_35, %add3A_39 : vector<1024x128xf32>
    %mul3A_41 = arith.constant 5.000000e-01 : f32
    %mul3A_42 = vector.broadcast %mul3A_41 : f32 to vector<1024x128xf32>
    %mul3A_43 = arith.mulf %mul3A_42, %add3A_28 : vector<1024x128xf32>
    %mul3A_44 = arith.constant 5.000000e-01 : f32
    %mul3A_45 = vector.broadcast %mul3A_44 : f32 to vector<1024x128xf32>
    %mul3A_46 = arith.mulf %mul3A_45, %add3A_40 : vector<1024x128xf32>
    %add3A_47 = arith.addf %mul3A_43, %mul3A_46 : vector<1024x128xf32>
    %swap3A = arith.constant 0 : index
    %swap3A_48 = arith.constant 0 : index
    %swap3A_49 = vector.load %arg8[%swap3A, %swap3A_48] : memref<1024x128xf32, #tpu.memory_space<vmem>>, vector<1024x128xf32>
    tpu.vector_store %arg8[%swap3A, %swap3A_48], %add3A_47 {strides = array<i32>} : memref<1024x128xf32, #tpu.memory_space<vmem>>, vector<1024x128xf32>,
    return
  }
  func.func @transform_0(%arg0: i32) -> (i32, i32, i32) {
    %c0_i32 = arith.constant 0 : i32
    %c0_i32_0 = arith.constant 0 : i32
    %c0_i32_1 = arith.constant 0 : i32
    return %c0_i32, %arg0, %c0_i32_0 : i32, i32, i32
  }
  func.func @transform_1(%arg0: i32) -> (i32, i32, i32) {
    %c0_i32 = arith.constant 0 : i32
    %c0_i32_0 = arith.constant 0 : i32
    %c0_i32_1 = arith.constant 0 : i32
    return %c0_i32, %arg0, %c0_i32_0 : i32, i32, i32
  }
  func.func @transform_2(%arg0: i32) -> (i32, i32) {
    %c0_i32 = arith.constant 0 : i32
    %c0_i32_0 = arith.constant 0 : i32
    return %arg0, %c0_i32 : i32, i32
  }
  func.func @transform_3(%arg0: i32) -> (i32, i32) {
    %c0_i32 = arith.constant 0 : i32
    %c0_i32_0 = arith.constant 0 : i32
    %c0_i32_1 = arith.constant 0 : i32
    return %c0_i32, %c0_i32_0 : i32, i32
  }
  func.func @transform_4(%arg0: i32) -> (i32, i32) {
    %c0_i32 = arith.constant 0 : i32
    %c0_i32_0 = arith.constant 0 : i32
    return %arg0, %c0_i32 : i32, i32
  }
  func.func @transform_5(%arg0: i32) -> (i32, i32) {
    %c0_i32 = arith.constant 0 : i32
    %c0_i32_0 = arith.constant 0 : i32
    %c0_i32_1 = arith.constant 0 : i32
    return %c0_i32, %c0_i32_0 : i32, i32
  }
  func.func @transform_6(%arg0: i32) -> (i32, i32) {
    %c0_i32 = arith.constant 0 : i32
    %c0_i32_0 = arith.constant 0 : i32
    %c0_i32_1 = arith.constant 0 : i32
    return %c0_i32, %c0_i32_0 : i32, i32
  }
  func.func @transform_7(%arg0: i32) -> (i32, i32) {
    %c0_i32 = arith.constant 0 : i32
    %c0_i32_0 = arith.constant 0 : i32
    return %arg0, %c0_i32 : i32, i32
  }
}

</mosaic_0001>

<sc_bundles>
// kernel: kernel.12.cloned.1.call-start
scs
__scs_entry_jumppad:
0x0: {  	(pc) =	sbr.rel $0x88, $3  }
0x1: {  	(tag) =	ssettag $0x0;
	lr =	simm.s32 $0x1  }
0x2: {  	[smem:$0x3F97] =	sst lr;
	_ =	strace $0xD0000000  }
0x3: {  	_ = 	snop  }
0x4: {  	_ = 	snop  }
0x5: {  	_ = 	snop  }
0x6: {  	_ = 	snop  }
0x7: {  	_ = 	snop  }
__scs_overlays_trampoline_lowered:
0x8: {  	[smem:$0x3FA6] =	sst s0  }
0x9: {  	[smem:$0x3FA7] =	sst s1  }
0xa: {  	[smem:$0x3FA8] =	sst s2  }
0xb: {  	[smem:$0x3FA9] =	sst s3  }
0xc: {  	[smem:$0x3FAA] =	sst s4  }
0xd: {  	[smem:$0x3FAB] =	sst s5  }
0xe: {  	[smem:$0x3FAC] =	sst s6  }
0xf: {  	[smem:$0x3FAD] =	sst s7  }
0x10: {  	[smem:$0x3FAE] =	sst s8  }
0x11: {  	[smem:$0x3FAF] =	sst s9;
	s0 =	simm.s32 @!p0 $0x0  }
0x12: {  	s1 =	sld [smem:$0x3F95];
	s0 =	simm.s32 @p0 $0x1  }
0x13: {  	[smem:$0x3FB0] =	sst s0;
	s0 =	simm.s32 @!p1 $0x0  }
0x14: {  	s2 =	sld [smem:$0x3F94];
	s0 =	simm.s32 @p1 $0x1  }
0x15: {  	[smem:$0x3FB1] =	sst s0;
	s0 =	simm.s32 @!p2 $0x0  }
0x16: {  	s3 =	sld [smem:$0x3FDB];
	s0 =	simm.s32 @p2 $0x1  }
0x17: {  	s4 =	simm.s32 $0x1BF5;
	[smem:$0x3FB3] =	sst s0  }
0x18: {  	s0 =	sld [smem:$0x3F96];
	_ =	swait.ge [sflag:s4], $0x0  }
0x19: {  	s7 =	sld [smem:$0x3F97]  }
0x1a: {  	s8 =	sadd.s32 $0xFFFFE003, lr  }
0x1b: {  	s9 =	sadd.s32 $0xFFFFFEF7, lr;
	s5 =	simm.s32 $0xFFFFFFFF;
	p2 =	slt.u32 s8, $0xFFFFF086  }
0x1c: {  	p1 =	slt.u32 s9, $0xF7A;
	s5 =	simm.s32 @!p2 $0x0  }
0x1d: {  	s5 =	simm.s32 @p1 $0x1;
	p0 =	seq.s32 s7, s2  }
0x1e: {  	s7 =	smul.u32 @!p0 $0xF7A, s2;
	p2 =	seq.s32 @!p0 s5, $0x0  }
0x1f: {  	s9 =	smul.u32 $0xF7A, s1;
	s8 =	simm.s32 @!p0 $0x1BF5;
	p2 =	por !p2, p0  }
0x20: {  	[sflag:s8] =	ssyncset.s32 @!p0 $0xFFFFF086;
	s6 =	sadd.s32 @!p0 s3, s7;
	s7 =	simm.s32 @!p0 $0x108  }
0x21: {  	s3 =	sadd.s32 s3, s9;
	s6 =	sadd.s32 @!p0 $0x88, s6;
	s7 =	simm.s32 @p2 $0x1082  }
0x22: {  	[simem:s7], [sflag:s8] =	dma.local @!p0 [hbm:s6], $0xF7A  }
0x23: {  	s9 =	sor.u32 $0xD0000000, s2;
	s6 =	simm.s32 $0x108;
	_ =	swait.ge @!p0 [sflag:s8], $0x0  }
0x24: {  	s3 =	sadd.s32 $0x88, s3;
	s6 =	simm.s32 @!p1 $0x1082;
	[sflag:s4] =	ssyncset.s32 $0xFFFFF086  }
0x25: {  	[simem:s6], [sflag:s4] =	dma.local [hbm:s3], $0xF7A  }
0x26: {  	[smem:$0x3F97] =	sst s1;
	(tag) =	ssettag s2;
	_ =	strace s9  }
0x27: {  	s1 =	sld [smem:$0x3FA7]  }
0x28: {  	s2 =	sld [smem:$0x3FA8]  }
0x29: {  	s4 =	sld [smem:$0x3FAA]  }
0x2a: {  	p0 =	seq.s32 s5, $0x0;
	s5 =	sld [smem:$0x3FAB]  }
0x2b: {  	s6 =	sld [smem:$0x3FAC]  }
0x2c: {  	s7 =	sld [smem:$0x3FAD]  }
0x2d: {  	s3 =	simm.s32 $0x108;
	s8 =	sld [smem:$0x3FAE]  }
0x2e: {  	s3 =	simm.s32 @!p0 $0x1082;
	s9 =	sld [smem:$0x3FAF]  }
0x2f: {  	lr =	sadd.s32 s0, s3;
	s0 =	sld [smem:$0x3FA6]  }
0x30: {  	s3 =	sld [smem:$0x3FA9]  }
0x31: {  	[smem:$0x3FB2] =	sst s10  }
0x32: {  	s10 =	sld [smem:$0x3FB0];
	_ =	sdelay $0x3  }
0x33: {  	p0 =	seq.s32 s10, $0x1;
	s10 =	sld [smem:$0x3FB2];
	_ =	sdelay $0x3  }
0x34: {  	[smem:$0x3FB2] =	sst s10  }
0x35: {  	s10 =	sld [smem:$0x3FB1];
	_ =	sdelay $0x3  }
0x36: {  	p1 =	seq.s32 s10, $0x1;
	s10 =	sld [smem:$0x3FB2];
	_ =	sdelay $0x3  }
0x37: {  	[smem:$0x3FB2] =	sst s10  }
0x38: {  	s10 =	sld [smem:$0x3FB3]  }
0x39: {  	_ = 	snop;
	(pc) =	sbr.ind lr, $3  }
0x3a: {  	_ = 	snop  }
0x3b: {  	_ = 	snop  }
0x3c: {  	p2 =	seq.s32 s10, $0x1;
	s10 =	sld [smem:$0x3FB2]  }
0x3d: {  	_ =	shalt  }
0x3e: {  	_ =	shalt  }
0x3f: {  	_ =	shalt  }
0x40: {  	_ =	shalt  }
0x41: {  	_ =	shalt  }
0x42: {  	_ =	shalt  }
0x43: {  	_ =	shalt  }
0x44: {  	_ =	shalt  }
0x45: {  	_ =	shalt  }
0x46: {  	_ =	shalt  }
0x47: {  	_ =	shalt  }
0x48: {  	_ =	shalt  }
0x49: {  	_ =	shalt  }
0x4a: {  	_ =	shalt  }
0x4b: {  	_ =	shalt  }
0x4c: {  	_ =	shalt  }
0x4d: {  	_ =	shalt  }
0x4e: {  	_ =	shalt  }
0x4f: {  	_ =	shalt  }
0x50: {  	_ =	shalt  }
0x51: {  	_ =	shalt  }
0x52: {  	_ =	shalt  }
0x53: {  	_ =	shalt  }
0x54: {  	_ =	shalt  }
0x55: {  	_ =	shalt  }
0x56: {  	_ =	shalt  }
0x57: {  	_ =	shalt  }
0x58: {  	_ =	shalt  }
0x59: {  	_ =	shalt  }
0x5a: {  	_ =	shalt  }
0x5b: {  	_ =	shalt  }
0x5c: {  	_ =	shalt  }
0x5d: {  	_ =	shalt  }
0x5e: {  	_ =	shalt  }
0x5f: {  	_ =	shalt  }
0x60: {  	_ =	shalt  }
0x61: {  	_ =	shalt  }
0x62: {  	_ =	shalt  }
0x63: {  	_ =	shalt  }
0x64: {  	_ =	shalt  }
0x65: {  	_ =	shalt  }
0x66: {  	_ =	shalt  }
0x67: {  	_ =	shalt  }
0x68: {  	_ =	shalt  }
0x69: {  	_ =	shalt  }
0x6a: {  	_ =	shalt  }
0x6b: {  	_ =	shalt  }
0x6c: {  	_ =	shalt  }
0x6d: {  	_ =	shalt  }
0x6e: {  	_ =	shalt  }
0x6f: {  	_ =	shalt  }
0x70: {  	_ =	shalt  }
0x71: {  	_ =	shalt  }
0x72: {  	_ =	shalt  }
0x73: {  	_ =	shalt  }
0x74: {  	_ =	shalt  }
0x75: {  	_ =	shalt  }
0x76: {  	_ =	shalt  }
0x77: {  	_ =	shalt  }
0x78: {  	_ =	shalt  }
0x79: {  	_ =	shalt  }
0x7a: {  	_ =	shalt  }
0x7b: {  	_ =	shalt  }
0x7c: {  	_ =	shalt  }
0x7d: {  	_ =	shalt  }
0x7e: {  	_ =	shalt  }
0x7f: {  	_ =	shalt  }
0x80: {  	_ =	shalt  }
0x81: {  	_ =	shalt  }
0x82: {  	_ =	shalt  }
0x83: {  	_ =	shalt  }
0x84: {  	_ =	shalt  }
0x85: {  	_ =	shalt  }
0x86: {  	_ =	shalt  }
0x87: {  	_ =	shalt  }
.Lfunc_end0:
.L_simem_size_0:
called_computation.1_lowered:
.L_overlay_start_0:
0x88: {  	s2 =	sld [smem:$0x3FD9]  }
0x89: {  	s3 =	sld [smem:$0x3FFE];
	_ =	sdelay $0x1  }
0x8a: {  	s1 =	srdreg.scid  }
0x8b: {  	s0 =	sand.u32 $0x1, s1  }
0x8c: {  	s17 =	sshll.u32 s0, $0xA;
	s2 =	sadd.s32 s3, s2  }
0x8d: {  	s2 =	sadd.s32 s2, s17  }
0x8e: {  	[smem:$0x3FBE] =	sst s2  }
0x8f: {  	_ = 	snop  }
0x90: {  	s2 =	sld [smem:$0x3FD0];
	(tm) =	ssettm $0x1  }
0x91: {  	s18 =	sld [smem:$0x3FFB];
	_ =	sdelay $0x3  }
0x92: {  	_ =	strace s18  }
0x93: {  	s3 =	sld [smem:$0x3FFC];
	_ =	sdelay $0x3  }
0x94: {  	_ =	strace s3  }
0x95: {  	s3 =	sld [smem:$0x3FFD];
	_ =	sdelay $0x3  }
0x96: {  	_ =	strace s3  }
0x97: {  	_ =	strace $0x8FFFFFFF  }
0x98: {  	s19 =	sld [smem:$0x3FDB];
	_ =	sdelay $0x1  }
0x99: {  	s4 =	simm.s32 $_scs_section_size  }
0x9a: {  	s5 =	simm.s32 $_size__tile_overlayer_lowered;
	s6 =	simm.s32 $_tile_overlayer_lowered  }
0x9b: {  	s22 =	simm.s32 $0x1BFF;
	s21 =	sshll.u32 s6, $0x1;
	s3 =	sadd.s32 s4, s19  }
0x9c: {  	s7 =	simm.s32 $0x0;
	s20 =	sshll.u32 s5, $0x1;
	s5 =	sadd.s32 s21, s3  }
0x9d: {  	[timem:s7], [sflag:s22] =	dma.local [hbm:s5], s20  }
0x9e: {  	_ =	swait.ge [sflag:s22], s20  }
0x9f: {  	s4 =	ssub.s32 $0x0, s20;
	[sflag:s22] =	ssyncset.done $0x0  }
0xa0: {  	[sflag:s22] =	ssyncadd.s32 s4;
	_ =	sdelay $0x1  }
0xa1: {  	s23 =	simm.s32 $0x1B8B  }
0xa2: {  	_ =	swait.ge [sflag:s23], $0x1  }
0xa3: {  	[sflag:s23] =	ssyncset.done $0x0  }
0xa4: {  	s25 =	simm.s32 $0x1B8E;
	s24 =	sld [smem:$0x3FFE];
	[sflag:s23] =	ssyncadd.s32 $0xFFFFFFFF  }
0xa5: {  	s26 =	simm.s32 $execute0_lowered;
	[smem:$0x3FD2] =	sst s25  }
0xa6: {  	s5 =	sshll.u32 s26, $0x1;
	_ =	strace $0x80000049;
	[dreg:$0x1] =	wrdreg $0xFFFFFFFF  }
0xa7: {  	s28 =	simm.s32 $_size_execute0_lowered;
	s3 =	sadd.s32 s3, s5;
	[dreg:$0x0] =	wrdreg $0x0  }
0xa8: {  	s5 =	sshll.u32 s28, $0x1;
	[dreg:$0x2] =	wrdreg s3  }
0xa9: {  	[dreg:$0x3] =	wrdreg s5  }
0xaa: {  	[dreg:$0x4] =	wrdreg $0xC0  }
0xab: {  	_ =	task [dreg:s7], $0x5FFFF  }
0xac: {  	[dreg:$0x1] =	wrdreg $0xFFFFFFFF  }
0xad: {  	[dreg:$0x0] =	wrdreg $0x60  }
0xae: {  	[dreg:$0x2] =	wrdreg s2  }
0xaf: {  	[dreg:$0x3] =	wrdreg s24  }
0xb0: {  	[dreg:$0x4] =	wrdreg $0x11D000  }
0xb1: {  	[dreg:$0x5] =	wrdreg $0x9  }
0xb2: {  	_ =	task.clear_ibuf [dreg:s7], $0x6FFFF;
	_ =	strace $0x90000049  }
0xb3: {  	s29 =	simm.s32 $0x9;
	_ =	strace $0x8000004B  }
0xb4: {  	_ =	swait.ge [sflag:s29], $0x1  }
0xb5: {  	[sflag:s29] =	ssyncadd.s32 $0xFFFFFFFF  }
0xb6: {  	_ =	strace $0x9000004B  }
0xb7: {  	_ =	sfence  }
0xb8: {  	s30 =	sld [smem:$0x0];
	_ =	sdelay $0x2  }
0xb9: {  	s31 =	sshll.u32 s1, $0xD;
	s1 =	sshrl.u32 s1, $0x2  }
0xba: {  	s3 =	sand.u32 $0x4000, s31;
	s1 =	sadd.s32 s1, s30  }
0xbb: {  	s0 =	sor.u32 s3, s0;
	s1 =	sshll.u32 s1, $0x11  }
0xbc: {  	s0 =	sor.u32 s1, s0  }
0xbd: {  	s0 =	sadd.s32 $0x8F2B, s0  }
0xbe: {  	[sflag:s0] =	ssyncadd.remote.s32 $0x1  }
0xbf: {  	_ =	sfence.sel $0xFFFF  }
0xc0: {  	[dreg:$0x0] =	wrdreg $0xFFFFFFFF;
	(pc) =	sbr.abs _section_cstart, $3  }
0xc1: {  	[dreg:$0x1] =	wrdreg $0xFFFFFFFF  }
0xc2: {  	_ =	task.clear_ibuf [dreg:s7], $0x2FFFF;
	_ =	strace $0x9FFFFFFF  }
0xc3: {  	(tm) =	ssettm $0x7FFFFFFF  }
tec
execute0_lowered:
.L_overlay_start_1:
0x0: {  	(tag) =	ssettag $0x1  }
0x1: {  	s2 =	rddreg [dreg:$0x0]  }
0x2: {  	s0 =	srdreg.scid;
	s5 =	rddreg [dreg:$0x1]  }
0x3: {  	s4 =	stileid.u32;
	s3 =	rddreg [dreg:$0x2]  }
0x4: {  	s7 =	simm.s32 $0x0;
	s12 =	simm.s32 $0x2;
	s14 =	simm.s32 $0x7D  }
0x5: {  	s15 =	simm.s32 $0xA000;
	s19 =	simm.s32 $0xBF40;
	s28 =	simm.s32 $0xFDC0  }
0x6: {  	s29 =	simm.s32 $0x1;
	s0 =	sand.u32 $0x1, s0;
	s1 =	smul.u32 $0xA000, s4  }
0x7: {  	[smem:$0x7FF] =	sst s7;
	s23 =	sshll.u32 s4, $0x6;
	s6 =	smul.u32 $0xA0000, s0  }
0x8: {  	_ =	strace $0x8000004A;
	s0 =	ssub.s32 $0x2, s0;
	s4 =	sor.u32 $0x1C02, s23  }
0x9: {  	s8 =	sshrl.u32 s1, $0x4;
	s22 =	sshrl.u32 s0, $0x1;
	[dreg:$0x5] =	wrdreg s4  }
0xa: {  	s6 =	sadd.s32 s1, s6;
	s8 =	sadd.s32 s8, s5;
	s0 =	ssub.s32 s0, s22  }
0xb: {  	s1 =	sshrl.u32 s1, $0x1;
	s21 =	sshrl.u32 s6, $0x3;
	s24 =	sadd.s32 $0xC000, s8  }
0xc: {  	s1 =	sadd.s32 s1, s3;
	s0 =	smax.u32 s0, $0x1;
	[dreg:$0x4] =	wrdreg s24  }
0xd: {  	s7 =	sadd.s32 s21, s5;
	[dreg:$0x9] =	wrdreg s0;
	s1 =	sshrl.u32 s1, $0x3  }
0xe: {  	s6 =	sshrl.u32 s6, $0x4;
	s25 =	sadd.s32 $0x16000, s7;
	[dreg:$0xa] =	wrdreg s1  }
0xf: {  	s5 =	sadd.s32 s6, s5;
	s26 =	sadd.s32 $0x16A00, s7;
	[dreg:$0x6] =	wrdreg s25  }
0x10: {  	s30 =	simm.s32 $0x10D60;
	s5 =	sadd.s32 $0x66000, s5;
	[dreg:$0x7] =	wrdreg s26  }
0x11: {  	s31 =	simm.s32 $0x0;
	s23 =	simm.s32 $0xDE80;
	[dreg:$0x8] =	wrdreg s5  }
.LBB2_1:
0x12: {  	s0 =	rddreg [dreg:$0x4]  }
0x13: {  	[spmem:s1], [sflag:s4] =	dma.local [hbm:s0], $0xA00  }
0x14: {  	_ =	swait.ge [sflag:s12], $0xA00  }
0x15: {  	[sflag:s12] =	ssyncset.done $0x0  }
0x16: {  	s26 =	simm.s32 $0x0;
	s4 =	rddreg [dreg:$0x6];
	[sflag:s12] =	ssyncadd.s32 $0xFFFFF600  }
0x17: {  	[tilespmem:s26], [sflag:$0x2] =	stream.linear.gather [hbm4b:s4+s26], $0x5000, $0x38;
	[tilespmem:$0x16D00] =	vst v63  }
0x18: {  	_ =	swait.ge [sflag:s12], $0x5000  }
0x19: {  	[sflag:s12] =	ssyncset.done $0x0  }
0x1a: {  	s6 =	simm.s32 $0x5000;
	s5 =	rddreg [dreg:$0x7];
	[sflag:s12] =	ssyncadd.s32 $0xFFFFB000  }
0x1b: {  	[tilespmem:s6], [sflag:$0x2] =	stream.linear.gather [hbm4b:s5+s26], $0x5000, $0x38;
	[tilespmem:$0x16D00] =	vst v63  }
0x1c: {  	_ =	swait.ge [sflag:s12], $0x5000  }
0x1d: {  	[sflag:s12] =	ssyncset.done $0x0  }
0x1e: {  	[sflag:s12] =	ssyncadd.s32 $0xFFFFB000  }
0x1f: {  	[bflag:$0x0] =	sbarrier.arrive $0xFFFF  }
0x20: {  	[tilespmem:s15], [sflag:$0x1] =	stream.indirect.gather [hbm4b:s2+s14], $0x20, s26, s14, $0xb8;
	[tilespmem:$0x16D00] =	vst v63  }
0x21: {  	s7 =	simm.s32 $0x80;
	s8 =	simm.s32 $0xAFA0  }
0x22: {  	[tilespmem:s8], [sflag:$0x1] =	stream.indirect.gather [hbm4b:s2+s14], $0x20, s7, s14, $0xb8;
	[tilespmem:$0x16D00] =	vst v63  }
0x23: {  	s9 =	simm.s32 $0x100  }
0x24: {  	[tilespmem:s19], [sflag:$0x1] =	stream.indirect.gather [hbm4b:s2+s14], $0x20, s9, s14, $0xb8;
	[tilespmem:$0x16D00] =	vst v63  }
0x25: {  	s10 =	simm.s32 $0x180;
	s11 =	simm.s32 $0xCEE0  }
0x26: {  	[tilespmem:s11], [sflag:$0x1] =	stream.indirect.gather [hbm4b:s2+s14], $0x20, s10, s14, $0xb8;
	[tilespmem:$0x16D00] =	vst v63  }
0x27: {  	s13 =	simm.s32 $0x200  }
0x28: {  	[tilespmem:s23], [sflag:$0x1] =	stream.indirect.gather [hbm4b:s2+s14], $0x20, s13, s14, $0xb8;
	[tilespmem:$0x16D00] =	vst v63  }
0x29: {  	s16 =	simm.s32 $0x280;
	s17 =	simm.s32 $0xEE20  }
0x2a: {  	[tilespmem:s17], [sflag:$0x1] =	stream.indirect.gather [hbm4b:s2+s14], $0x20, s16, s14, $0xb8;
	[tilespmem:$0x16D00] =	vst v63  }
0x2b: {  	s18 =	simm.s32 $0x300  }
0x2c: {  	[tilespmem:s28], [sflag:$0x1] =	stream.indirect.gather [hbm4b:s2+s14], $0x20, s18, s14, $0xb8;
	[tilespmem:$0x16D00] =	vst v63  }
0x2d: {  	_ =	swait.ge [sflag:s29], $0xFA0  }
0x2e: {  	[sflag:s29] =	ssyncset.done $0x0  }
0x2f: {  	s20 =	simm.s32 $0x380;
	[sflag:s29] =	ssyncadd.s32 $0xFFFFF060  }
0x30: {  	[tilespmem:s30], [sflag:$0x1] =	stream.indirect.gather [hbm4b:s2+s14], $0x20, s20, s14, $0xb8;
	[tilespmem:$0x16D00] =	vst v63  }
0x31: {  	s21 =	simm.s32 $0x5000  }
0x32: {  	[spmem:s3] =	stream.indirect.scatter.add.bf16 [tilespmem:s15], [sflag:$0x2], $0x20, s21, s14, $0xb8;
	[tilespmem:$0x16D00] =	vst v63  }
0x33: {  	_ =	swait.ge [sflag:s12], $0xFA0  }
0x34: {  	[sflag:s12] =	ssyncset.done $0x0  }
0x35: {  	[sflag:s12] =	ssyncadd.s32 $0xFFFFF060  }
0x36: {  	p0 =	por $0x0, $0x0;
	_ =	swait.ge [sflag:s29], $0xFA0  }
0x37: {  	s1 =	simm.s32 @p0 $0x7D;
	s0 =	simm.s32 @p0 $0x5080;
	[sflag:s29] =	ssyncset.done $0x0  }
0x38: {  	s5 =	simm.s32 @p0 $0xAFA0;
	s7 =	simm.s32 @p0 $0x2;
	[sflag:s29] =	ssyncadd.s32 $0xFFFFF060  }
0x39: {  	[spmem:s3] =	stream.indirect.scatter.add.bf16 @p0 [tilespmem:s5], [sflag:$0x2], $0x20, s0, s1, $0xb8;
	[tilespmem:$0x16D00] =	vst v63  }
0x3a: {  	_ =	swait.ge @p0 [sflag:s7], $0xFA0  }
0x3b: {  	[sflag:s7] =	ssyncset.done @p0 $0x0  }
0x3c: {  	s5 =	simm.s32 @p0 $0x1;
	[sflag:s7] =	ssyncadd.s32 @p0 $0xFFFFF060  }
0x3d: {  	_ =	swait.ge @p0 [sflag:s5], $0xFA0  }
0x3e: {  	s8 =	simm.s32 @!p0 $0x400;
	[sflag:s5] =	ssyncset.done @p0 $0x0  }
0x3f: {  	s9 =	simm.s32 @!p0 $0xA000;
	s0 =	simm.s32 @!p0 $0x7D;
	[sflag:s5] =	ssyncadd.s32 @p0 $0xFFFFF060  }
0x40: {  	[tilespmem:s9], [sflag:$0x1] =	stream.indirect.gather @!p0 [hbm4b:s2+s0], $0x20, s8, s0, $0xb8;
	[tilespmem:$0x16D00] =	vst v63  }
0x41: {  	s10 =	simm.s32 @!p0 $0xAFA0;
	s9 =	simm.s32 @!p0 $0x5080;
	s8 =	simm.s32 @!p0 $0x2  }
0x42: {  	[spmem:s3] =	stream.indirect.scatter.add.bf16 @!p0 [tilespmem:s10], [sflag:$0x2], $0x20, s9, s0, $0xb8;
	[tilespmem:$0x16D00] =	vst v63  }
0x43: {  	_ =	swait.ge @!p0 [sflag:s8], $0xFA0  }
0x44: {  	[sflag:s8] =	ssyncset.done @!p0 $0x0  }
0x45: {  	s9 =	simm.s32 @!p0 $0x1;
	[sflag:s8] =	ssyncadd.s32 @!p0 $0xFFFFF060  }
0x46: {  	_ =	swait.ge @!p0 [sflag:s9], $0xFA0  }
0x47: {  	[sflag:s9] =	ssyncset.done @!p0 $0x0  }
0x48: {  	s13 =	simm.s32 @!p0 $0x480;
	[sflag:s9] =	ssyncadd.s32 @!p0 $0xFFFFF060  }
0x49: {  	[tilespmem:s10], [sflag:$0x1] =	stream.indirect.gather @!p0 [hbm4b:s2+s0], $0x20, s13, s0, $0xb8;
	[tilespmem:$0x16D00] =	vst v63  }
0x4a: {  	s22 =	simm.s32 $0x5100  }
0x4b: {  	[spmem:s3] =	stream.indirect.scatter.add.bf16 [tilespmem:s19], [sflag:$0x2], $0x20, s22, s14, $0xb8;
	[tilespmem:$0x16D00] =	vst v63  }
0x4c: {  	_ =	swait.ge [sflag:s12], $0xFA0  }
0x4d: {  	[sflag:s12] =	ssyncset.done $0x0  }
0x4e: {  	[sflag:s12] =	ssyncadd.s32 $0xFFFFF060  }
0x4f: {  	_ =	swait.ge [sflag:s29], $0xFA0  }
0x50: {  	[sflag:s29] =	ssyncset.done $0x0  }
0x51: {  	s10 =	simm.s32 @p0 $0x5180;
	s13 =	simm.s32 @p0 $0xCEE0;
	[sflag:s29] =	ssyncadd.s32 $0xFFFFF060  }
0x52: {  	[spmem:s3] =	stream.indirect.scatter.add.bf16 @p0 [tilespmem:s13], [sflag:$0x2], $0x20, s10, s1, $0xb8;
	[tilespmem:$0x16D00] =	vst v63  }
0x53: {  	_ =	swait.ge @p0 [sflag:s7], $0xFA0  }
0x54: {  	[sflag:s7] =	ssyncset.done @p0 $0x0  }
0x55: {  	[sflag:s7] =	ssyncadd.s32 @p0 $0xFFFFF060  }
0x56: {  	_ =	swait.ge @p0 [sflag:s5], $0xFA0  }
0x57: {  	[sflag:s5] =	ssyncset.done @p0 $0x0  }
0x58: {  	s10 =	simm.s32 @!p0 $0x500;
	s13 =	simm.s32 @!p0 $0xBF40;
	[sflag:s5] =	ssyncadd.s32 @p0 $0xFFFFF060  }
0x59: {  	[tilespmem:s13], [sflag:$0x1] =	stream.indirect.gather @!p0 [hbm4b:s2+s0], $0x20, s10, s0, $0xb8;
	[tilespmem:$0x16D00] =	vst v63  }
0x5a: {  	s10 =	simm.s32 @!p0 $0x5180;
	s13 =	simm.s32 @!p0 $0xCEE0  }
0x5b: {  	[spmem:s3] =	stream.indirect.scatter.add.bf16 @!p0 [tilespmem:s13], [sflag:$0x2], $0x20, s10, s0, $0xb8;
	[tilespmem:$0x16D00] =	vst v63  }
0x5c: {  	_ =	swait.ge @!p0 [sflag:s8], $0xFA0  }
0x5d: {  	[sflag:s8] =	ssyncset.done @!p0 $0x0  }
0x5e: {  	[sflag:s8] =	ssyncadd.s32 @!p0 $0xFFFFF060  }
0x5f: {  	_ =	swait.ge @!p0 [sflag:s9], $0xFA0  }
0x60: {  	[sflag:s9] =	ssyncset.done @!p0 $0x0  }
0x61: {  	s10 =	simm.s32 @!p0 $0x580;
	[sflag:s9] =	ssyncadd.s32 @!p0 $0xFFFFF060  }
0x62: {  	[tilespmem:s13], [sflag:$0x1] =	stream.indirect.gather @!p0 [hbm4b:s2+s0], $0x20, s10, s0, $0xb8;
	[tilespmem:$0x16D00] =	vst v63  }
0x63: {  	s24 =	simm.s32 $0x5200  }
0x64: {  	[spmem:s3] =	stream.indirect.scatter.add.bf16 [tilespmem:s23], [sflag:$0x2], $0x20, s24, s14, $0xb8;
	[tilespmem:$0x16D00] =	vst v63  }
0x65: {  	_ =	swait.ge [sflag:s12], $0xFA0  }
0x66: {  	[sflag:s12] =	ssyncset.done $0x0  }
0x67: {  	[sflag:s12] =	ssyncadd.s32 $0xFFFFF060  }
0x68: {  	_ =	swait.ge [sflag:s29], $0xFA0  }
0x69: {  	[sflag:s29] =	ssyncset.done $0x0  }
0x6a: {  	s10 =	simm.s32 @p0 $0x5280;
	s13 =	simm.s32 @p0 $0xEE20;
	[sflag:s29] =	ssyncadd.s32 $0xFFFFF060  }
0x6b: {  	[spmem:s3] =	stream.indirect.scatter.add.bf16 @p0 [tilespmem:s13], [sflag:$0x2], $0x20, s10, s1, $0xb8;
	[tilespmem:$0x16D00] =	vst v63  }
0x6c: {  	_ =	swait.ge @p0 [sflag:s7], $0xFA0  }
0x6d: {  	[sflag:s7] =	ssyncset.done @p0 $0x0  }
0x6e: {  	[sflag:s7] =	ssyncadd.s32 @p0 $0xFFFFF060  }
0x6f: {  	_ =	swait.ge @p0 [sflag:s5], $0xFA0  }
0x70: {  	[sflag:s5] =	ssyncset.done @p0 $0x0  }
0x71: {  	s1 =	simm.s32 @!p0 $0x600;
	[sflag:s5] =	ssyncadd.s32 @p0 $0xFFFFF060;
	s5 =	simm.s32 @!p0 $0xDE80  }
0x72: {  	[tilespmem:s5], [sflag:$0x1] =	stream.indirect.gather @!p0 [hbm4b:s2+s0], $0x20, s1, s0, $0xb8;
	[tilespmem:$0x16D00] =	vst v63  }
0x73: {  	s1 =	simm.s32 @!p0 $0x5280;
	s5 =	simm.s32 @!p0 $0xEE20  }
0x74: {  	[spmem:s3] =	stream.indirect.scatter.add.bf16 @!p0 [tilespmem:s5], [sflag:$0x2], $0x20, s1, s0, $0xb8;
	[tilespmem:$0x16D00] =	vst v63  }
0x75: {  	_ =	swait.ge @!p0 [sflag:s8], $0xFA0  }
0x76: {  	[sflag:s8] =	ssyncset.done @!p0 $0x0  }
0x77: {  	[sflag:s8] =	ssyncadd.s32 @!p0 $0xFFFFF060  }
0x78: {  	_ =	swait.ge @!p0 [sflag:s9], $0xFA0  }
0x79: {  	[sflag:s9] =	ssyncset.done @!p0 $0x0  }
0x7a: {  	s1 =	simm.s32 @!p0 $0x680;
	[sflag:s9] =	ssyncadd.s32 @!p0 $0xFFFFF060  }
0x7b: {  	[tilespmem:s5], [sflag:$0x1] =	stream.indirect.gather @!p0 [hbm4b:s2+s0], $0x20, s1, s0, $0xb8;
	[tilespmem:$0x16D00] =	vst v63  }
0x7c: {  	s25 =	simm.s32 $0x5300  }
0x7d: {  	[spmem:s3] =	stream.indirect.scatter.add.bf16 [tilespmem:s28], [sflag:$0x2], $0x20, s25, s14, $0xb8;
	[tilespmem:$0x16D00] =	vst v63  }
0x7e: {  	_ =	swait.ge [sflag:s12], $0xFA0  }
0x7f: {  	[sflag:s12] =	ssyncset.done $0x0  }
0x80: {  	[sflag:s12] =	ssyncadd.s32 $0xFFFFF060  }
0x81: {  	_ =	swait.ge [sflag:s29], $0xFA0  }
0x82: {  	[sflag:s29] =	ssyncset.done $0x0  }
0x83: {  	s1 =	simm.s32 @!p0 $0x700;
	s5 =	simm.s32 @!p0 $0xFDC0;
	[sflag:s29] =	ssyncadd.s32 $0xFFFFF060  }
0x84: {  	[tilespmem:s5], [sflag:$0x1] =	stream.indirect.gather @!p0 [hbm4b:s2+s0], $0x20, s1, s0, $0xb8;
	[tilespmem:$0x16D00] =	vst v63  }
0x85: {  	s26 =	simm.s32 $0x5380  }
0x86: {  	[spmem:s3] =	stream.indirect.scatter.add.bf16 [tilespmem:s30], [sflag:$0x2], $0x20, s26, s14, $0xb8;
	[tilespmem:$0x16D00] =	vst v63  }
0x87: {  	s1 =	simm.s32 $0x1000;
	_ =	swait.ge [sflag:s12], $0xFA0  }
.LBB2_2:
0x88: {  	[sflag:s12] =	ssyncset.done $0x0;
	s5 =	smov.u32 s1;
	s1 =	sadd.s32 $0x1000, s1  }
0x89: {  	p0 =	sne.s32 s1, $0x14000;
	[sflag:s12] =	ssyncadd.s32 $0xFFFFF060  }
0x8a: {  	_ =	swait.ge [sflag:s29], $0xFA0  }
0x8b: {  	s0 =	sshra.s32 s5, $0x2;
	[sflag:s29] =	ssyncset.done $0x0  }
0x8c: {  	s7 =	sadd.s32 $0x380, s0;
	[sflag:s29] =	ssyncadd.s32 $0xFFFFF060  }
0x8d: {  	[tilespmem:s30], [sflag:$0x1] =	stream.indirect.gather [hbm4b:s2+s14], $0x20, s7, s14, $0xb8;
	[tilespmem:$0x16D00] =	vst v63  }
0x8e: {  	s7 =	sadd.s32 $0x5000, s0  }
0x8f: {  	[spmem:s3] =	stream.indirect.scatter.add.bf16 [tilespmem:s15], [sflag:$0x2], $0x20, s7, s14, $0xb8;
	[tilespmem:$0x16D00] =	vst v63  }
0x90: {  	_ =	swait.ge [sflag:s12], $0xFA0  }
0x91: {  	[sflag:s12] =	ssyncset.done $0x0  }
0x92: {  	[sflag:s12] =	ssyncadd.s32 $0xFFFFF060  }
0x93: {  	p1 =	seq.s32 s5, $0x13000;
	_ =	swait.ge [sflag:s29], $0xFA0  }
0x94: {  	s13 =	sshra.s32 @p1 s5, $0x2;
	s17 =	simm.s32 @p1 $0x7D;
	[sflag:s29] =	ssyncset.done $0x0  }
0x95: {  	s8 =	simm.s32 @p1 $0xAFA0;
	s7 =	sadd.s32 @p1 $0x5080, s13;
	[sflag:s29] =	ssyncadd.s32 $0xFFFFF060  }
0x96: {  	[spmem:s3] =	stream.indirect.scatter.add.bf16 @p1 [tilespmem:s8], [sflag:$0x2], $0x20, s7, s17, $0xb8;
	[tilespmem:$0x16D00] =	vst v63  }
0x97: {  	s18 =	simm.s32 @p1 $0x2;
	s16 =	sshra.s32 @!p1 s5, $0x2;
	s10 =	sadd.s32 @p1 $0x5180, s13  }
0x98: {  	s21 =	sadd.s32 @!p1 $0x400, s16;
	s24 =	sadd.s32 @!p1 $0x5080, s16;
	_ =	swait.ge @p1 [sflag:s18], $0xFA0  }
0x99: {  	s20 =	simm.s32 @p1 $0x1;
	s4 =	sadd.s32 @!p1 $0x480, s16;
	[sflag:s18] =	ssyncset.done @p1 $0x0  }
0x9a: {  	s9 =	sadd.s32 @!p1 $0x500, s16;
	s8 =	sadd.s32 @!p1 $0x5180, s16;
	[sflag:s18] =	ssyncadd.s32 @p1 $0xFFFFF060  }
0x9b: {  	s5 =	sadd.s32 @p1 $0x5280, s13;
	s7 =	sadd.s32 @!p1 $0x580, s16;
	_ =	swait.ge @p1 [sflag:s20], $0xFA0  }
0x9c: {  	s22 =	simm.s32 @!p1 $0xA000;
	s13 =	simm.s32 @!p1 $0x7D;
	[sflag:s20] =	ssyncset.done @p1 $0x0  }
0x9d: {  	s6 =	simm.s32 @!p1 $0xAFA0;
	s25 =	sadd.s32 @!p1 $0x600, s16;
	[sflag:s20] =	ssyncadd.s32 @p1 $0xFFFFF060  }
0x9e: {  	[tilespmem:s22], [sflag:$0x1] =	stream.indirect.gather @!p1 [hbm4b:s2+s13], $0x20, s21, s13, $0xb8;
	[tilespmem:$0x16D00] =	vst v63  }
0x9f: {  	s26 =	sadd.s32 @!p1 $0x5280, s16;
	s22 =	simm.s32 @!p1 $0x2;
	s21 =	sadd.s32 @!p1 $0x680, s16  }
0xa0: {  	[spmem:s3] =	stream.indirect.scatter.add.bf16 @!p1 [tilespmem:s6], [sflag:$0x2], $0x20, s24, s13, $0xb8;
	[tilespmem:$0x16D00] =	vst v63  }
0xa1: {  	s16 =	sadd.s32 @!p1 $0x700, s16;
	_ =	swait.ge @!p1 [sflag:s22], $0xFA0  }
0xa2: {  	s24 =	simm.s32 @!p1 $0x1;
	[sflag:s22] =	ssyncset.done @!p1 $0x0  }
0xa3: {  	[sflag:s22] =	ssyncadd.s32 @!p1 $0xFFFFF060  }
0xa4: {  	_ =	swait.ge @!p1 [sflag:s24], $0xFA0  }
0xa5: {  	[sflag:s24] =	ssyncset.done @!p1 $0x0  }
0xa6: {  	s11 =	sadd.s32 $0x5100, s0;
	[sflag:s24] =	ssyncadd.s32 @!p1 $0xFFFFF060  }
0xa7: {  	[tilespmem:s6], [sflag:$0x1] =	stream.indirect.gather @!p1 [hbm4b:s2+s13], $0x20, s4, s13, $0xb8;
	[tilespmem:$0x16D00] =	vst v63  }
0xa8: {  	_ = 	snop  }
0xa9: {  	[spmem:s3] =	stream.indirect.scatter.add.bf16 [tilespmem:s19], [sflag:$0x2], $0x20, s11, s14, $0xb8;
	[tilespmem:$0x16D00] =	vst v63  }
0xaa: {  	_ =	swait.ge [sflag:s12], $0xFA0  }
0xab: {  	[sflag:s12] =	ssyncset.done $0x0  }
0xac: {  	[sflag:s12] =	ssyncadd.s32 $0xFFFFF060  }
0xad: {  	_ =	swait.ge [sflag:s29], $0xFA0  }
0xae: {  	s4 =	simm.s32 @p1 $0xCEE0;
	[sflag:s29] =	ssyncset.done $0x0  }
0xaf: {  	[sflag:s29] =	ssyncadd.s32 $0xFFFFF060  }
0xb0: {  	[spmem:s3] =	stream.indirect.scatter.add.bf16 @p1 [tilespmem:s4], [sflag:$0x2], $0x20, s10, s17, $0xb8;
	[tilespmem:$0x16D00] =	vst v63  }
0xb1: {  	_ =	swait.ge @p1 [sflag:s18], $0xFA0  }
0xb2: {  	[sflag:s18] =	ssyncset.done @p1 $0x0  }
0xb3: {  	[sflag:s18] =	ssyncadd.s32 @p1 $0xFFFFF060  }
0xb4: {  	_ =	swait.ge @p1 [sflag:s20], $0xFA0  }
0xb5: {  	s4 =	simm.s32 @!p1 $0xBF40;
	[sflag:s20] =	ssyncset.done @p1 $0x0  }
0xb6: {  	s6 =	simm.s32 @!p1 $0xCEE0;
	[sflag:s20] =	ssyncadd.s32 @p1 $0xFFFFF060  }
0xb7: {  	[tilespmem:s4], [sflag:$0x1] =	stream.indirect.gather @!p1 [hbm4b:s2+s13], $0x20, s9, s13, $0xb8;
	[tilespmem:$0x16D00] =	vst v63  }
0xb8: {  	_ = 	snop  }
0xb9: {  	[spmem:s3] =	stream.indirect.scatter.add.bf16 @!p1 [tilespmem:s6], [sflag:$0x2], $0x20, s8, s13, $0xb8;
	[tilespmem:$0x16D00] =	vst v63  }
0xba: {  	_ =	swait.ge @!p1 [sflag:s22], $0xFA0  }
0xbb: {  	[sflag:s22] =	ssyncset.done @!p1 $0x0  }
0xbc: {  	[sflag:s22] =	ssyncadd.s32 @!p1 $0xFFFFF060  }
0xbd: {  	_ =	swait.ge @!p1 [sflag:s24], $0xFA0  }
0xbe: {  	[sflag:s24] =	ssyncset.done @!p1 $0x0  }
0xbf: {  	s4 =	sadd.s32 $0x5200, s0;
	[sflag:s24] =	ssyncadd.s32 @!p1 $0xFFFFF060  }
0xc0: {  	[tilespmem:s6], [sflag:$0x1] =	stream.indirect.gather @!p1 [hbm4b:s2+s13], $0x20, s7, s13, $0xb8;
	[tilespmem:$0x16D00] =	vst v63  }
0xc1: {  	_ = 	snop  }
0xc2: {  	[spmem:s3] =	stream.indirect.scatter.add.bf16 [tilespmem:s23], [sflag:$0x2], $0x20, s4, s14, $0xb8;
	[tilespmem:$0x16D00] =	vst v63  }
0xc3: {  	_ =	swait.ge [sflag:s12], $0xFA0  }
0xc4: {  	[sflag:s12] =	ssyncset.done $0x0  }
0xc5: {  	[sflag:s12] =	ssyncadd.s32 $0xFFFFF060  }
0xc6: {  	_ =	swait.ge [sflag:s29], $0xFA0  }
0xc7: {  	s4 =	simm.s32 @p1 $0xEE20;
	[sflag:s29] =	ssyncset.done $0x0  }
0xc8: {  	[sflag:s29] =	ssyncadd.s32 $0xFFFFF060  }
0xc9: {  	[spmem:s3] =	stream.indirect.scatter.add.bf16 @p1 [tilespmem:s4], [sflag:$0x2], $0x20, s5, s17, $0xb8;
	[tilespmem:$0x16D00] =	vst v63  }
0xca: {  	_ =	swait.ge @p1 [sflag:s18], $0xFA0  }
0xcb: {  	[sflag:s18] =	ssyncset.done @p1 $0x0  }
0xcc: {  	[sflag:s18] =	ssyncadd.s32 @p1 $0xFFFFF060  }
0xcd: {  	_ =	swait.ge @p1 [sflag:s20], $0xFA0  }
0xce: {  	s4 =	simm.s32 @!p1 $0xDE80;
	[sflag:s20] =	ssyncset.done @p1 $0x0  }
0xcf: {  	s5 =	simm.s32 @!p1 $0xEE20;
	[sflag:s20] =	ssyncadd.s32 @p1 $0xFFFFF060  }
0xd0: {  	[tilespmem:s4], [sflag:$0x1] =	stream.indirect.gather @!p1 [hbm4b:s2+s13], $0x20, s25, s13, $0xb8;
	[tilespmem:$0x16D00] =	vst v63  }
0xd1: {  	_ = 	snop  }
0xd2: {  	[spmem:s3] =	stream.indirect.scatter.add.bf16 @!p1 [tilespmem:s5], [sflag:$0x2], $0x20, s26, s13, $0xb8;
	[tilespmem:$0x16D00] =	vst v63  }
0xd3: {  	_ =	swait.ge @!p1 [sflag:s22], $0xFA0  }
0xd4: {  	[sflag:s22] =	ssyncset.done @!p1 $0x0  }
0xd5: {  	[sflag:s22] =	ssyncadd.s32 @!p1 $0xFFFFF060  }
0xd6: {  	_ =	swait.ge @!p1 [sflag:s24], $0xFA0  }
0xd7: {  	[sflag:s24] =	ssyncset.done @!p1 $0x0  }
0xd8: {  	s4 =	sadd.s32 $0x5300, s0;
	[sflag:s24] =	ssyncadd.s32 @!p1 $0xFFFFF060  }
0xd9: {  	[tilespmem:s5], [sflag:$0x1] =	stream.indirect.gather @!p1 [hbm4b:s2+s13], $0x20, s21, s13, $0xb8;
	[tilespmem:$0x16D00] =	vst v63  }
0xda: {  	_ = 	snop  }
0xdb: {  	[spmem:s3] =	stream.indirect.scatter.add.bf16 [tilespmem:s28], [sflag:$0x2], $0x20, s4, s14, $0xb8;
	[tilespmem:$0x16D00] =	vst v63  }
0xdc: {  	_ =	swait.ge [sflag:s12], $0xFA0  }
0xdd: {  	[sflag:s12] =	ssyncset.done $0x0  }
0xde: {  	[sflag:s12] =	ssyncadd.s32 $0xFFFFF060  }
0xdf: {  	_ =	swait.ge [sflag:s29], $0xFA0  }
0xe0: {  	s4 =	simm.s32 @!p1 $0xFDC0;
	[sflag:s29] =	ssyncset.done $0x0  }
.Ltmp0:
0xe1: {  	s0 =	sadd.s32 $0x5380, s0;
	[sflag:s29] =	ssyncadd.s32 $0xFFFFF060;
	(pc) =	sbr.rel @p0 .LBB2_2-.Ltmp0, $4  }
0xe2: {  	[tilespmem:s4], [sflag:$0x1] =	stream.indirect.gather @!p1 [hbm4b:s2+s13], $0x20, s16, s13, $0xb8;
	[tilespmem:$0x16D00] =	vst v63  }
0xe3: {  	_ = 	snop  }
0xe4: {  	[spmem:s3] =	stream.indirect.scatter.add.bf16 [tilespmem:s30], [sflag:$0x2], $0x20, s0, s14, $0xb8;
	[tilespmem:$0x16D00] =	vst v63  }
0xe5: {  	_ =	swait.ge [sflag:s12], $0xFA0  }
0xe6: {  	[sflag:s12] =	ssyncset.done $0x0  }
0xe7: {  	[sflag:s12] =	ssyncadd.s32 $0xFFFFF060  }
0xe8: {  	[bflag:$0x0] =	sbarrier.arrive $0xFFFF  }
0xe9: {  	s4 =	rddreg [dreg:$0x5]  }
0xea: {  	s0 =	rddreg [dreg:$0x8]  }
0xeb: {  	s1 =	rddreg [dreg:$0xa]  }
0xec: {  	[hbm:s0], [sflag:s4] =	dma.local [spmem:s1], $0xA00  }
0xed: {  	_ =	swait.ge [sflag:s12], $0xA00  }
0xee: {  	s31 =	sadd.s32 $0x1, s31;
	s26 =	rddreg [dreg:$0x9]  }
0xef: {  	p0 =	sne.s32 s31, s26  }
.Ltmp1:
0xf0: {  	_ = 	snop;
	(pc) =	sbr.rel @p0 .LBB2_1-.Ltmp1, $3  }
0xf1: {  	_ =	sdelay $0x1  }
0xf2: {  	[sflag:s12] =	ssyncset.done $0x0  }
0xf3: {  	[sflag:s12] =	ssyncadd.s32 $0xFFFFF600  }
0xf4: {  	_ =	sfence.sel $0x180000  }
0xf5: {  	[bflag:$0x0] =	sbarrier.arrive $0xFFFF  }
0xf6: {  	_ =	strace $0x9000004A  }
0xf7: {  	s0 =	stileid.u32;
	[bflag:$0x2] =	sbarrier.arrive $0xFFFF  }
0xf8: {  	p0 =	sne.s32 s0, $0x0;
	s0 =	rddreg [dreg:$0x3]  }
0xf9: {  	s0 =	sadd.s32 @!p0 $0x100000, s0  }
0xfa: {  	[sflag:s0] =	ssyncadd.tile.s32 @!p0 $0x1;
	_ =	shalt  }
.Lfunc_end2:
_tile_overlayer_lowered:
.L_overlay_start_2:
0xfb: {  	(tag) =	ssettag $0x2  }
0xfc: {  	s0 =	rddreg [dreg:$0x0];
	s2 =	stileid.u32  }
0xfd: {  	s1 =	rddreg [dreg:$0x1];
	p0 =	sne.s32 s2, $0x0  }
0xfe: {  	s3 =	rddreg [dreg:$0x2];
	[bflag:$0x3] =	sbarrier.arrive $0xFFFF;
	s2 =	simm.s32 @!p0 $0x1C02  }
0xff: {  	[timem:s3], [sflag:s2] =	dma.local @!p0 [hbm:s0], s1  }
0x100: {  	s0 =	simm.s32 @!p0 $0x2  }
0x101: {  	_ =	swait.ge @!p0 [sflag:s0], s1  }
0x102: {  	s1 =	ssub.s32 @!p0 $0x0, s1;
	[sflag:s0] =	ssyncset.done @!p0 $0x0  }
0x103: {  	[sflag:s0] =	ssyncadd.s32 @!p0 s1  }
0x104: {  	[bflag:$0x3] =	sbarrier.arrive $0xFFFF  }
0x105: {  	_ =	shalt  }

// kernel: kernel.15.cloned.1.call-start
scs
__scs_entry_jumppad:
0x0: {  	(pc) =	sbr.rel $0x88, $3  }
0x1: {  	(tag) =	ssettag $0x0;
	lr =	simm.s32 $0x1  }
0x2: {  	[smem:$0x3F97] =	sst lr;
	_ =	strace $0xD0000000  }
0x3: {  	_ = 	snop  }
0x4: {  	_ = 	snop  }
0x5: {  	_ = 	snop  }
0x6: {  	_ = 	snop  }
0x7: {  	_ = 	snop  }
__scs_overlays_trampoline_lowered:
0x8: {  	[smem:$0x3FA6] =	sst s0  }
0x9: {  	[smem:$0x3FA7] =	sst s1  }
0xa: {  	[smem:$0x3FA8] =	sst s2  }
0xb: {  	[smem:$0x3FA9] =	sst s3  }
0xc: {  	[smem:$0x3FAA] =	sst s4  }
0xd: {  	[smem:$0x3FAB] =	sst s5  }
0xe: {  	[smem:$0x3FAC] =	sst s6  }
0xf: {  	[smem:$0x3FAD] =	sst s7  }
0x10: {  	[smem:$0x3FAE] =	sst s8  }
0x11: {  	[smem:$0x3FAF] =	sst s9;
	s0 =	simm.s32 @!p0 $0x0  }
0x12: {  	s1 =	sld [smem:$0x3F95];
	s0 =	simm.s32 @p0 $0x1  }
0x13: {  	[smem:$0x3FB0] =	sst s0;
	s0 =	simm.s32 @!p1 $0x0  }
0x14: {  	s2 =	sld [smem:$0x3F94];
	s0 =	simm.s32 @p1 $0x1  }
0x15: {  	[smem:$0x3FB1] =	sst s0;
	s0 =	simm.s32 @!p2 $0x0  }
0x16: {  	s3 =	sld [smem:$0x3FDB];
	s0 =	simm.s32 @p2 $0x1  }
0x17: {  	s4 =	simm.s32 $0x1BF5;
	[smem:$0x3FB3] =	sst s0  }
0x18: {  	s0 =	sld [smem:$0x3F96];
	_ =	swait.ge [sflag:s4], $0x0  }
0x19: {  	s7 =	sld [smem:$0x3F97]  }
0x1a: {  	s8 =	sadd.s32 $0xFFFFE003, lr  }
0x1b: {  	s9 =	sadd.s32 $0xFFFFFEF7, lr;
	s5 =	simm.s32 $0xFFFFFFFF;
	p2 =	slt.u32 s8, $0xFFFFF086  }
0x1c: {  	p1 =	slt.u32 s9, $0xF7A;
	s5 =	simm.s32 @!p2 $0x0  }
0x1d: {  	s5 =	simm.s32 @p1 $0x1;
	p0 =	seq.s32 s7, s2  }
0x1e: {  	s7 =	smul.u32 @!p0 $0xF7A, s2;
	p2 =	seq.s32 @!p0 s5, $0x0  }
0x1f: {  	s9 =	smul.u32 $0xF7A, s1;
	s8 =	simm.s32 @!p0 $0x1BF5;
	p2 =	por !p2, p0  }
0x20: {  	[sflag:s8] =	ssyncset.s32 @!p0 $0xFFFFF086;
	s6 =	sadd.s32 @!p0 s3, s7;
	s7 =	simm.s32 @!p0 $0x108  }
0x21: {  	s3 =	sadd.s32 s3, s9;
	s6 =	sadd.s32 @!p0 $0x88, s6;
	s7 =	simm.s32 @p2 $0x1082  }
0x22: {  	[simem:s7], [sflag:s8] =	dma.local @!p0 [hbm:s6], $0xF7A  }
0x23: {  	s9 =	sor.u32 $0xD0000000, s2;
	s6 =	simm.s32 $0x108;
	_ =	swait.ge @!p0 [sflag:s8], $0x0  }
0x24: {  	s3 =	sadd.s32 $0x88, s3;
	s6 =	simm.s32 @!p1 $0x1082;
	[sflag:s4] =	ssyncset.s32 $0xFFFFF086  }
0x25: {  	[simem:s6], [sflag:s4] =	dma.local [hbm:s3], $0xF7A  }
0x26: {  	[smem:$0x3F97] =	sst s1;
	(tag) =	ssettag s2;
	_ =	strace s9  }
0x27: {  	s1 =	sld [smem:$0x3FA7]  }
0x28: {  	s2 =	sld [smem:$0x3FA8]  }
0x29: {  	s4 =	sld [smem:$0x3FAA]  }
0x2a: {  	p0 =	seq.s32 s5, $0x0;
	s5 =	sld [smem:$0x3FAB]  }
0x2b: {  	s6 =	sld [smem:$0x3FAC]  }
0x2c: {  	s7 =	sld [smem:$0x3FAD]  }
0x2d: {  	s3 =	simm.s32 $0x108;
	s8 =	sld [smem:$0x3FAE]  }
0x2e: {  	s3 =	simm.s32 @!p0 $0x1082;
	s9 =	sld [smem:$0x3FAF]  }
0x2f: {  	lr =	sadd.s32 s0, s3;
	s0 =	sld [smem:$0x3FA6]  }
0x30: {  	s3 =	sld [smem:$0x3FA9]  }
0x31: {  	[smem:$0x3FB2] =	sst s10  }
0x32: {  	s10 =	sld [smem:$0x3FB0];
	_ =	sdelay $0x3  }
0x33: {  	p0 =	seq.s32 s10, $0x1;
	s10 =	sld [smem:$0x3FB2];
	_ =	sdelay $0x3  }
0x34: {  	[smem:$0x3FB2] =	sst s10  }
0x35: {  	s10 =	sld [smem:$0x3FB1];
	_ =	sdelay $0x3  }
0x36: {  	p1 =	seq.s32 s10, $0x1;
	s10 =	sld [smem:$0x3FB2];
	_ =	sdelay $0x3  }
0x37: {  	[smem:$0x3FB2] =	sst s10  }
0x38: {  	s10 =	sld [smem:$0x3FB3]  }
0x39: {  	_ = 	snop;
	(pc) =	sbr.ind lr, $3  }
0x3a: {  	_ = 	snop  }
0x3b: {  	_ = 	snop  }
0x3c: {  	p2 =	seq.s32 s10, $0x1;
	s10 =	sld [smem:$0x3FB2]  }
0x3d: {  	_ =	shalt  }
0x3e: {  	_ =	shalt  }
0x3f: {  	_ =	shalt  }
0x40: {  	_ =	shalt  }
0x41: {  	_ =	shalt  }
0x42: {  	_ =	shalt  }
0x43: {  	_ =	shalt  }
0x44: {  	_ =	shalt  }
0x45: {  	_ =	shalt  }
0x46: {  	_ =	shalt  }
0x47: {  	_ =	shalt  }
0x48: {  	_ =	shalt  }
0x49: {  	_ =	shalt  }
0x4a: {  	_ =	shalt  }
0x4b: {  	_ =	shalt  }
0x4c: {  	_ =	shalt  }
0x4d: {  	_ =	shalt  }
0x4e: {  	_ =	shalt  }
0x4f: {  	_ =	shalt  }
0x50: {  	_ =	shalt  }
0x51: {  	_ =	shalt  }
0x52: {  	_ =	shalt  }
0x53: {  	_ =	shalt  }
0x54: {  	_ =	shalt  }
0x55: {  	_ =	shalt  }
0x56: {  	_ =	shalt  }
0x57: {  	_ =	shalt  }
0x58: {  	_ =	shalt  }
0x59: {  	_ =	shalt  }
0x5a: {  	_ =	shalt  }
0x5b: {  	_ =	shalt  }
0x5c: {  	_ =	shalt  }
0x5d: {  	_ =	shalt  }
0x5e: {  	_ =	shalt  }
0x5f: {  	_ =	shalt  }
0x60: {  	_ =	shalt  }
0x61: {  	_ =	shalt  }
0x62: {  	_ =	shalt  }
0x63: {  	_ =	shalt  }
0x64: {  	_ =	shalt  }
0x65: {  	_ =	shalt  }
0x66: {  	_ =	shalt  }
0x67: {  	_ =	shalt  }
0x68: {  	_ =	shalt  }
0x69: {  	_ =	shalt  }
0x6a: {  	_ =	shalt  }
0x6b: {  	_ =	shalt  }
0x6c: {  	_ =	shalt  }
0x6d: {  	_ =	shalt  }
0x6e: {  	_ =	shalt  }
0x6f: {  	_ =	shalt  }
0x70: {  	_ =	shalt  }
0x71: {  	_ =	shalt  }
0x72: {  	_ =	shalt  }
0x73: {  	_ =	shalt  }
0x74: {  	_ =	shalt  }
0x75: {  	_ =	shalt  }
0x76: {  	_ =	shalt  }
0x77: {  	_ =	shalt  }
0x78: {  	_ =	shalt  }
0x79: {  	_ =	shalt  }
0x7a: {  	_ =	shalt  }
0x7b: {  	_ =	shalt  }
0x7c: {  	_ =	shalt  }
0x7d: {  	_ =	shalt  }
0x7e: {  	_ =	shalt  }
0x7f: {  	_ =	shalt  }
0x80: {  	_ =	shalt  }
0x81: {  	_ =	shalt  }
0x82: {  	_ =	shalt  }
0x83: {  	_ =	shalt  }
0x84: {  	_ =	shalt  }
0x85: {  	_ =	shalt  }
0x86: {  	_ =	shalt  }
0x87: {  	_ =	shalt  }
.Lfunc_end0:
.L_simem_size_0:
called_computation.2_lowered:
.L_overlay_start_0:
0x88: {  	s2 =	sld [smem:$0x3FD9]  }
0x89: {  	s3 =	sld [smem:$0x3FFE];
	_ =	sdelay $0x1  }
0x8a: {  	s1 =	srdreg.scid  }
0x8b: {  	s0 =	sand.u32 $0x1, s1  }
0x8c: {  	s17 =	sshll.u32 s0, $0xA;
	s2 =	sadd.s32 s3, s2  }
0x8d: {  	s2 =	sadd.s32 s2, s17  }
0x8e: {  	[smem:$0x3FBE] =	sst s2  }
0x8f: {  	_ = 	snop  }
0x90: {  	s2 =	sld [smem:$0x3FD0];
	(tm) =	ssettm $0x1  }
0x91: {  	s18 =	sld [smem:$0x3FFB];
	_ =	sdelay $0x3  }
0x92: {  	_ =	strace s18  }
0x93: {  	s3 =	sld [smem:$0x3FFC];
	_ =	sdelay $0x3  }
0x94: {  	_ =	strace s3  }
0x95: {  	s3 =	sld [smem:$0x3FFD];
	_ =	sdelay $0x3  }
0x96: {  	_ =	strace s3  }
0x97: {  	_ =	strace $0x8FFFFFFF  }
0x98: {  	s19 =	sld [smem:$0x3FDB];
	_ =	sdelay $0x1  }
0x99: {  	s4 =	simm.s32 $_scs_section_size  }
0x9a: {  	s5 =	simm.s32 $_size__tile_overlayer_lowered;
	s6 =	simm.s32 $_tile_overlayer_lowered  }
0x9b: {  	s22 =	simm.s32 $0x1BFF;
	s21 =	sshll.u32 s6, $0x1;
	s3 =	sadd.s32 s4, s19  }
0x9c: {  	s7 =	simm.s32 $0x0;
	s20 =	sshll.u32 s5, $0x1;
	s5 =	sadd.s32 s21, s3  }
0x9d: {  	[timem:s7], [sflag:s22] =	dma.local [hbm:s5], s20  }
0x9e: {  	_ =	swait.ge [sflag:s22], s20  }
0x9f: {  	s4 =	ssub.s32 $0x0, s20;
	[sflag:s22] =	ssyncset.done $0x0  }
0xa0: {  	[sflag:s22] =	ssyncadd.s32 s4;
	_ =	sdelay $0x1  }
0xa1: {  	s23 =	simm.s32 $0x1B8B  }
0xa2: {  	_ =	swait.ge [sflag:s23], $0x1  }
0xa3: {  	[sflag:s23] =	ssyncset.done $0x0  }
0xa4: {  	s25 =	simm.s32 $0x1B8E;
	s24 =	sld [smem:$0x3FFE];
	[sflag:s23] =	ssyncadd.s32 $0xFFFFFFFF  }
0xa5: {  	s26 =	simm.s32 $execute0_lowered;
	[smem:$0x3FD2] =	sst s25  }
0xa6: {  	s5 =	sshll.u32 s26, $0x1;
	_ =	strace $0x8000004C;
	[dreg:$0x1] =	wrdreg $0xFFFFFFFF  }
0xa7: {  	s28 =	simm.s32 $_size_execute0_lowered;
	s3 =	sadd.s32 s3, s5;
	[dreg:$0x0] =	wrdreg $0x0  }
0xa8: {  	s5 =	sshll.u32 s28, $0x1;
	[dreg:$0x2] =	wrdreg s3  }
0xa9: {  	[dreg:$0x3] =	wrdreg s5  }
0xaa: {  	[dreg:$0x4] =	wrdreg $0xC0  }
0xab: {  	_ =	task [dreg:s7], $0x5FFFF  }
0xac: {  	[dreg:$0x1] =	wrdreg $0xFFFFFFFF  }
0xad: {  	[dreg:$0x0] =	wrdreg $0x60  }
0xae: {  	[dreg:$0x2] =	wrdreg s2  }
0xaf: {  	[dreg:$0x3] =	wrdreg s24  }
0xb0: {  	[dreg:$0x4] =	wrdreg $0x11D000  }
0xb1: {  	[dreg:$0x5] =	wrdreg $0x9  }
0xb2: {  	_ =	task.clear_ibuf [dreg:s7], $0x6FFFF;
	_ =	strace $0x9000004C  }
0xb3: {  	s29 =	simm.s32 $0x9;
	_ =	strace $0x8000004E  }
0xb4: {  	_ =	swait.ge [sflag:s29], $0x1  }
0xb5: {  	[sflag:s29] =	ssyncadd.s32 $0xFFFFFFFF  }
0xb6: {  	_ =	strace $0x9000004E  }
0xb7: {  	_ =	sfence  }
0xb8: {  	s30 =	sld [smem:$0x0];
	_ =	sdelay $0x2  }
0xb9: {  	s31 =	sshll.u32 s1, $0xD;
	s1 =	sshrl.u32 s1, $0x2  }
0xba: {  	s3 =	sand.u32 $0x4000, s31;
	s1 =	sadd.s32 s1, s30  }
0xbb: {  	s0 =	sor.u32 s3, s0;
	s1 =	sshll.u32 s1, $0x11  }
0xbc: {  	s0 =	sor.u32 s1, s0  }
0xbd: {  	s0 =	sadd.s32 $0x8F2B, s0  }
0xbe: {  	[sflag:s0] =	ssyncadd.remote.s32 $0x1  }
0xbf: {  	_ =	sfence.sel $0xFFFF  }
0xc0: {  	[dreg:$0x0] =	wrdreg $0xFFFFFFFF;
	(pc) =	sbr.abs _section_cstart, $3  }
0xc1: {  	[dreg:$0x1] =	wrdreg $0xFFFFFFFF  }
0xc2: {  	_ =	task.clear_ibuf [dreg:s7], $0x2FFFF;
	_ =	strace $0x9FFFFFFF  }
0xc3: {  	(tm) =	ssettm $0x7FFFFFFF  }
tec
execute0_lowered:
.L_overlay_start_1:
0x0: {  	(tag) =	ssettag $0x1  }
0x1: {  	s2 =	rddreg [dreg:$0x0]  }
0x2: {  	s0 =	srdreg.scid;
	s5 =	rddreg [dreg:$0x1]  }
0x3: {  	s4 =	stileid.u32;
	s3 =	rddreg [dreg:$0x2]  }
0x4: {  	s7 =	simm.s32 $0x0;
	s12 =	simm.s32 $0x2;
	s14 =	simm.s32 $0x7D  }
0x5: {  	s15 =	simm.s32 $0xA000;
	s19 =	simm.s32 $0xBF40;
	s28 =	simm.s32 $0xFDC0  }
0x6: {  	s29 =	simm.s32 $0x1;
	s0 =	sand.u32 $0x1, s0;
	s1 =	smul.u32 $0xA000, s4  }
0x7: {  	[smem:$0x7FF] =	sst s7;
	s23 =	sshll.u32 s4, $0x6;
	s6 =	smul.u32 $0xA0000, s0  }
0x8: {  	_ =	strace $0x8000004D;
	s0 =	ssub.s32 $0x2, s0;
	s4 =	sor.u32 $0x1C02, s23  }
0x9: {  	s8 =	sshrl.u32 s1, $0x4;
	s22 =	sshrl.u32 s0, $0x1;
	[dreg:$0x5] =	wrdreg s4  }
0xa: {  	s6 =	sadd.s32 s1, s6;
	s8 =	sadd.s32 s8, s5;
	s0 =	ssub.s32 s0, s22  }
0xb: {  	s1 =	sshrl.u32 s1, $0x1;
	s21 =	sshrl.u32 s6, $0x3;
	s24 =	sadd.s32 $0xC000, s8  }
0xc: {  	s1 =	sadd.s32 s1, s3;
	s0 =	smax.u32 s0, $0x1;
	[dreg:$0x4] =	wrdreg s24  }
0xd: {  	s7 =	sadd.s32 s21, s5;
	[dreg:$0x9] =	wrdreg s0;
	s1 =	sshrl.u32 s1, $0x3  }
0xe: {  	s6 =	sshrl.u32 s6, $0x4;
	s25 =	sadd.s32 $0x16000, s7;
	[dreg:$0xa] =	wrdreg s1  }
0xf: {  	s5 =	sadd.s32 s6, s5;
	s26 =	sadd.s32 $0x16A00, s7;
	[dreg:$0x6] =	wrdreg s25  }
0x10: {  	s30 =	simm.s32 $0x10D60;
	s5 =	sadd.s32 $0x66000, s5;
	[dreg:$0x7] =	wrdreg s26  }
0x11: {  	s31 =	simm.s32 $0x0;
	s23 =	simm.s32 $0xDE80;
	[dreg:$0x8] =	wrdreg s5  }
.LBB2_1:
0x12: {  	s0 =	rddreg [dreg:$0x4]  }
0x13: {  	[spmem:s1], [sflag:s4] =	dma.local [hbm:s0], $0xA00  }
0x14: {  	_ =	swait.ge [sflag:s12], $0xA00  }
0x15: {  	[sflag:s12] =	ssyncset.done $0x0  }
0x16: {  	s26 =	simm.s32 $0x0;
	s4 =	rddreg [dreg:$0x6];
	[sflag:s12] =	ssyncadd.s32 $0xFFFFF600  }
0x17: {  	[tilespmem:s26], [sflag:$0x2] =	stream.linear.gather [hbm4b:s4+s26], $0x5000, $0x38;
	[tilespmem:$0x16D00] =	vst v63  }
0x18: {  	_ =	swait.ge [sflag:s12], $0x5000  }
0x19: {  	[sflag:s12] =	ssyncset.done $0x0  }
0x1a: {  	s6 =	simm.s32 $0x5000;
	s5 =	rddreg [dreg:$0x7];
	[sflag:s12] =	ssyncadd.s32 $0xFFFFB000  }
0x1b: {  	[tilespmem:s6], [sflag:$0x2] =	stream.linear.gather [hbm4b:s5+s26], $0x5000, $0x38;
	[tilespmem:$0x16D00] =	vst v63  }
0x1c: {  	_ =	swait.ge [sflag:s12], $0x5000  }
0x1d: {  	[sflag:s12] =	ssyncset.done $0x0  }
0x1e: {  	[sflag:s12] =	ssyncadd.s32 $0xFFFFB000  }
0x1f: {  	[bflag:$0x0] =	sbarrier.arrive $0xFFFF  }
0x20: {  	[tilespmem:s15], [sflag:$0x1] =	stream.indirect.gather [hbm4b:s2+s14], $0x20, s26, s14, $0xb8;
	[tilespmem:$0x16D00] =	vst v63  }
0x21: {  	s7 =	simm.s32 $0x80;
	s8 =	simm.s32 $0xAFA0  }
0x22: {  	[tilespmem:s8], [sflag:$0x1] =	stream.indirect.gather [hbm4b:s2+s14], $0x20, s7, s14, $0xb8;
	[tilespmem:$0x16D00] =	vst v63  }
0x23: {  	s9 =	simm.s32 $0x100  }
0x24: {  	[tilespmem:s19], [sflag:$0x1] =	stream.indirect.gather [hbm4b:s2+s14], $0x20, s9, s14, $0xb8;
	[tilespmem:$0x16D00] =	vst v63  }
0x25: {  	s10 =	simm.s32 $0x180;
	s11 =	simm.s32 $0xCEE0  }
0x26: {  	[tilespmem:s11], [sflag:$0x1] =	stream.indirect.gather [hbm4b:s2+s14], $0x20, s10, s14, $0xb8;
	[tilespmem:$0x16D00] =	vst v63  }
0x27: {  	s13 =	simm.s32 $0x200  }
0x28: {  	[tilespmem:s23], [sflag:$0x1] =	stream.indirect.gather [hbm4b:s2+s14], $0x20, s13, s14, $0xb8;
	[tilespmem:$0x16D00] =	vst v63  }
0x29: {  	s16 =	simm.s32 $0x280;
	s17 =	simm.s32 $0xEE20  }
0x2a: {  	[tilespmem:s17], [sflag:$0x1] =	stream.indirect.gather [hbm4b:s2+s14], $0x20, s16, s14, $0xb8;
	[tilespmem:$0x16D00] =	vst v63  }
0x2b: {  	s18 =	simm.s32 $0x300  }
0x2c: {  	[tilespmem:s28], [sflag:$0x1] =	stream.indirect.gather [hbm4b:s2+s14], $0x20, s18, s14, $0xb8;
	[tilespmem:$0x16D00] =	vst v63  }
0x2d: {  	_ =	swait.ge [sflag:s29], $0xFA0  }
0x2e: {  	[sflag:s29] =	ssyncset.done $0x0  }
0x2f: {  	s20 =	simm.s32 $0x380;
	[sflag:s29] =	ssyncadd.s32 $0xFFFFF060  }
0x30: {  	[tilespmem:s30], [sflag:$0x1] =	stream.indirect.gather [hbm4b:s2+s14], $0x20, s20, s14, $0xb8;
	[tilespmem:$0x16D00] =	vst v63  }
0x31: {  	s21 =	simm.s32 $0x5000  }
0x32: {  	[spmem:s3] =	stream.indirect.scatter.add.bf16 [tilespmem:s15], [sflag:$0x2], $0x20, s21, s14, $0xb8;
	[tilespmem:$0x16D00] =	vst v63  }
0x33: {  	_ =	swait.ge [sflag:s12], $0xFA0  }
0x34: {  	[sflag:s12] =	ssyncset.done $0x0  }
0x35: {  	[sflag:s12] =	ssyncadd.s32 $0xFFFFF060  }
0x36: {  	p0 =	por $0x0, $0x0;
	_ =	swait.ge [sflag:s29], $0xFA0  }
0x37: {  	s1 =	simm.s32 @p0 $0x7D;
	s0 =	simm.s32 @p0 $0x5080;
	[sflag:s29] =	ssyncset.done $0x0  }
0x38: {  	s5 =	simm.s32 @p0 $0xAFA0;
	s7 =	simm.s32 @p0 $0x2;
	[sflag:s29] =	ssyncadd.s32 $0xFFFFF060  }
0x39: {  	[spmem:s3] =	stream.indirect.scatter.add.bf16 @p0 [tilespmem:s5], [sflag:$0x2], $0x20, s0, s1, $0xb8;
	[tilespmem:$0x16D00] =	vst v63  }
0x3a: {  	_ =	swait.ge @p0 [sflag:s7], $0xFA0  }
0x3b: {  	[sflag:s7] =	ssyncset.done @p0 $0x0  }
0x3c: {  	s5 =	simm.s32 @p0 $0x1;
	[sflag:s7] =	ssyncadd.s32 @p0 $0xFFFFF060  }
0x3d: {  	_ =	swait.ge @p0 [sflag:s5], $0xFA0  }
0x3e: {  	s8 =	simm.s32 @!p0 $0x400;
	[sflag:s5] =	ssyncset.done @p0 $0x0  }
0x3f: {  	s9 =	simm.s32 @!p0 $0xA000;
	s0 =	simm.s32 @!p0 $0x7D;
	[sflag:s5] =	ssyncadd.s32 @p0 $0xFFFFF060  }
0x40: {  	[tilespmem:s9], [sflag:$0x1] =	stream.indirect.gather @!p0 [hbm4b:s2+s0], $0x20, s8, s0, $0xb8;
	[tilespmem:$0x16D00] =	vst v63  }
0x41: {  	s10 =	simm.s32 @!p0 $0xAFA0;
	s9 =	simm.s32 @!p0 $0x5080;
	s8 =	simm.s32 @!p0 $0x2  }
0x42: {  	[spmem:s3] =	stream.indirect.scatter.add.bf16 @!p0 [tilespmem:s10], [sflag:$0x2], $0x20, s9, s0, $0xb8;
	[tilespmem:$0x16D00] =	vst v63  }
0x43: {  	_ =	swait.ge @!p0 [sflag:s8], $0xFA0  }
0x44: {  	[sflag:s8] =	ssyncset.done @!p0 $0x0  }
0x45: {  	s9 =	simm.s32 @!p0 $0x1;
	[sflag:s8] =	ssyncadd.s32 @!p0 $0xFFFFF060  }
0x46: {  	_ =	swait.ge @!p0 [sflag:s9], $0xFA0  }
0x47: {  	[sflag:s9] =	ssyncset.done @!p0 $0x0  }
0x48: {  	s13 =	simm.s32 @!p0 $0x480;
	[sflag:s9] =	ssyncadd.s32 @!p0 $0xFFFFF060  }
0x49: {  	[tilespmem:s10], [sflag:$0x1] =	stream.indirect.gather @!p0 [hbm4b:s2+s0], $0x20, s13, s0, $0xb8;
	[tilespmem:$0x16D00] =	vst v63  }
0x4a: {  	s22 =	simm.s32 $0x5100  }
0x4b: {  	[spmem:s3] =	stream.indirect.scatter.add.bf16 [tilespmem:s19], [sflag:$0x2], $0x20, s22, s14, $0xb8;
	[tilespmem:$0x16D00] =	vst v63  }
0x4c: {  	_ =	swait.ge [sflag:s12], $0xFA0  }
0x4d: {  	[sflag:s12] =	ssyncset.done $0x0  }
0x4e: {  	[sflag:s12] =	ssyncadd.s32 $0xFFFFF060  }
0x4f: {  	_ =	swait.ge [sflag:s29], $0xFA0  }
0x50: {  	[sflag:s29] =	ssyncset.done $0x0  }
0x51: {  	s10 =	simm.s32 @p0 $0x5180;
	s13 =	simm.s32 @p0 $0xCEE0;
	[sflag:s29] =	ssyncadd.s32 $0xFFFFF060  }
0x52: {  	[spmem:s3] =	stream.indirect.scatter.add.bf16 @p0 [tilespmem:s13], [sflag:$0x2], $0x20, s10, s1, $0xb8;
	[tilespmem:$0x16D00] =	vst v63  }
0x53: {  	_ =	swait.ge @p0 [sflag:s7], $0xFA0  }
0x54: {  	[sflag:s7] =	ssyncset.done @p0 $0x0  }
0x55: {  	[sflag:s7] =	ssyncadd.s32 @p0 $0xFFFFF060  }
0x56: {  	_ =	swait.ge @p0 [sflag:s5], $0xFA0  }
0x57: {  	[sflag:s5] =	ssyncset.done @p0 $0x0  }
0x58: {  	s10 =	simm.s32 @!p0 $0x500;
	s13 =	simm.s32 @!p0 $0xBF40;
	[sflag:s5] =	ssyncadd.s32 @p0 $0xFFFFF060  }
0x59: {  	[tilespmem:s13], [sflag:$0x1] =	stream.indirect.gather @!p0 [hbm4b:s2+s0], $0x20, s10, s0, $0xb8;
	[tilespmem:$0x16D00] =	vst v63  }
0x5a: {  	s10 =	simm.s32 @!p0 $0x5180;
	s13 =	simm.s32 @!p0 $0xCEE0  }
0x5b: {  	[spmem:s3] =	stream.indirect.scatter.add.bf16 @!p0 [tilespmem:s13], [sflag:$0x2], $0x20, s10, s0, $0xb8;
	[tilespmem:$0x16D00] =	vst v63  }
0x5c: {  	_ =	swait.ge @!p0 [sflag:s8], $0xFA0  }
0x5d: {  	[sflag:s8] =	ssyncset.done @!p0 $0x0  }
0x5e: {  	[sflag:s8] =	ssyncadd.s32 @!p0 $0xFFFFF060  }
0x5f: {  	_ =	swait.ge @!p0 [sflag:s9], $0xFA0  }
0x60: {  	[sflag:s9] =	ssyncset.done @!p0 $0x0  }
0x61: {  	s10 =	simm.s32 @!p0 $0x580;
	[sflag:s9] =	ssyncadd.s32 @!p0 $0xFFFFF060  }
0x62: {  	[tilespmem:s13], [sflag:$0x1] =	stream.indirect.gather @!p0 [hbm4b:s2+s0], $0x20, s10, s0, $0xb8;
	[tilespmem:$0x16D00] =	vst v63  }
0x63: {  	s24 =	simm.s32 $0x5200  }
0x64: {  	[spmem:s3] =	stream.indirect.scatter.add.bf16 [tilespmem:s23], [sflag:$0x2], $0x20, s24, s14, $0xb8;
	[tilespmem:$0x16D00] =	vst v63  }
0x65: {  	_ =	swait.ge [sflag:s12], $0xFA0  }
0x66: {  	[sflag:s12] =	ssyncset.done $0x0  }
0x67: {  	[sflag:s12] =	ssyncadd.s32 $0xFFFFF060  }
0x68: {  	_ =	swait.ge [sflag:s29], $0xFA0  }
0x69: {  	[sflag:s29] =	ssyncset.done $0x0  }
0x6a: {  	s10 =	simm.s32 @p0 $0x5280;
	s13 =	simm.s32 @p0 $0xEE20;
	[sflag:s29] =	ssyncadd.s32 $0xFFFFF060  }
0x6b: {  	[spmem:s3] =	stream.indirect.scatter.add.bf16 @p0 [tilespmem:s13], [sflag:$0x2], $0x20, s10, s1, $0xb8;
	[tilespmem:$0x16D00] =	vst v63  }
0x6c: {  	_ =	swait.ge @p0 [sflag:s7], $0xFA0  }
0x6d: {  	[sflag:s7] =	ssyncset.done @p0 $0x0  }
0x6e: {  	[sflag:s7] =	ssyncadd.s32 @p0 $0xFFFFF060  }
0x6f: {  	_ =	swait.ge @p0 [sflag:s5], $0xFA0  }
0x70: {  	[sflag:s5] =	ssyncset.done @p0 $0x0  }
0x71: {  	s1 =	simm.s32 @!p0 $0x600;
	[sflag:s5] =	ssyncadd.s32 @p0 $0xFFFFF060;
	s5 =	simm.s32 @!p0 $0xDE80  }
0x72: {  	[tilespmem:s5], [sflag:$0x1] =	stream.indirect.gather @!p0 [hbm4b:s2+s0], $0x20, s1, s0, $0xb8;
	[tilespmem:$0x16D00] =	vst v63  }
0x73: {  	s1 =	simm.s32 @!p0 $0x5280;
	s5 =	simm.s32 @!p0 $0xEE20  }
0x74: {  	[spmem:s3] =	stream.indirect.scatter.add.bf16 @!p0 [tilespmem:s5], [sflag:$0x2], $0x20, s1, s0, $0xb8;
	[tilespmem:$0x16D00] =	vst v63  }
0x75: {  	_ =	swait.ge @!p0 [sflag:s8], $0xFA0  }
0x76: {  	[sflag:s8] =	ssyncset.done @!p0 $0x0  }
0x77: {  	[sflag:s8] =	ssyncadd.s32 @!p0 $0xFFFFF060  }
0x78: {  	_ =	swait.ge @!p0 [sflag:s9], $0xFA0  }
0x79: {  	[sflag:s9] =	ssyncset.done @!p0 $0x0  }
0x7a: {  	s1 =	simm.s32 @!p0 $0x680;
	[sflag:s9] =	ssyncadd.s32 @!p0 $0xFFFFF060  }
0x7b: {  	[tilespmem:s5], [sflag:$0x1] =	stream.indirect.gather @!p0 [hbm4b:s2+s0], $0x20, s1, s0, $0xb8;
	[tilespmem:$0x16D00] =	vst v63  }
0x7c: {  	s25 =	simm.s32 $0x5300  }
0x7d: {  	[spmem:s3] =	stream.indirect.scatter.add.bf16 [tilespmem:s28], [sflag:$0x2], $0x20, s25, s14, $0xb8;
	[tilespmem:$0x16D00] =	vst v63  }
0x7e: {  	_ =	swait.ge [sflag:s12], $0xFA0  }
0x7f: {  	[sflag:s12] =	ssyncset.done $0x0  }
0x80: {  	[sflag:s12] =	ssyncadd.s32 $0xFFFFF060  }
0x81: {  	_ =	swait.ge [sflag:s29], $0xFA0  }
0x82: {  	[sflag:s29] =	ssyncset.done $0x0  }
0x83: {  	s1 =	simm.s32 @!p0 $0x700;
	s5 =	simm.s32 @!p0 $0xFDC0;
	[sflag:s29] =	ssyncadd.s32 $0xFFFFF060  }
0x84: {  	[tilespmem:s5], [sflag:$0x1] =	stream.indirect.gather @!p0 [hbm4b:s2+s0], $0x20, s1, s0, $0xb8;
	[tilespmem:$0x16D00] =	vst v63  }
0x85: {  	s26 =	simm.s32 $0x5380  }
0x86: {  	[spmem:s3] =	stream.indirect.scatter.add.bf16 [tilespmem:s30], [sflag:$0x2], $0x20, s26, s14, $0xb8;
	[tilespmem:$0x16D00] =	vst v63  }
0x87: {  	s1 =	simm.s32 $0x1000;
	_ =	swait.ge [sflag:s12], $0xFA0  }
.LBB2_2:
0x88: {  	[sflag:s12] =	ssyncset.done $0x0;
	s5 =	smov.u32 s1;
	s1 =	sadd.s32 $0x1000, s1  }
0x89: {  	p0 =	sne.s32 s1, $0x14000;
	[sflag:s12] =	ssyncadd.s32 $0xFFFFF060  }
0x8a: {  	_ =	swait.ge [sflag:s29], $0xFA0  }
0x8b: {  	s0 =	sshra.s32 s5, $0x2;
	[sflag:s29] =	ssyncset.done $0x0  }
0x8c: {  	s7 =	sadd.s32 $0x380, s0;
	[sflag:s29] =	ssyncadd.s32 $0xFFFFF060  }
0x8d: {  	[tilespmem:s30], [sflag:$0x1] =	stream.indirect.gather [hbm4b:s2+s14], $0x20, s7, s14, $0xb8;
	[tilespmem:$0x16D00] =	vst v63  }
0x8e: {  	s7 =	sadd.s32 $0x5000, s0  }
0x8f: {  	[spmem:s3] =	stream.indirect.scatter.add.bf16 [tilespmem:s15], [sflag:$0x2], $0x20, s7, s14, $0xb8;
	[tilespmem:$0x16D00] =	vst v63  }
0x90: {  	_ =	swait.ge [sflag:s12], $0xFA0  }
0x91: {  	[sflag:s12] =	ssyncset.done $0x0  }
0x92: {  	[sflag:s12] =	ssyncadd.s32 $0xFFFFF060  }
0x93: {  	p1 =	seq.s32 s5, $0x13000;
	_ =	swait.ge [sflag:s29], $0xFA0  }
0x94: {  	s13 =	sshra.s32 @p1 s5, $0x2;
	s17 =	simm.s32 @p1 $0x7D;
	[sflag:s29] =	ssyncset.done $0x0  }
0x95: {  	s8 =	simm.s32 @p1 $0xAFA0;
	s7 =	sadd.s32 @p1 $0x5080, s13;
	[sflag:s29] =	ssyncadd.s32 $0xFFFFF060  }
0x96: {  	[spmem:s3] =	stream.indirect.scatter.add.bf16 @p1 [tilespmem:s8], [sflag:$0x2], $0x20, s7, s17, $0xb8;
	[tilespmem:$0x16D00] =	vst v63  }
0x97: {  	s18 =	simm.s32 @p1 $0x2;
	s16 =	sshra.s32 @!p1 s5, $0x2;
	s10 =	sadd.s32 @p1 $0x5180, s13  }
0x98: {  	s21 =	sadd.s32 @!p1 $0x400, s16;
	s24 =	sadd.s32 @!p1 $0x5080, s16;
	_ =	swait.ge @p1 [sflag:s18], $0xFA0  }
0x99: {  	s20 =	simm.s32 @p1 $0x1;
	s4 =	sadd.s32 @!p1 $0x480, s16;
	[sflag:s18] =	ssyncset.done @p1 $0x0  }
0x9a: {  	s9 =	sadd.s32 @!p1 $0x500, s16;
	s8 =	sadd.s32 @!p1 $0x5180, s16;
	[sflag:s18] =	ssyncadd.s32 @p1 $0xFFFFF060  }
0x9b: {  	s5 =	sadd.s32 @p1 $0x5280, s13;
	s7 =	sadd.s32 @!p1 $0x580, s16;
	_ =	swait.ge @p1 [sflag:s20], $0xFA0  }
0x9c: {  	s22 =	simm.s32 @!p1 $0xA000;
	s13 =	simm.s32 @!p1 $0x7D;
	[sflag:s20] =	ssyncset.done @p1 $0x0  }
0x9d: {  	s6 =	simm.s32 @!p1 $0xAFA0;
	s25 =	sadd.s32 @!p1 $0x600, s16;
	[sflag:s20] =	ssyncadd.s32 @p1 $0xFFFFF060  }
0x9e: {  	[tilespmem:s22], [sflag:$0x1] =	stream.indirect.gather @!p1 [hbm4b:s2+s13], $0x20, s21, s13, $0xb8;
	[tilespmem:$0x16D00] =	vst v63  }
0x9f: {  	s26 =	sadd.s32 @!p1 $0x5280, s16;
	s22 =	simm.s32 @!p1 $0x2;
	s21 =	sadd.s32 @!p1 $0x680, s16  }
0xa0: {  	[spmem:s3] =	stream.indirect.scatter.add.bf16 @!p1 [tilespmem:s6], [sflag:$0x2], $0x20, s24, s13, $0xb8;
	[tilespmem:$0x16D00] =	vst v63  }
0xa1: {  	s16 =	sadd.s32 @!p1 $0x700, s16;
	_ =	swait.ge @!p1 [sflag:s22], $0xFA0  }
0xa2: {  	s24 =	simm.s32 @!p1 $0x1;
	[sflag:s22] =	ssyncset.done @!p1 $0x0  }
0xa3: {  	[sflag:s22] =	ssyncadd.s32 @!p1 $0xFFFFF060  }
0xa4: {  	_ =	swait.ge @!p1 [sflag:s24], $0xFA0  }
0xa5: {  	[sflag:s24] =	ssyncset.done @!p1 $0x0  }
0xa6: {  	s11 =	sadd.s32 $0x5100, s0;
	[sflag:s24] =	ssyncadd.s32 @!p1 $0xFFFFF060  }
0xa7: {  	[tilespmem:s6], [sflag:$0x1] =	stream.indirect.gather @!p1 [hbm4b:s2+s13], $0x20, s4, s13, $0xb8;
	[tilespmem:$0x16D00] =	vst v63  }
0xa8: {  	_ = 	snop  }
0xa9: {  	[spmem:s3] =	stream.indirect.scatter.add.bf16 [tilespmem:s19], [sflag:$0x2], $0x20, s11, s14, $0xb8;
	[tilespmem:$0x16D00] =	vst v63  }
0xaa: {  	_ =	swait.ge [sflag:s12], $0xFA0  }
0xab: {  	[sflag:s12] =	ssyncset.done $0x0  }
0xac: {  	[sflag:s12] =	ssyncadd.s32 $0xFFFFF060  }
0xad: {  	_ =	swait.ge [sflag:s29], $0xFA0  }
0xae: {  	s4 =	simm.s32 @p1 $0xCEE0;
	[sflag:s29] =	ssyncset.done $0x0  }
0xaf: {  	[sflag:s29] =	ssyncadd.s32 $0xFFFFF060  }
0xb0: {  	[spmem:s3] =	stream.indirect.scatter.add.bf16 @p1 [tilespmem:s4], [sflag:$0x2], $0x20, s10, s17, $0xb8;
	[tilespmem:$0x16D00] =	vst v63  }
0xb1: {  	_ =	swait.ge @p1 [sflag:s18], $0xFA0  }
0xb2: {  	[sflag:s18] =	ssyncset.done @p1 $0x0  }
0xb3: {  	[sflag:s18] =	ssyncadd.s32 @p1 $0xFFFFF060  }
0xb4: {  	_ =	swait.ge @p1 [sflag:s20], $0xFA0  }
0xb5: {  	s4 =	simm.s32 @!p1 $0xBF40;
	[sflag:s20] =	ssyncset.done @p1 $0x0  }
0xb6: {  	s6 =	simm.s32 @!p1 $0xCEE0;
	[sflag:s20] =	ssyncadd.s32 @p1 $0xFFFFF060  }
0xb7: {  	[tilespmem:s4], [sflag:$0x1] =	stream.indirect.gather @!p1 [hbm4b:s2+s13], $0x20, s9, s13, $0xb8;
	[tilespmem:$0x16D00] =	vst v63  }
0xb8: {  	_ = 	snop  }
0xb9: {  	[spmem:s3] =	stream.indirect.scatter.add.bf16 @!p1 [tilespmem:s6], [sflag:$0x2], $0x20, s8, s13, $0xb8;
	[tilespmem:$0x16D00] =	vst v63  }
0xba: {  	_ =	swait.ge @!p1 [sflag:s22], $0xFA0  }
0xbb: {  	[sflag:s22] =	ssyncset.done @!p1 $0x0  }
0xbc: {  	[sflag:s22] =	ssyncadd.s32 @!p1 $0xFFFFF060  }
0xbd: {  	_ =	swait.ge @!p1 [sflag:s24], $0xFA0  }
0xbe: {  	[sflag:s24] =	ssyncset.done @!p1 $0x0  }
0xbf: {  	s4 =	sadd.s32 $0x5200, s0;
	[sflag:s24] =	ssyncadd.s32 @!p1 $0xFFFFF060  }
0xc0: {  	[tilespmem:s6], [sflag:$0x1] =	stream.indirect.gather @!p1 [hbm4b:s2+s13], $0x20, s7, s13, $0xb8;
	[tilespmem:$0x16D00] =	vst v63  }
0xc1: {  	_ = 	snop  }
0xc2: {  	[spmem:s3] =	stream.indirect.scatter.add.bf16 [tilespmem:s23], [sflag:$0x2], $0x20, s4, s14, $0xb8;
	[tilespmem:$0x16D00] =	vst v63  }
0xc3: {  	_ =	swait.ge [sflag:s12], $0xFA0  }
0xc4: {  	[sflag:s12] =	ssyncset.done $0x0  }
0xc5: {  	[sflag:s12] =	ssyncadd.s32 $0xFFFFF060  }
0xc6: {  	_ =	swait.ge [sflag:s29], $0xFA0  }
0xc7: {  	s4 =	simm.s32 @p1 $0xEE20;
	[sflag:s29] =	ssyncset.done $0x0  }
0xc8: {  	[sflag:s29] =	ssyncadd.s32 $0xFFFFF060  }
0xc9: {  	[spmem:s3] =	stream.indirect.scatter.add.bf16 @p1 [tilespmem:s4], [sflag:$0x2], $0x20, s5, s17, $0xb8;
	[tilespmem:$0x16D00] =	vst v63  }
0xca: {  	_ =	swait.ge @p1 [sflag:s18], $0xFA0  }
0xcb: {  	[sflag:s18] =	ssyncset.done @p1 $0x0  }
0xcc: {  	[sflag:s18] =	ssyncadd.s32 @p1 $0xFFFFF060  }
0xcd: {  	_ =	swait.ge @p1 [sflag:s20], $0xFA0  }
0xce: {  	s4 =	simm.s32 @!p1 $0xDE80;
	[sflag:s20] =	ssyncset.done @p1 $0x0  }
0xcf: {  	s5 =	simm.s32 @!p1 $0xEE20;
	[sflag:s20] =	ssyncadd.s32 @p1 $0xFFFFF060  }
0xd0: {  	[tilespmem:s4], [sflag:$0x1] =	stream.indirect.gather @!p1 [hbm4b:s2+s13], $0x20, s25, s13, $0xb8;
	[tilespmem:$0x16D00] =	vst v63  }
0xd1: {  	_ = 	snop  }
0xd2: {  	[spmem:s3] =	stream.indirect.scatter.add.bf16 @!p1 [tilespmem:s5], [sflag:$0x2], $0x20, s26, s13, $0xb8;
	[tilespmem:$0x16D00] =	vst v63  }
0xd3: {  	_ =	swait.ge @!p1 [sflag:s22], $0xFA0  }
0xd4: {  	[sflag:s22] =	ssyncset.done @!p1 $0x0  }
0xd5: {  	[sflag:s22] =	ssyncadd.s32 @!p1 $0xFFFFF060  }
0xd6: {  	_ =	swait.ge @!p1 [sflag:s24], $0xFA0  }
0xd7: {  	[sflag:s24] =	ssyncset.done @!p1 $0x0  }
0xd8: {  	s4 =	sadd.s32 $0x5300, s0;
	[sflag:s24] =	ssyncadd.s32 @!p1 $0xFFFFF060  }
0xd9: {  	[tilespmem:s5], [sflag:$0x1] =	stream.indirect.gather @!p1 [hbm4b:s2+s13], $0x20, s21, s13, $0xb8;
	[tilespmem:$0x16D00] =	vst v63  }
0xda: {  	_ = 	snop  }
0xdb: {  	[spmem:s3] =	stream.indirect.scatter.add.bf16 [tilespmem:s28], [sflag:$0x2], $0x20, s4, s14, $0xb8;
	[tilespmem:$0x16D00] =	vst v63  }
0xdc: {  	_ =	swait.ge [sflag:s12], $0xFA0  }
0xdd: {  	[sflag:s12] =	ssyncset.done $0x0  }
0xde: {  	[sflag:s12] =	ssyncadd.s32 $0xFFFFF060  }
0xdf: {  	_ =	swait.ge [sflag:s29], $0xFA0  }
0xe0: {  	s4 =	simm.s32 @!p1 $0xFDC0;
	[sflag:s29] =	ssyncset.done $0x0  }
.Ltmp0:
0xe1: {  	s0 =	sadd.s32 $0x5380, s0;
	[sflag:s29] =	ssyncadd.s32 $0xFFFFF060;
	(pc) =	sbr.rel @p0 .LBB2_2-.Ltmp0, $4  }
0xe2: {  	[tilespmem:s4], [sflag:$0x1] =	stream.indirect.gather @!p1 [hbm4b:s2+s13], $0x20, s16, s13, $0xb8;
	[tilespmem:$0x16D00] =	vst v63  }
0xe3: {  	_ = 	snop  }
0xe4: {  	[spmem:s3] =	stream.indirect.scatter.add.bf16 [tilespmem:s30], [sflag:$0x2], $0x20, s0, s14, $0xb8;
	[tilespmem:$0x16D00] =	vst v63  }
0xe5: {  	_ =	swait.ge [sflag:s12], $0xFA0  }
0xe6: {  	[sflag:s12] =	ssyncset.done $0x0  }
0xe7: {  	[sflag:s12] =	ssyncadd.s32 $0xFFFFF060  }
0xe8: {  	[bflag:$0x0] =	sbarrier.arrive $0xFFFF  }
0xe9: {  	s4 =	rddreg [dreg:$0x5]  }
0xea: {  	s0 =	rddreg [dreg:$0x8]  }
0xeb: {  	s1 =	rddreg [dreg:$0xa]  }
0xec: {  	[hbm:s0], [sflag:s4] =	dma.local [spmem:s1], $0xA00  }
0xed: {  	_ =	swait.ge [sflag:s12], $0xA00  }
0xee: {  	s31 =	sadd.s32 $0x1, s31;
	s26 =	rddreg [dreg:$0x9]  }
0xef: {  	p0 =	sne.s32 s31, s26  }
.Ltmp1:
0xf0: {  	_ = 	snop;
	(pc) =	sbr.rel @p0 .LBB2_1-.Ltmp1, $3  }
0xf1: {  	_ =	sdelay $0x1  }
0xf2: {  	[sflag:s12] =	ssyncset.done $0x0  }
0xf3: {  	[sflag:s12] =	ssyncadd.s32 $0xFFFFF600  }
0xf4: {  	_ =	sfence.sel $0x180000  }
0xf5: {  	[bflag:$0x0] =	sbarrier.arrive $0xFFFF  }
0xf6: {  	_ =	strace $0x9000004D  }
0xf7: {  	s0 =	stileid.u32;
	[bflag:$0x2] =	sbarrier.arrive $0xFFFF  }
0xf8: {  	p0 =	sne.s32 s0, $0x0;
	s0 =	rddreg [dreg:$0x3]  }
0xf9: {  	s0 =	sadd.s32 @!p0 $0x100000, s0  }
0xfa: {  	[sflag:s0] =	ssyncadd.tile.s32 @!p0 $0x1;
	_ =	shalt  }
.Lfunc_end2:
_tile_overlayer_lowered:
.L_overlay_start_2:
0xfb: {  	(tag) =	ssettag $0x2  }
0xfc: {  	s0 =	rddreg [dreg:$0x0];
	s2 =	stileid.u32  }
0xfd: {  	s1 =	rddreg [dreg:$0x1];
	p0 =	sne.s32 s2, $0x0  }
0xfe: {  	s3 =	rddreg [dreg:$0x2];
	[bflag:$0x3] =	sbarrier.arrive $0xFFFF;
	s2 =	simm.s32 @!p0 $0x1C02  }
0xff: {  	[timem:s3], [sflag:s2] =	dma.local @!p0 [hbm:s0], s1  }
0x100: {  	s0 =	simm.s32 @!p0 $0x2  }
0x101: {  	_ =	swait.ge @!p0 [sflag:s0], s1  }
0x102: {  	s1 =	ssub.s32 @!p0 $0x0, s1;
	[sflag:s0] =	ssyncset.done @!p0 $0x0  }
0x103: {  	[sflag:s0] =	ssyncadd.s32 @!p0 s1  }
0x104: {  	[bflag:$0x3] =	sbarrier.arrive $0xFFFF  }
0x105: {  	_ =	shalt  }

// kernel: kernel.9.cloned.1.call-start
scs
__scs_entry_jumppad:
0x0: {  	(pc) =	sbr.rel $0x88, $3  }
0x1: {  	(tag) =	ssettag $0x0;
	lr =	simm.s32 $0x1  }
0x2: {  	[smem:$0x3F97] =	sst lr;
	_ =	strace $0xD0000000  }
0x3: {  	_ = 	snop  }
0x4: {  	_ = 	snop  }
0x5: {  	_ = 	snop  }
0x6: {  	_ = 	snop  }
0x7: {  	_ = 	snop  }
__scs_overlays_trampoline_lowered:
0x8: {  	[smem:$0x3FA6] =	sst s0  }
0x9: {  	[smem:$0x3FA7] =	sst s1  }
0xa: {  	[smem:$0x3FA8] =	sst s2  }
0xb: {  	[smem:$0x3FA9] =	sst s3  }
0xc: {  	[smem:$0x3FAA] =	sst s4  }
0xd: {  	[smem:$0x3FAB] =	sst s5  }
0xe: {  	[smem:$0x3FAC] =	sst s6  }
0xf: {  	[smem:$0x3FAD] =	sst s7  }
0x10: {  	[smem:$0x3FAE] =	sst s8  }
0x11: {  	[smem:$0x3FAF] =	sst s9;
	s0 =	simm.s32 @!p0 $0x0  }
0x12: {  	s1 =	sld [smem:$0x3F95];
	s0 =	simm.s32 @p0 $0x1  }
0x13: {  	[smem:$0x3FB0] =	sst s0;
	s0 =	simm.s32 @!p1 $0x0  }
0x14: {  	s2 =	sld [smem:$0x3F94];
	s0 =	simm.s32 @p1 $0x1  }
0x15: {  	[smem:$0x3FB1] =	sst s0;
	s0 =	simm.s32 @!p2 $0x0  }
0x16: {  	s3 =	sld [smem:$0x3FDB];
	s0 =	simm.s32 @p2 $0x1  }
0x17: {  	s4 =	simm.s32 $0x1BF5;
	[smem:$0x3FB3] =	sst s0  }
0x18: {  	s0 =	sld [smem:$0x3F96];
	_ =	swait.ge [sflag:s4], $0x0  }
0x19: {  	s7 =	sld [smem:$0x3F97]  }
0x1a: {  	s8 =	sadd.s32 $0xFFFFE003, lr  }
0x1b: {  	s9 =	sadd.s32 $0xFFFFFEF7, lr;
	s5 =	simm.s32 $0xFFFFFFFF;
	p2 =	slt.u32 s8, $0xFFFFF086  }
0x1c: {  	p1 =	slt.u32 s9, $0xF7A;
	s5 =	simm.s32 @!p2 $0x0  }
0x1d: {  	s5 =	simm.s32 @p1 $0x1;
	p0 =	seq.s32 s7, s2  }
0x1e: {  	s7 =	smul.u32 @!p0 $0xF7A, s2;
	p2 =	seq.s32 @!p0 s5, $0x0  }
0x1f: {  	s9 =	smul.u32 $0xF7A, s1;
	s8 =	simm.s32 @!p0 $0x1BF5;
	p2 =	por !p2, p0  }
0x20: {  	[sflag:s8] =	ssyncset.s32 @!p0 $0xFFFFF086;
	s6 =	sadd.s32 @!p0 s3, s7;
	s7 =	simm.s32 @!p0 $0x108  }
0x21: {  	s3 =	sadd.s32 s3, s9;
	s6 =	sadd.s32 @!p0 $0x88, s6;
	s7 =	simm.s32 @p2 $0x1082  }
0x22: {  	[simem:s7], [sflag:s8] =	dma.local @!p0 [hbm:s6], $0xF7A  }
0x23: {  	s9 =	sor.u32 $0xD0000000, s2;
	s6 =	simm.s32 $0x108;
	_ =	swait.ge @!p0 [sflag:s8], $0x0  }
0x24: {  	s3 =	sadd.s32 $0x88, s3;
	s6 =	simm.s32 @!p1 $0x1082;
	[sflag:s4] =	ssyncset.s32 $0xFFFFF086  }
0x25: {  	[simem:s6], [sflag:s4] =	dma.local [hbm:s3], $0xF7A  }
0x26: {  	[smem:$0x3F97] =	sst s1;
	(tag) =	ssettag s2;
	_ =	strace s9  }
0x27: {  	s1 =	sld [smem:$0x3FA7]  }
0x28: {  	s2 =	sld [smem:$0x3FA8]  }
0x29: {  	s4 =	sld [smem:$0x3FAA]  }
0x2a: {  	p0 =	seq.s32 s5, $0x0;
	s5 =	sld [smem:$0x3FAB]  }
0x2b: {  	s6 =	sld [smem:$0x3FAC]  }
0x2c: {  	s7 =	sld [smem:$0x3FAD]  }
0x2d: {  	s3 =	simm.s32 $0x108;
	s8 =	sld [smem:$0x3FAE]  }
0x2e: {  	s3 =	simm.s32 @!p0 $0x1082;
	s9 =	sld [smem:$0x3FAF]  }
0x2f: {  	lr =	sadd.s32 s0, s3;
	s0 =	sld [smem:$0x3FA6]  }
0x30: {  	s3 =	sld [smem:$0x3FA9]  }
0x31: {  	[smem:$0x3FB2] =	sst s10  }
0x32: {  	s10 =	sld [smem:$0x3FB0];
	_ =	sdelay $0x3  }
0x33: {  	p0 =	seq.s32 s10, $0x1;
	s10 =	sld [smem:$0x3FB2];
	_ =	sdelay $0x3  }
0x34: {  	[smem:$0x3FB2] =	sst s10  }
0x35: {  	s10 =	sld [smem:$0x3FB1];
	_ =	sdelay $0x3  }
0x36: {  	p1 =	seq.s32 s10, $0x1;
	s10 =	sld [smem:$0x3FB2];
	_ =	sdelay $0x3  }
0x37: {  	[smem:$0x3FB2] =	sst s10  }
0x38: {  	s10 =	sld [smem:$0x3FB3]  }
0x39: {  	_ = 	snop;
	(pc) =	sbr.ind lr, $3  }
0x3a: {  	_ = 	snop  }
0x3b: {  	_ = 	snop  }
0x3c: {  	p2 =	seq.s32 s10, $0x1;
	s10 =	sld [smem:$0x3FB2]  }
0x3d: {  	_ =	shalt  }
0x3e: {  	_ =	shalt  }
0x3f: {  	_ =	shalt  }
0x40: {  	_ =	shalt  }
0x41: {  	_ =	shalt  }
0x42: {  	_ =	shalt  }
0x43: {  	_ =	shalt  }
0x44: {  	_ =	shalt  }
0x45: {  	_ =	shalt  }
0x46: {  	_ =	shalt  }
0x47: {  	_ =	shalt  }
0x48: {  	_ =	shalt  }
0x49: {  	_ =	shalt  }
0x4a: {  	_ =	shalt  }
0x4b: {  	_ =	shalt  }
0x4c: {  	_ =	shalt  }
0x4d: {  	_ =	shalt  }
0x4e: {  	_ =	shalt  }
0x4f: {  	_ =	shalt  }
0x50: {  	_ =	shalt  }
0x51: {  	_ =	shalt  }
0x52: {  	_ =	shalt  }
0x53: {  	_ =	shalt  }
0x54: {  	_ =	shalt  }
0x55: {  	_ =	shalt  }
0x56: {  	_ =	shalt  }
0x57: {  	_ =	shalt  }
0x58: {  	_ =	shalt  }
0x59: {  	_ =	shalt  }
0x5a: {  	_ =	shalt  }
0x5b: {  	_ =	shalt  }
0x5c: {  	_ =	shalt  }
0x5d: {  	_ =	shalt  }
0x5e: {  	_ =	shalt  }
0x5f: {  	_ =	shalt  }
0x60: {  	_ =	shalt  }
0x61: {  	_ =	shalt  }
0x62: {  	_ =	shalt  }
0x63: {  	_ =	shalt  }
0x64: {  	_ =	shalt  }
0x65: {  	_ =	shalt  }
0x66: {  	_ =	shalt  }
0x67: {  	_ =	shalt  }
0x68: {  	_ =	shalt  }
0x69: {  	_ =	shalt  }
0x6a: {  	_ =	shalt  }
0x6b: {  	_ =	shalt  }
0x6c: {  	_ =	shalt  }
0x6d: {  	_ =	shalt  }
0x6e: {  	_ =	shalt  }
0x6f: {  	_ =	shalt  }
0x70: {  	_ =	shalt  }
0x71: {  	_ =	shalt  }
0x72: {  	_ =	shalt  }
0x73: {  	_ =	shalt  }
0x74: {  	_ =	shalt  }
0x75: {  	_ =	shalt  }
0x76: {  	_ =	shalt  }
0x77: {  	_ =	shalt  }
0x78: {  	_ =	shalt  }
0x79: {  	_ =	shalt  }
0x7a: {  	_ =	shalt  }
0x7b: {  	_ =	shalt  }
0x7c: {  	_ =	shalt  }
0x7d: {  	_ =	shalt  }
0x7e: {  	_ =	shalt  }
0x7f: {  	_ =	shalt  }
0x80: {  	_ =	shalt  }
0x81: {  	_ =	shalt  }
0x82: {  	_ =	shalt  }
0x83: {  	_ =	shalt  }
0x84: {  	_ =	shalt  }
0x85: {  	_ =	shalt  }
0x86: {  	_ =	shalt  }
0x87: {  	_ =	shalt  }
.Lfunc_end0:
.L_simem_size_0:
called_computation_lowered:
.L_overlay_start_0:
0x88: {  	s2 =	sld [smem:$0x3FD9]  }
0x89: {  	s3 =	sld [smem:$0x3FFE];
	_ =	sdelay $0x1  }
0x8a: {  	s1 =	srdreg.scid  }
0x8b: {  	s0 =	sand.u32 $0x1, s1  }
0x8c: {  	s17 =	sshll.u32 s0, $0xA;
	s2 =	sadd.s32 s3, s2  }
0x8d: {  	s2 =	sadd.s32 s2, s17  }
0x8e: {  	[smem:$0x3FBE] =	sst s2  }
0x8f: {  	_ = 	snop  }
0x90: {  	s2 =	sld [smem:$0x3FD0];
	(tm) =	ssettm $0x1  }
0x91: {  	s18 =	sld [smem:$0x3FFB];
	_ =	sdelay $0x3  }
0x92: {  	_ =	strace s18  }
0x93: {  	s3 =	sld [smem:$0x3FFC];
	_ =	sdelay $0x3  }
0x94: {  	_ =	strace s3  }
0x95: {  	s3 =	sld [smem:$0x3FFD];
	_ =	sdelay $0x3  }
0x96: {  	_ =	strace s3  }
0x97: {  	_ =	strace $0x8FFFFFFF  }
0x98: {  	s19 =	sld [smem:$0x3FDB];
	_ =	sdelay $0x1  }
0x99: {  	s4 =	simm.s32 $_scs_section_size  }
0x9a: {  	s5 =	simm.s32 $_size__tile_overlayer_lowered;
	s6 =	simm.s32 $_tile_overlayer_lowered  }
0x9b: {  	s22 =	simm.s32 $0x1BFF;
	s21 =	sshll.u32 s6, $0x1;
	s3 =	sadd.s32 s4, s19  }
0x9c: {  	s7 =	simm.s32 $0x0;
	s20 =	sshll.u32 s5, $0x1;
	s5 =	sadd.s32 s21, s3  }
0x9d: {  	[timem:s7], [sflag:s22] =	dma.local [hbm:s5], s20  }
0x9e: {  	_ =	swait.ge [sflag:s22], s20  }
0x9f: {  	s4 =	ssub.s32 $0x0, s20;
	[sflag:s22] =	ssyncset.done $0x0  }
0xa0: {  	[sflag:s22] =	ssyncadd.s32 s4;
	_ =	sdelay $0x1  }
0xa1: {  	s23 =	simm.s32 $0x1B8B  }
0xa2: {  	_ =	swait.ge [sflag:s23], $0x1  }
0xa3: {  	[sflag:s23] =	ssyncset.done $0x0  }
0xa4: {  	s25 =	simm.s32 $0x1B8E;
	s24 =	sld [smem:$0x3FFE];
	[sflag:s23] =	ssyncadd.s32 $0xFFFFFFFF  }
0xa5: {  	s26 =	simm.s32 $execute0_lowered;
	[smem:$0x3FD2] =	sst s25  }
0xa6: {  	s5 =	sshll.u32 s26, $0x1;
	_ =	strace $0x80000046;
	[dreg:$0x1] =	wrdreg $0xFFFFFFFF  }
0xa7: {  	s28 =	simm.s32 $_size_execute0_lowered;
	s3 =	sadd.s32 s3, s5;
	[dreg:$0x0] =	wrdreg $0x0  }
0xa8: {  	s5 =	sshll.u32 s28, $0x1;
	[dreg:$0x2] =	wrdreg s3  }
0xa9: {  	[dreg:$0x3] =	wrdreg s5  }
0xaa: {  	[dreg:$0x4] =	wrdreg $0xC0  }
0xab: {  	_ =	task [dreg:s7], $0x5FFFF  }
0xac: {  	[dreg:$0x1] =	wrdreg $0xFFFFFFFF  }
0xad: {  	[dreg:$0x0] =	wrdreg $0x60  }
0xae: {  	[dreg:$0x2] =	wrdreg s24  }
0xaf: {  	[dreg:$0x3] =	wrdreg s2  }
0xb0: {  	[dreg:$0x4] =	wrdreg $0x9  }
0xb1: {  	_ =	task.clear_ibuf [dreg:s7], $0x5FFFF;
	_ =	strace $0x90000046  }
0xb2: {  	s29 =	simm.s32 $0x9;
	_ =	strace $0x80000048  }
0xb3: {  	_ =	swait.ge [sflag:s29], $0x1  }
0xb4: {  	[sflag:s29] =	ssyncadd.s32 $0xFFFFFFFF  }
0xb5: {  	_ =	strace $0x90000048  }
0xb6: {  	_ =	sfence  }
0xb7: {  	s30 =	sld [smem:$0x0];
	_ =	sdelay $0x2  }
0xb8: {  	s31 =	sshll.u32 s1, $0xD;
	s1 =	sshrl.u32 s1, $0x2  }
0xb9: {  	s3 =	sand.u32 $0x4000, s31;
	s1 =	sadd.s32 s1, s30  }
0xba: {  	s0 =	sor.u32 s3, s0;
	s1 =	sshll.u32 s1, $0x11  }
0xbb: {  	s0 =	sor.u32 s1, s0  }
0xbc: {  	s0 =	sadd.s32 $0x8F2B, s0  }
0xbd: {  	[sflag:s0] =	ssyncadd.remote.s32 $0x1  }
0xbe: {  	_ =	sfence.sel $0xFFFF  }
0xbf: {  	[dreg:$0x0] =	wrdreg $0xFFFFFFFF;
	(pc) =	sbr.abs _section_cstart, $3  }
0xc0: {  	[dreg:$0x1] =	wrdreg $0xFFFFFFFF  }
0xc1: {  	_ =	task.clear_ibuf [dreg:s7], $0x2FFFF;
	_ =	strace $0x9FFFFFFF  }
0xc2: {  	(tm) =	ssettm $0x7FFFFFFF  }
0xc3: {  	_ =	shalt  }
tec
execute0_lowered:
.L_overlay_start_1:
0x0: {  	(tag) =	ssettag $0x1  }
0x1: {  	s3 =	rddreg [dreg:$0x0]  }
0x2: {  	s4 =	rddreg [dreg:$0x1]  }
0x3: {  	s0 =	rddreg [dreg:$0x2];
	s2 =	simm.s32 $0x0;
	s5 =	srdreg.scid  }
0x4: {  	s1 =	stileid.u32;
	s10 =	simm.s32 $0x0;
	s5 =	sand.u32 $0x1, s5  }
0x5: {  	s6 =	sshrl.u32 s1, $0x2;
	s7 =	sshll.u32 s1, $0x8;
	[smem:$0x7FF] =	sst s2  }
0x6: {  	s8 =	sshll.u32 s5, $0x7;
	s7 =	sand.u32 $0x300, s7;
	s9 =	smul.u32 $0x13C00, s6  }
0x7: {  	s6 =	smul.u32 $0x14000, s6;
	s5 =	ssub.s32 $0x2, s5;
	s7 =	sor.u32 s8, s7  }
0x8: {  	_ =	strace $0x80000047;
	s31 =	sshrl.u32 s5, $0x1;
	s8 =	sor.u32 s9, s7  }
0x9: {  	s6 =	sor.u32 s6, s7;
	s5 =	ssub.s32 s5, s31;
	s7 =	simm.s32 $0x400  }
0xa: {  	s9 =	simm.s32 $0x2780;
	s8 =	sshrl.u32 s8, $0x3;
	s6 =	sshrl.u32 s6, $0x3  }
0xb: {  	s5 =	smax.u32 s5, $0x1;
	s3 =	sadd.s32 s8, s3;
	s4 =	sadd.s32 s4, s6  }
0xc: {  	v0 =	vimm.f32 $0.0e+00;
	v1 =	vimm.f32 $1.000000000e+00;
	s6 =	simm.s32 $0x80;
	s8 =	simm.s32 $0x1;
	s3 =	sadd.s32 $0x2200, s3  }
.LBB2_1:
0xd: {  	[tilespmem:s2], [sflag:$0x1] =	stream.strided.gather [hbm4b:s3+s6], $0x2780, s7, s6, $0x38;
	[tilespmem:$0x4F80] =	vst v63  }
0xe: {  	_ =	swait.ge [sflag:s8], $0x2780  }
0xf: {  	[sflag:s8] =	ssyncset.done $0x0  }
0x10: {  	s11 =	simm.s32 $0x0;
	[sflag:s8] =	ssyncadd.s32 $0xFFFFD880  }
.LBB2_2:
0x11: {  	p0 =	sne.s32 s11, $0x9FC0  }
.Ltmp0:
0x12: {  	_ = 	snop;
	(pc) =	sbr.rel @p0 .LBB2_2-.Ltmp0, $3  }
0x13: {  	_ =	sdelay $0x1  }
0x14: {  	s12 =	sshra.s32 s11, $0x2  }
0x15: {  	s11 =	sadd.s32 $0x40, s11;
	[tilespmem:s12+$0x2780] =	vst v0  }
0x16: {  	s12 =	simm.s32 $0x0;
	s11 =	simm.s32 $0x40  }
.LBB2_4:
0x17: {  	p0 =	sne.s32 s11, $0x9C00;
	v2 =	vld [tilespmem:s12+$0x0];
	_ =	sdelay $0x3  }
.Ltmp1:
0x18: {  	(pc) =	sbr.rel @p0 .LBB2_4-.Ltmp1, $2  }
0x19: {  	_ =	sdelay $0x2  }
0x1a: {  	s12 =	sshra.s32 s11, $0x2;
	s11 =	sadd.s32 $0x40, s11;
	[tilespmem:v2+s9+$0x0] =	vst.idx.add.f32.msk $0xffff, v1  }
0x1b: {  	v2 =	vld [tilespmem:s12+$0x0];
	_ =	sdelay $0x5  }
0x1c: {  	s10 =	sadd.s32 $0x1, s10  }
0x1d: {  	p0 =	sne.s32 s10, s5  }
.Ltmp2:
0x1e: {  	[tilespmem:v2+s9+$0x0] =	vst.idx.add.f32.msk $0xffff, v1;
	(pc) =	sbr.rel @p0 .LBB2_1-.Ltmp2, $4  }
0x1f: {  	[hbm4b:s4+s6] =	stream.strided.scatter [tilespmem:s9], [sflag:$0x1], $0x2800, s7, s6, $0x38;
	[tilespmem:$0x4F80] =	vst v63  }
0x20: {  	_ =	swait.ge [sflag:s8], $0x2800  }
0x21: {  	[sflag:s8] =	ssyncset.done $0x0  }
0x22: {  	[sflag:s8] =	ssyncadd.s32 $0xFFFFD800  }
0x23: {  	_ =	sfence.sel $0x180000  }
0x24: {  	[bflag:$0x0] =	sbarrier.arrive $0xFFFF  }
0x25: {  	p0 =	sne.s32 s1, $0x0;
	_ =	strace $0x90000047  }
0x26: {  	s0 =	sadd.s32 @!p0 $0x100000, s0;
	[bflag:$0x2] =	sbarrier.arrive $0xFFFF  }
0x27: {  	[sflag:s0] =	ssyncadd.tile.s32 @!p0 $0x1;
	_ =	shalt  }
.Lfunc_end2:
_tile_overlayer_lowered:
.L_overlay_start_2:
0x28: {  	(tag) =	ssettag $0x2  }
0x29: {  	s0 =	rddreg [dreg:$0x0];
	s2 =	stileid.u32  }
0x2a: {  	s1 =	rddreg [dreg:$0x1];
	p0 =	sne.s32 s2, $0x0  }
0x2b: {  	s3 =	rddreg [dreg:$0x2];
	[bflag:$0x3] =	sbarrier.arrive $0xFFFF;
	s2 =	simm.s32 @!p0 $0x1C01  }
0x2c: {  	[timem:s3], [sflag:s2] =	dma.local @!p0 [hbm:s0], s1  }
0x2d: {  	s0 =	simm.s32 @!p0 $0x1  }
0x2e: {  	_ =	swait.ge @!p0 [sflag:s0], s1  }
0x2f: {  	s1 =	ssub.s32 @!p0 $0x0, s1;
	[sflag:s0] =	ssyncset.done @!p0 $0x0  }
0x30: {  	[sflag:s0] =	ssyncadd.s32 @!p0 s1  }
0x31: {  	[bflag:$0x3] =	sbarrier.arrive $0xFFFF  }
0x32: {  	_ =	shalt  }

</sc_bundles>
